<compile_context>
chip_gen: v7x
topology: tpu7x:2x2x1
jax: 0.10.2.dev20260603
libtpu: 0.0.44.dev20260713+nightly
codegen_flags: <defaults>
</compile_context>

<pallas_src>
import functools

import jax
import jax.numpy as jnp
from jax import lax
from jax.experimental import pallas as pl
from jax.experimental.pallas import tpu as pltpu
from jax.experimental.pallas import tpu_sc as plsc

_NC = 2
_NS = 16
_NW = _NC * _NS
_R = 65536
_CH = 128


def _tp_body(x_ref, o_ref):
    x = x_ref[...]
    r4 = _R // 4
    xr = jnp.concatenate([x[:, u * r4:(u + 1) * r4] for u in range(4)], axis=0)
    o_ref[...] = xr.T


def _transpose_pack(tableT):
    K, N = tableT.shape
    G = (N + _R - 1) // _R
    return pl.pallas_call(
        _tp_body,
        grid=(G,),
        in_specs=[pl.BlockSpec((K, _R), lambda i: (0, i))],
        out_specs=pl.BlockSpec((_R // 4, 4 * K), lambda i: (i, 0)),
        out_shape=jax.ShapeDtypeStruct((G * (_R // 4), 4 * K), jnp.float32),
    )(tableT)


def _sc_gather(packed_u, packed_m, idx_flat, nf, bpw):
    nch = nf * bpw // _CH
    nch_f = bpw // _CH
    mesh = plsc.VectorSubcoreMesh(core_axis_name="c", subcore_axis_name="s")

    @functools.partial(
        pl.kernel,
        out_type=jax.ShapeDtypeStruct((_NW * nch, _CH, 128), jnp.float32),
        mesh=mesh,
        scratch_types=[
            pltpu.VMEM((nch, _CH), jnp.int32),
            pltpu.VMEM((6, _CH, 128), jnp.float32),
            pltpu.SemaphoreType.DMA,
            pltpu.SemaphoreType.DMA,
        ],
        compiler_params=pltpu.CompilerParams(use_tc_tiling_on_sc=True),
    )
    def run(pu, pm, idx_hbm, out_hbm, idx_v, rows_v, sem_g, sem_w):
        wid = lax.axis_index("s") * _NC + lax.axis_index("c")
        pltpu.sync_copy(idx_hbm.at[pl.ds(wid * nch, nch)], idx_v)
        gc, wc = [None] * nch, [None] * nch

        def fire(c):
            table = pm if c // nch_f == nf - 1 else pu
            gc[c] = pltpu.async_copy(
                table.at[idx_v.at[c]], rows_v.at[c % 6], sem_g
            )

        for c in range(6):
            fire(c)
        for c in range(nch):
            gc[c].wait()
            wc[c] = pltpu.async_copy(
                rows_v.at[c % 6], out_hbm.at[wid * nch + c], sem_w
            )
            if c + 6 < nch:
                wc[c].wait()
                fire(c + 6)
        for c in range(nch - 6, nch):
            wc[c].wait()

    return run(packed_u, packed_m, idx_flat)


def _tc_body(v_ref, sel_ref, wbd_ref, bcat_ref, hbd_ref, pbd_ref, o_ref, *, pairs, nf):
    vv = v_ref[0]
    sel = sel_ref[0]
    lane_div = lax.broadcasted_iota(jnp.int32, vv[0].shape, 1) // 32
    fields = []
    for f in range(nf):
        masked = jnp.where(lane_div == sel[f][:, None], vv[f], 0.0)
        acc = (
            (masked[:, 0:32] + masked[:, 32:64])
            + (masked[:, 64:96] + masked[:, 96:128])
        )
        fields.append(acc)
    prods = [fields[i] * fields[j] for (i, j) in pairs]
    p1 = jnp.concatenate(prods[:8], axis=-1).astype(jnp.bfloat16)
    p2 = jnp.concatenate(
        prods[8:] + [jnp.zeros_like(prods[0])], axis=-1
    ).astype(jnp.bfloat16)
    wbd = wbd_ref[...]
    bcat = bcat_ref[...]
    a1 = jnp.maximum(jnp.dot(p1, wbd, preferred_element_type=jnp.float32) + bcat, 0.0)
    a2 = jnp.maximum(jnp.dot(p2, wbd, preferred_element_type=jnp.float32) + bcat, 0.0)
    hbd = hbd_ref[...]
    pbd = pbd_ref[...]
    e1 = jnp.dot(a1.astype(jnp.bfloat16), hbd, preferred_element_type=jnp.float32)
    e2 = jnp.dot(a2.astype(jnp.bfloat16), hbd, preferred_element_type=jnp.float32)
    s1 = jnp.dot(p1, pbd, preferred_element_type=jnp.float32)
    s2 = jnp.dot(p2, pbd, preferred_element_type=jnp.float32)
    e = jnp.concatenate([e1, e2], axis=-1)
    s = jnp.concatenate([s1, s2], axis=-1)
    lane = lax.broadcasted_iota(jnp.int32, e.shape, 1)
    e = jnp.where(lane >= 15, -1e30, e)
    m = jnp.max(e, axis=-1, keepdims=True)
    w = jnp.exp(e - m)
    num = jnp.sum(w * s, axis=-1)
    den = jnp.sum(w, axis=-1)
    o_ref[...] = (num / den)[None, None, :]


def kernel(users, movies, gens, emb_user, emb_movie, emb_genere, W_lin, b_lin, h_att, p_out):
    del emb_genere
    B = users.shape[0]
    K = emb_user.shape[1]
    G = gens.shape[1]
    nf = 2 + G
    bpw = B // _NW
    assert B % (_NW * _CH) == 0 and K == 32

    packed_u = _transpose_pack(emb_user.T)
    packed_m = _transpose_pack(emb_movie.T)

    idx_arr = jnp.concatenate(
        [users[None, :], gens.T, movies[None, :]], axis=0
    ).astype(jnp.int32)
    r4 = _R // 4
    rows6 = (idx_arr // _R) * r4 + idx_arr % r4
    sel6 = (idx_arr % _R) // r4
    roww = rows6.reshape(nf, _NW, bpw).transpose(1, 0, 2)
    idx_flat = roww.reshape(_NW * nf * bpw // _CH, _CH)
    selw = sel6.reshape(nf, _NW, bpw).transpose(1, 0, 2)

    rows = _sc_gather(packed_u, packed_m, idx_flat, nf, bpw)
    v4 = rows.reshape(_NW, nf, bpw, 128)

    remap = [0, 5, 1, 2, 3, 4]
    pairs = [(remap[i], remap[j]) for i in range(nf) for j in range(i + 1, nf)]

    eye8 = jnp.eye(8, dtype=jnp.float32)
    wbd = jnp.kron(eye8, W_lin.T).astype(jnp.bfloat16)
    bcat = jnp.tile(b_lin, 8)[None, :]
    hbd = jnp.kron(eye8, h_att).astype(jnp.bfloat16)
    pbd = jnp.kron(eye8, p_out).astype(jnp.bfloat16)

    out = pl.pallas_call(
        functools.partial(_tc_body, pairs=pairs, nf=nf),
        grid=(_NW,),
        in_specs=[
            pl.BlockSpec((1, nf, bpw, 128), lambda i: (i, 0, 0, 0)),
            pl.BlockSpec((1, nf, bpw), lambda i: (i, 0, 0)),
            pl.BlockSpec((256, 256), lambda i: (0, 0)),
            pl.BlockSpec((1, 256), lambda i: (0, 0)),
            pl.BlockSpec((256, 8), lambda i: (0, 0)),
            pl.BlockSpec((256, 8), lambda i: (0, 0)),
        ],
        out_specs=pl.BlockSpec((1, 1, bpw), lambda i: (i, 0, 0)),
        out_shape=jax.ShapeDtypeStruct((_NW, 1, bpw), jnp.float32),
    )(v4, selw, wbd, bcat, hbd, pbd)
    return out.reshape(B)

# --- scband reference (transcript-rebuilt; emitter-appended) ---
"""Pipeline reference for scband-attention-second-order-70720931496687 (READ-ONLY COPY).

The authoritative reference and input builder live on the scoring server;
editing this copy changes nothing except your own understanding.
"""

import jax, jax.numpy as jnp
import numpy as np

B = 16384
K = 32
T = 32
N_USERS = 1000000
N_MOVIES = 100000
N_GENERES = 26
G = 4


def setup_inputs(seed: int = 0) -> dict:
    key = jax.random.key(seed)
    ks = jax.random.split(key, 10)
    users = jax.random.randint(ks[0], (B,), 0, N_USERS, dtype=jnp.int64) if jax.config.jax_enable_x64 else jax.random.randint(ks[0], (B,), 0, N_USERS).astype(jnp.int32)
    movies = jax.random.randint(ks[1], (B,), 0, N_MOVIES).astype(jnp.int32)
    gens = jax.random.randint(ks[2], (B, G), 0, N_USERS).astype(jnp.int32)
    emb_user = jax.random.normal(ks[3], (N_USERS, K), dtype=jnp.float32) * 0.05
    emb_movie = jax.random.normal(ks[4], (N_MOVIES, K), dtype=jnp.float32) * 0.05
    emb_genere = jax.random.normal(ks[5], (N_GENERES + 1, K), dtype=jnp.float32) * 0.05
    emb_genere = emb_genere.at[0].set(0.0)  # padding_idx=0
    W_lin = jax.random.normal(ks[6], (T, K), dtype=jnp.float32) * (1.0 / np.sqrt(K))
    b_lin = jnp.zeros((T,), dtype=jnp.float32)
    h_att = jax.random.uniform(ks[7], (T, 1), dtype=jnp.float32)
    p_out = jax.random.uniform(ks[8], (K, 1), dtype=jnp.float32)
    return {
        'users': users.astype(jnp.int32),
        'movies': movies,
        'gens': gens,
        'emb_user': emb_user,
        'emb_movie': emb_movie,
        'emb_genere': emb_genere,
        'W_lin': W_lin,
        'b_lin': b_lin,
        'h_att': h_att,
        'p_out': p_out,
    }


def reference(users, movies, gens, emb_user, emb_movie, emb_genere, W_lin, b_lin, h_att, p_out):
    # _get_stacked_embedded (note: original code looks up gens in emb_user -- kept faithful)
    v_u = jnp.take(emb_user, users, axis=0)[:, None, :]      # (B, 1, K)
    v_i = jnp.take(emb_movie, movies, axis=0)[:, None, :]    # (B, 1, K)
    v_g = jnp.take(emb_user, gens, axis=0)                   # (B, G, K)
    v = jnp.concatenate([v_u, v_i, v_g], axis=1)             # (B, 2+G, K)
    nf = v.shape[1]
    e = []
    sumatori = []
    for i in range(nf):
        for j in range(i + 1, nf):
            elem_wise = v[:, i] * v[:, j]                    # (B, K)
            att = jnp.maximum(elem_wise @ W_lin.T + b_lin, 0.0) @ h_att  # (B, 1)
            e.append(att)
            sumatori.append(elem_wise)
    alphas = jax.nn.softmax(jnp.concatenate(e, axis=-1), axis=1)  # (B, n_pairs)
    ret = jnp.zeros((v.shape[0], v.shape[-1]), dtype=v.dtype)
    for idx in range(len(sumatori)):
        ret = ret + alphas[:, idx:idx + 1] * sumatori[idx]
    return jnp.squeeze(ret @ p_out)                          # (B,)

if __name__ == "__main__":
    import jax
    _d = setup_inputs()
    print(jax.jit(kernel)(*tuple(_d.values())))

</pallas_src>

<mosaic_0001>
#map = affine_map<(d0, d1) -> (0, 0)>
#map1 = affine_map<(d0, d1) -> (0, 0, 0)>
module attributes {stable_mosaic.version = 14 : i64} {
  func.func @run(%arg0: i32, %arg1: i32, %arg2: memref<262144x128xf32, #tpu.memory_space<hbm>>, %arg3: memref<32768x128xf32, #tpu.memory_space<hbm>>, %arg4: memref<768x128xi32, #tpu.memory_space<hbm>>, %arg5: memref<768x128x128xf32, #tpu.memory_space<hbm>>, %arg6: memref<24x128xi32, #tpu.memory_space<vmem>>, %arg7: memref<6x128x128xf32, #tpu.memory_space<vmem>>, %arg8: memref<!tpu.dma_semaphore, #tpu.memory_space<semaphore_mem>>, %arg9: memref<!tpu.dma_semaphore, #tpu.memory_space<semaphore_mem>>) attributes {dimension_semantics = [#tpu.dimension_semantics<core_parallel>, #tpu.dimension_semantics<subcore_parallel>], iteration_bounds = array<i64: 2, 16>, scalar_prefetch = 0 : i64, scratch_operands = 4 : i64, tpu.core_type = #tpu.core_type<sc_vector_subcore>, window_params = [{transform_indices = #map}, {transform_indices = #map}, {transform_indices = #map}, {transform_indices = #map1}]} {
    %mul3A = arith.constant 2 : i32
    %mul3A_0 = arith.muli %arg1, %mul3A : i32
    %add3A = arith.addi %mul3A_0, %arg0 : i32
    %mul3A_1 = arith.constant 24 : i32
    %mul3A_2 = arith.muli %add3A, %mul3A_1 : i32
    "tpu.region"() ({
      %run_scoped3A = tpu.sem_alloc : memref<!tpu.dma_semaphore, #tpu.memory_space<semaphore_mem>>
      %dma_start3A_1489 = arith.constant 0 : i32
      %dma_start3A_1490 = tpu.memref_slice %arg4[%mul3A_2, %dma_start3A_1489] : memref<768x128xi32, #tpu.memory_space<hbm>> -> memref<24x128xi32, #tpu.memory_space<hbm>>
      %dma_start3A_1491 = arith.constant 0 : i32
      %dma_start3A_1492 = tpu.memref_slice %arg4[%mul3A_2, %dma_start3A_1491] : memref<768x128xi32, #tpu.memory_space<hbm>> -> memref<24x128xi32, #tpu.memory_space<hbm>>
      tpu.enqueue_dma source(%dma_start3A_1492 : memref<24x128xi32, #tpu.memory_space<hbm>>) target(%arg6 : memref<24x128xi32, #tpu.memory_space<vmem>>) target_semaphore(%run_scoped3A : memref<!tpu.dma_semaphore, #tpu.memory_space<semaphore_mem>>)
      %dma_wait3A_1493 = arith.constant 0 : i32
      %dma_wait3A_1494 = tpu.memref_slice %arg4[%mul3A_2, %dma_wait3A_1493] : memref<768x128xi32, #tpu.memory_space<hbm>> -> memref<24x128xi32, #tpu.memory_space<hbm>>
      %dma_wait3A_1495 = arith.constant 0 : i32
      %dma_wait3A_1496 = tpu.memref_slice %arg4[%mul3A_2, %dma_wait3A_1495] : memref<768x128xi32, #tpu.memory_space<hbm>> -> memref<24x128xi32, #tpu.memory_space<hbm>>
      tpu.wait_dma2 semaphore(%run_scoped3A : memref<!tpu.dma_semaphore, #tpu.memory_space<semaphore_mem>>) src(%dma_wait3A_1496 : memref<24x128xi32, #tpu.memory_space<hbm>>) dst(%arg6 : memref<24x128xi32, #tpu.memory_space<vmem>>)
      tpu.yield
    }) : () -> ()
    %dma_start3A = arith.constant 0 : i32
    %dma_start3A_3 = arith.constant 0 : i32
    %dma_start3A_4 = arith.constant 0 : i32
    %dma_start3A_5 = arith.constant 0 : i32
    %dma_start3A_6 = tpu.memref_slice %arg7[%dma_start3A_3, %dma_start3A_4, %dma_start3A_5] : memref<6x128x128xf32, #tpu.memory_space<vmem>> -> memref<1x128x128xf32, #tpu.memory_space<vmem>>
    %dma_start3A_7 = tpu.memref_squeeze %dma_start3A_6 : memref<1x128x128xf32, #tpu.memory_space<vmem>> -> memref<128x128xf32, #tpu.memory_space<vmem>>
    %dma_start3A_8 = arith.constant 0 : i32
    %dma_start3A_9 = tpu.memref_slice %arg6[%dma_start3A, %dma_start3A_8] : memref<24x128xi32, #tpu.memory_space<vmem>> -> memref<1x128xi32, #tpu.memory_space<vmem>>
    %dma_start3A_10 = tpu.memref_squeeze %dma_start3A_9 : memref<1x128xi32, #tpu.memory_space<vmem>> -> memref<128xi32, #tpu.memory_space<vmem>>
    %dma_start3A_11 = arith.constant 0 : i32
    %dma_start3A_12 = arith.constant 0 : i32
    %dma_start3A_13 = tpu.memref_slice %arg2[%dma_start3A_11, %dma_start3A_12] : memref<262144x128xf32, #tpu.memory_space<hbm>> -> memref<262144x128xf32, #tpu.memory_space<hbm>>
    tpu.enqueue_indirect_dma source(%dma_start3A_13 : memref<262144x128xf32, #tpu.memory_space<hbm>>) target(%dma_start3A_7 : memref<128x128xf32, #tpu.memory_space<vmem>>) offsets(%dma_start3A_10 : memref<128xi32, #tpu.memory_space<vmem>>) semaphore(%arg8 : memref<!tpu.dma_semaphore, #tpu.memory_space<semaphore_mem>>)
    %dma_start3A_14 = arith.constant 1 : i32
    %dma_start3A_15 = arith.constant 1 : i32
    %dma_start3A_16 = arith.constant 0 : i32
    %dma_start3A_17 = arith.constant 0 : i32
    %dma_start3A_18 = tpu.memref_slice %arg7[%dma_start3A_15, %dma_start3A_16, %dma_start3A_17] : memref<6x128x128xf32, #tpu.memory_space<vmem>> -> memref<1x128x128xf32, #tpu.memory_space<vmem>>
    %dma_start3A_19 = tpu.memref_squeeze %dma_start3A_18 : memref<1x128x128xf32, #tpu.memory_space<vmem>> -> memref<128x128xf32, #tpu.memory_space<vmem>>
    %dma_start3A_20 = arith.constant 0 : i32
    %dma_start3A_21 = tpu.memref_slice %arg6[%dma_start3A_14, %dma_start3A_20] : memref<24x128xi32, #tpu.memory_space<vmem>> -> memref<1x128xi32, #tpu.memory_space<vmem>>
    %dma_start3A_22 = tpu.memref_squeeze %dma_start3A_21 : memref<1x128xi32, #tpu.memory_space<vmem>> -> memref<128xi32, #tpu.memory_space<vmem>>
    %dma_start3A_23 = arith.constant 0 : i32
    %dma_start3A_24 = arith.constant 0 : i32
    %dma_start3A_25 = tpu.memref_slice %arg2[%dma_start3A_23, %dma_start3A_24] : memref<262144x128xf32, #tpu.memory_space<hbm>> -> memref<262144x128xf32, #tpu.memory_space<hbm>>
    tpu.enqueue_indirect_dma source(%dma_start3A_25 : memref<262144x128xf32, #tpu.memory_space<hbm>>) target(%dma_start3A_19 : memref<128x128xf32, #tpu.memory_space<vmem>>) offsets(%dma_start3A_22 : memref<128xi32, #tpu.memory_space<vmem>>) semaphore(%arg8 : memref<!tpu.dma_semaphore, #tpu.memory_space<semaphore_mem>>)
    %dma_start3A_26 = arith.constant 2 : i32
    %dma_start3A_27 = arith.constant 2 : i32
    %dma_start3A_28 = arith.constant 0 : i32
    %dma_start3A_29 = arith.constant 0 : i32
    %dma_start3A_30 = tpu.memref_slice %arg7[%dma_start3A_27, %dma_start3A_28, %dma_start3A_29] : memref<6x128x128xf32, #tpu.memory_space<vmem>> -> memref<1x128x128xf32, #tpu.memory_space<vmem>>
    %dma_start3A_31 = tpu.memref_squeeze %dma_start3A_30 : memref<1x128x128xf32, #tpu.memory_space<vmem>> -> memref<128x128xf32, #tpu.memory_space<vmem>>
    %dma_start3A_32 = arith.constant 0 : i32
    %dma_start3A_33 = tpu.memref_slice %arg6[%dma_start3A_26, %dma_start3A_32] : memref<24x128xi32, #tpu.memory_space<vmem>> -> memref<1x128xi32, #tpu.memory_space<vmem>>
    %dma_start3A_34 = tpu.memref_squeeze %dma_start3A_33 : memref<1x128xi32, #tpu.memory_space<vmem>> -> memref<128xi32, #tpu.memory_space<vmem>>
    %dma_start3A_35 = arith.constant 0 : i32
    %dma_start3A_36 = arith.constant 0 : i32
    %dma_start3A_37 = tpu.memref_slice %arg2[%dma_start3A_35, %dma_start3A_36] : memref<262144x128xf32, #tpu.memory_space<hbm>> -> memref<262144x128xf32, #tpu.memory_space<hbm>>
    tpu.enqueue_indirect_dma source(%dma_start3A_37 : memref<262144x128xf32, #tpu.memory_space<hbm>>) target(%dma_start3A_31 : memref<128x128xf32, #tpu.memory_space<vmem>>) offsets(%dma_start3A_34 : memref<128xi32, #tpu.memory_space<vmem>>) semaphore(%arg8 : memref<!tpu.dma_semaphore, #tpu.memory_space<semaphore_mem>>)
    %dma_start3A_38 = arith.constant 3 : i32
    %dma_start3A_39 = arith.constant 3 : i32
    %dma_start3A_40 = arith.constant 0 : i32
    %dma_start3A_41 = arith.constant 0 : i32
    %dma_start3A_42 = tpu.memref_slice %arg7[%dma_start3A_39, %dma_start3A_40, %dma_start3A_41] : memref<6x128x128xf32, #tpu.memory_space<vmem>> -> memref<1x128x128xf32, #tpu.memory_space<vmem>>
    %dma_start3A_43 = tpu.memref_squeeze %dma_start3A_42 : memref<1x128x128xf32, #tpu.memory_space<vmem>> -> memref<128x128xf32, #tpu.memory_space<vmem>>
    %dma_start3A_44 = arith.constant 0 : i32
    %dma_start3A_45 = tpu.memref_slice %arg6[%dma_start3A_38, %dma_start3A_44] : memref<24x128xi32, #tpu.memory_space<vmem>> -> memref<1x128xi32, #tpu.memory_space<vmem>>
    %dma_start3A_46 = tpu.memref_squeeze %dma_start3A_45 : memref<1x128xi32, #tpu.memory_space<vmem>> -> memref<128xi32, #tpu.memory_space<vmem>>
    %dma_start3A_47 = arith.constant 0 : i32
    %dma_start3A_48 = arith.constant 0 : i32
    %dma_start3A_49 = tpu.memref_slice %arg2[%dma_start3A_47, %dma_start3A_48] : memref<262144x128xf32, #tpu.memory_space<hbm>> -> memref<262144x128xf32, #tpu.memory_space<hbm>>
    tpu.enqueue_indirect_dma source(%dma_start3A_49 : memref<262144x128xf32, #tpu.memory_space<hbm>>) target(%dma_start3A_43 : memref<128x128xf32, #tpu.memory_space<vmem>>) offsets(%dma_start3A_46 : memref<128xi32, #tpu.memory_space<vmem>>) semaphore(%arg8 : memref<!tpu.dma_semaphore, #tpu.memory_space<semaphore_mem>>)
    %dma_start3A_50 = arith.constant 4 : i32
    %dma_start3A_51 = arith.constant 4 : i32
    %dma_start3A_52 = arith.constant 0 : i32
    %dma_start3A_53 = arith.constant 0 : i32
    %dma_start3A_54 = tpu.memref_slice %arg7[%dma_start3A_51, %dma_start3A_52, %dma_start3A_53] : memref<6x128x128xf32, #tpu.memory_space<vmem>> -> memref<1x128x128xf32, #tpu.memory_space<vmem>>
    %dma_start3A_55 = tpu.memref_squeeze %dma_start3A_54 : memref<1x128x128xf32, #tpu.memory_space<vmem>> -> memref<128x128xf32, #tpu.memory_space<vmem>>
    %dma_start3A_56 = arith.constant 0 : i32
    %dma_start3A_57 = tpu.memref_slice %arg6[%dma_start3A_50, %dma_start3A_56] : memref<24x128xi32, #tpu.memory_space<vmem>> -> memref<1x128xi32, #tpu.memory_space<vmem>>
    %dma_start3A_58 = tpu.memref_squeeze %dma_start3A_57 : memref<1x128xi32, #tpu.memory_space<vmem>> -> memref<128xi32, #tpu.memory_space<vmem>>
    %dma_start3A_59 = arith.constant 0 : i32
    %dma_start3A_60 = arith.constant 0 : i32
    %dma_start3A_61 = tpu.memref_slice %arg2[%dma_start3A_59, %dma_start3A_60] : memref<262144x128xf32, #tpu.memory_space<hbm>> -> memref<262144x128xf32, #tpu.memory_space<hbm>>
    tpu.enqueue_indirect_dma source(%dma_start3A_61 : memref<262144x128xf32, #tpu.memory_space<hbm>>) target(%dma_start3A_55 : memref<128x128xf32, #tpu.memory_space<vmem>>) offsets(%dma_start3A_58 : memref<128xi32, #tpu.memory_space<vmem>>) semaphore(%arg8 : memref<!tpu.dma_semaphore, #tpu.memory_space<semaphore_mem>>)
    %dma_start3A_62 = arith.constant 5 : i32
    %dma_start3A_63 = arith.constant 5 : i32
    %dma_start3A_64 = arith.constant 0 : i32
    %dma_start3A_65 = arith.constant 0 : i32
    %dma_start3A_66 = tpu.memref_slice %arg7[%dma_start3A_63, %dma_start3A_64, %dma_start3A_65] : memref<6x128x128xf32, #tpu.memory_space<vmem>> -> memref<1x128x128xf32, #tpu.memory_space<vmem>>
    %dma_start3A_67 = tpu.memref_squeeze %dma_start3A_66 : memref<1x128x128xf32, #tpu.memory_space<vmem>> -> memref<128x128xf32, #tpu.memory_space<vmem>>
    %dma_start3A_68 = arith.constant 0 : i32
    %dma_start3A_69 = tpu.memref_slice %arg6[%dma_start3A_62, %dma_start3A_68] : memref<24x128xi32, #tpu.memory_space<vmem>> -> memref<1x128xi32, #tpu.memory_space<vmem>>
    %dma_start3A_70 = tpu.memref_squeeze %dma_start3A_69 : memref<1x128xi32, #tpu.memory_space<vmem>> -> memref<128xi32, #tpu.memory_space<vmem>>
    %dma_start3A_71 = arith.constant 0 : i32
    %dma_start3A_72 = arith.constant 0 : i32
    %dma_start3A_73 = tpu.memref_slice %arg2[%dma_start3A_71, %dma_start3A_72] : memref<262144x128xf32, #tpu.memory_space<hbm>> -> memref<262144x128xf32, #tpu.memory_space<hbm>>
    tpu.enqueue_indirect_dma source(%dma_start3A_73 : memref<262144x128xf32, #tpu.memory_space<hbm>>) target(%dma_start3A_67 : memref<128x128xf32, #tpu.memory_space<vmem>>) offsets(%dma_start3A_70 : memref<128xi32, #tpu.memory_space<vmem>>) semaphore(%arg8 : memref<!tpu.dma_semaphore, #tpu.memory_space<semaphore_mem>>)
    %dma_wait3A = arith.constant 0 : i32
    %dma_wait3A_74 = arith.constant 0 : i32
    %dma_wait3A_75 = arith.constant 0 : i32
    %dma_wait3A_76 = arith.constant 0 : i32
    %dma_wait3A_77 = tpu.memref_slice %arg7[%dma_wait3A_74, %dma_wait3A_75, %dma_wait3A_76] : memref<6x128x128xf32, #tpu.memory_space<vmem>> -> memref<1x128x128xf32, #tpu.memory_space<vmem>>
    %dma_wait3A_78 = tpu.memref_squeeze %dma_wait3A_77 : memref<1x128x128xf32, #tpu.memory_space<vmem>> -> memref<128x128xf32, #tpu.memory_space<vmem>>
    %dma_wait3A_79 = arith.constant 0 : i32
    %dma_wait3A_80 = tpu.memref_slice %arg6[%dma_wait3A, %dma_wait3A_79] : memref<24x128xi32, #tpu.memory_space<vmem>> -> memref<1x128xi32, #tpu.memory_space<vmem>>
    %dma_wait3A_81 = tpu.memref_squeeze %dma_wait3A_80 : memref<1x128xi32, #tpu.memory_space<vmem>> -> memref<128xi32, #tpu.memory_space<vmem>>
    %dma_wait3A_82 = arith.constant 0 : i32
    %dma_wait3A_83 = arith.constant 0 : i32
    %dma_wait3A_84 = tpu.memref_slice %arg2[%dma_wait3A_82, %dma_wait3A_83] : memref<262144x128xf32, #tpu.memory_space<hbm>> -> memref<262144x128xf32, #tpu.memory_space<hbm>>
    tpu.wait_indirect_dma semaphore(%arg8 : memref<!tpu.dma_semaphore, #tpu.memory_space<semaphore_mem>>) src(%dma_wait3A_84 : memref<262144x128xf32, #tpu.memory_space<hbm>>) dst(%dma_wait3A_78 : memref<128x128xf32, #tpu.memory_space<vmem>>)
    %mul3A_85 = arith.constant 24 : i32
    %mul3A_86 = arith.muli %add3A, %mul3A_85 : i32
    %add3A_87 = arith.constant 0 : i32
    %add3A_88 = arith.addi %mul3A_86, %add3A_87 : i32
    %dma_start3A_89 = arith.constant 0 : i32
    %dma_start3A_90 = arith.constant 0 : i32
    %dma_start3A_91 = arith.constant 0 : i32
    %dma_start3A_92 = tpu.memref_slice %arg7[%dma_start3A_89, %dma_start3A_90, %dma_start3A_91] : memref<6x128x128xf32, #tpu.memory_space<vmem>> -> memref<1x128x128xf32, #tpu.memory_space<vmem>>
    %dma_start3A_93 = tpu.memref_squeeze %dma_start3A_92 : memref<1x128x128xf32, #tpu.memory_space<vmem>> -> memref<128x128xf32, #tpu.memory_space<vmem>>
    %dma_start3A_94 = arith.constant 0 : i32
    %dma_start3A_95 = arith.constant 0 : i32
    %dma_start3A_96 = tpu.memref_slice %arg5[%add3A_88, %dma_start3A_94, %dma_start3A_95] : memref<768x128x128xf32, #tpu.memory_space<hbm>> -> memref<1x128x128xf32, #tpu.memory_space<hbm>>
    %dma_start3A_97 = tpu.memref_squeeze %dma_start3A_96 : memref<1x128x128xf32, #tpu.memory_space<hbm>> -> memref<128x128xf32, #tpu.memory_space<hbm>>
    %dma_start3A_98 = arith.constant 0 : i32
    %dma_start3A_99 = arith.constant 0 : i32
    %dma_start3A_100 = tpu.memref_slice %arg5[%add3A_88, %dma_start3A_98, %dma_start3A_99] : memref<768x128x128xf32, #tpu.memory_space<hbm>> -> memref<1x128x128xf32, #tpu.memory_space<hbm>>
    %dma_start3A_101 = tpu.memref_squeeze %dma_start3A_100 : memref<1x128x128xf32, #tpu.memory_space<hbm>> -> memref<128x128xf32, #tpu.memory_space<hbm>>
    %dma_start3A_102 = arith.constant 0 : i32
    %dma_start3A_103 = arith.constant 0 : i32
    %dma_start3A_104 = tpu.memref_slice %arg7[%dma_start3A_89, %dma_start3A_102, %dma_start3A_103] : memref<6x128x128xf32, #tpu.memory_space<vmem>> -> memref<1x128x128xf32, #tpu.memory_space<vmem>>
    %dma_start3A_105 = tpu.memref_squeeze %dma_start3A_104 : memref<1x128x128xf32, #tpu.memory_space<vmem>> -> memref<128x128xf32, #tpu.memory_space<vmem>>
    tpu.enqueue_dma source(%dma_start3A_105 : memref<128x128xf32, #tpu.memory_space<vmem>>) target(%dma_start3A_101 : memref<128x128xf32, #tpu.memory_space<hbm>>) target_semaphore(%arg9 : memref<!tpu.dma_semaphore, #tpu.memory_space<semaphore_mem>>)
    %dma_wait3A_106 = arith.constant 0 : i32
    %dma_wait3A_107 = arith.constant 0 : i32
    %dma_wait3A_108 = arith.constant 0 : i32
    %dma_wait3A_109 = tpu.memref_slice %arg7[%dma_wait3A_106, %dma_wait3A_107, %dma_wait3A_108] : memref<6x128x128xf32, #tpu.memory_space<vmem>> -> memref<1x128x128xf32, #tpu.memory_space<vmem>>
    %dma_wait3A_110 = tpu.memref_squeeze %dma_wait3A_109 : memref<1x128x128xf32, #tpu.memory_space<vmem>> -> memref<128x128xf32, #tpu.memory_space<vmem>>
    %dma_wait3A_111 = arith.constant 0 : i32
    %dma_wait3A_112 = arith.constant 0 : i32
    %dma_wait3A_113 = tpu.memref_slice %arg5[%add3A_88, %dma_wait3A_111, %dma_wait3A_112] : memref<768x128x128xf32, #tpu.memory_space<hbm>> -> memref<1x128x128xf32, #tpu.memory_space<hbm>>
    %dma_wait3A_114 = tpu.memref_squeeze %dma_wait3A_113 : memref<1x128x128xf32, #tpu.memory_space<hbm>> -> memref<128x128xf32, #tpu.memory_space<hbm>>
    %dma_wait3A_115 = arith.constant 0 : i32
    %dma_wait3A_116 = arith.constant 0 : i32
    %dma_wait3A_117 = tpu.memref_slice %arg5[%add3A_88, %dma_wait3A_115, %dma_wait3A_116] : memref<768x128x128xf32, #tpu.memory_space<hbm>> -> memref<1x128x128xf32, #tpu.memory_space<hbm>>
    %dma_wait3A_118 = tpu.memref_squeeze %dma_wait3A_117 : memref<1x128x128xf32, #tpu.memory_space<hbm>> -> memref<128x128xf32, #tpu.memory_space<hbm>>
    %dma_wait3A_119 = arith.constant 0 : i32
    %dma_wait3A_120 = arith.constant 0 : i32
    %dma_wait3A_121 = tpu.memref_slice %arg7[%dma_wait3A_106, %dma_wait3A_119, %dma_wait3A_120] : memref<6x128x128xf32, #tpu.memory_space<vmem>> -> memref<1x128x128xf32, #tpu.memory_space<vmem>>
    %dma_wait3A_122 = tpu.memref_squeeze %dma_wait3A_121 : memref<1x128x128xf32, #tpu.memory_space<vmem>> -> memref<128x128xf32, #tpu.memory_space<vmem>>
    tpu.wait_dma2 semaphore(%arg9 : memref<!tpu.dma_semaphore, #tpu.memory_space<semaphore_mem>>) src(%dma_wait3A_122 : memref<128x128xf32, #tpu.memory_space<vmem>>) dst(%dma_wait3A_118 : memref<128x128xf32, #tpu.memory_space<hbm>>)
    %dma_start3A_123 = arith.constant 6 : i32
    %dma_start3A_124 = arith.constant 0 : i32
    %dma_start3A_125 = arith.constant 0 : i32
    %dma_start3A_126 = arith.constant 0 : i32
    %dma_start3A_127 = tpu.memref_slice %arg7[%dma_start3A_124, %dma_start3A_125, %dma_start3A_126] : memref<6x128x128xf32, #tpu.memory_space<vmem>> -> memref<1x128x128xf32, #tpu.memory_space<vmem>>
    %dma_start3A_128 = tpu.memref_squeeze %dma_start3A_127 : memref<1x128x128xf32, #tpu.memory_space<vmem>> -> memref<128x128xf32, #tpu.memory_space<vmem>>
    %dma_start3A_129 = arith.constant 0 : i32
    %dma_start3A_130 = tpu.memref_slice %arg6[%dma_start3A_123, %dma_start3A_129] : memref<24x128xi32, #tpu.memory_space<vmem>> -> memref<1x128xi32, #tpu.memory_space<vmem>>
    %dma_start3A_131 = tpu.memref_squeeze %dma_start3A_130 : memref<1x128xi32, #tpu.memory_space<vmem>> -> memref<128xi32, #tpu.memory_space<vmem>>
    %dma_start3A_132 = arith.constant 0 : i32
    %dma_start3A_133 = arith.constant 0 : i32
    %dma_start3A_134 = tpu.memref_slice %arg2[%dma_start3A_132, %dma_start3A_133] : memref<262144x128xf32, #tpu.memory_space<hbm>> -> memref<262144x128xf32, #tpu.memory_space<hbm>>
    tpu.enqueue_indirect_dma source(%dma_start3A_134 : memref<262144x128xf32, #tpu.memory_space<hbm>>) target(%dma_start3A_128 : memref<128x128xf32, #tpu.memory_space<vmem>>) offsets(%dma_start3A_131 : memref<128xi32, #tpu.memory_space<vmem>>) semaphore(%arg8 : memref<!tpu.dma_semaphore, #tpu.memory_space<semaphore_mem>>)
    %dma_wait3A_135 = arith.constant 1 : i32
    %dma_wait3A_136 = arith.constant 1 : i32
    %dma_wait3A_137 = arith.constant 0 : i32
    %dma_wait3A_138 = arith.constant 0 : i32
    %dma_wait3A_139 = tpu.memref_slice %arg7[%dma_wait3A_136, %dma_wait3A_137, %dma_wait3A_138] : memref<6x128x128xf32, #tpu.memory_space<vmem>> -> memref<1x128x128xf32, #tpu.memory_space<vmem>>
    %dma_wait3A_140 = tpu.memref_squeeze %dma_wait3A_139 : memref<1x128x128xf32, #tpu.memory_space<vmem>> -> memref<128x128xf32, #tpu.memory_space<vmem>>
    %dma_wait3A_141 = arith.constant 0 : i32
    %dma_wait3A_142 = tpu.memref_slice %arg6[%dma_wait3A_135, %dma_wait3A_141] : memref<24x128xi32, #tpu.memory_space<vmem>> -> memref<1x128xi32, #tpu.memory_space<vmem>>
    %dma_wait3A_143 = tpu.memref_squeeze %dma_wait3A_142 : memref<1x128xi32, #tpu.memory_space<vmem>> -> memref<128xi32, #tpu.memory_space<vmem>>
    %dma_wait3A_144 = arith.constant 0 : i32
    %dma_wait3A_145 = arith.constant 0 : i32
    %dma_wait3A_146 = tpu.memref_slice %arg2[%dma_wait3A_144, %dma_wait3A_145] : memref<262144x128xf32, #tpu.memory_space<hbm>> -> memref<262144x128xf32, #tpu.memory_space<hbm>>
    tpu.wait_indirect_dma semaphore(%arg8 : memref<!tpu.dma_semaphore, #tpu.memory_space<semaphore_mem>>) src(%dma_wait3A_146 : memref<262144x128xf32, #tpu.memory_space<hbm>>) dst(%dma_wait3A_140 : memref<128x128xf32, #tpu.memory_space<vmem>>)
    %mul3A_147 = arith.constant 24 : i32
    %mul3A_148 = arith.muli %add3A, %mul3A_147 : i32
    %add3A_149 = arith.constant 1 : i32
    %add3A_150 = arith.addi %mul3A_148, %add3A_149 : i32
    %dma_start3A_151 = arith.constant 1 : i32
    %dma_start3A_152 = arith.constant 0 : i32
    %dma_start3A_153 = arith.constant 0 : i32
    %dma_start3A_154 = tpu.memref_slice %arg7[%dma_start3A_151, %dma_start3A_152, %dma_start3A_153] : memref<6x128x128xf32, #tpu.memory_space<vmem>> -> memref<1x128x128xf32, #tpu.memory_space<vmem>>
    %dma_start3A_155 = tpu.memref_squeeze %dma_start3A_154 : memref<1x128x128xf32, #tpu.memory_space<vmem>> -> memref<128x128xf32, #tpu.memory_space<vmem>>
    %dma_start3A_156 = arith.constant 0 : i32
    %dma_start3A_157 = arith.constant 0 : i32
    %dma_start3A_158 = tpu.memref_slice %arg5[%add3A_150, %dma_start3A_156, %dma_start3A_157] : memref<768x128x128xf32, #tpu.memory_space<hbm>> -> memref<1x128x128xf32, #tpu.memory_space<hbm>>
    %dma_start3A_159 = tpu.memref_squeeze %dma_start3A_158 : memref<1x128x128xf32, #tpu.memory_space<hbm>> -> memref<128x128xf32, #tpu.memory_space<hbm>>
    %dma_start3A_160 = arith.constant 0 : i32
    %dma_start3A_161 = arith.constant 0 : i32
    %dma_start3A_162 = tpu.memref_slice %arg5[%add3A_150, %dma_start3A_160, %dma_start3A_161] : memref<768x128x128xf32, #tpu.memory_space<hbm>> -> memref<1x128x128xf32, #tpu.memory_space<hbm>>
    %dma_start3A_163 = tpu.memref_squeeze %dma_start3A_162 : memref<1x128x128xf32, #tpu.memory_space<hbm>> -> memref<128x128xf32, #tpu.memory_space<hbm>>
    %dma_start3A_164 = arith.constant 0 : i32
    %dma_start3A_165 = arith.constant 0 : i32
    %dma_start3A_166 = tpu.memref_slice %arg7[%dma_start3A_151, %dma_start3A_164, %dma_start3A_165] : memref<6x128x128xf32, #tpu.memory_space<vmem>> -> memref<1x128x128xf32, #tpu.memory_space<vmem>>
    %dma_start3A_167 = tpu.memref_squeeze %dma_start3A_166 : memref<1x128x128xf32, #tpu.memory_space<vmem>> -> memref<128x128xf32, #tpu.memory_space<vmem>>
    tpu.enqueue_dma source(%dma_start3A_167 : memref<128x128xf32, #tpu.memory_space<vmem>>) target(%dma_start3A_163 : memref<128x128xf32, #tpu.memory_space<hbm>>) target_semaphore(%arg9 : memref<!tpu.dma_semaphore, #tpu.memory_space<semaphore_mem>>)
    %dma_wait3A_168 = arith.constant 1 : i32
    %dma_wait3A_169 = arith.constant 0 : i32
    %dma_wait3A_170 = arith.constant 0 : i32
    %dma_wait3A_171 = tpu.memref_slice %arg7[%dma_wait3A_168, %dma_wait3A_169, %dma_wait3A_170] : memref<6x128x128xf32, #tpu.memory_space<vmem>> -> memref<1x128x128xf32, #tpu.memory_space<vmem>>
    %dma_wait3A_172 = tpu.memref_squeeze %dma_wait3A_171 : memref<1x128x128xf32, #tpu.memory_space<vmem>> -> memref<128x128xf32, #tpu.memory_space<vmem>>
    %dma_wait3A_173 = arith.constant 0 : i32
    %dma_wait3A_174 = arith.constant 0 : i32
    %dma_wait3A_175 = tpu.memref_slice %arg5[%add3A_150, %dma_wait3A_173, %dma_wait3A_174] : memref<768x128x128xf32, #tpu.memory_space<hbm>> -> memref<1x128x128xf32, #tpu.memory_space<hbm>>
    %dma_wait3A_176 = tpu.memref_squeeze %dma_wait3A_175 : memref<1x128x128xf32, #tpu.memory_space<hbm>> -> memref<128x128xf32, #tpu.memory_space<hbm>>
    %dma_wait3A_177 = arith.constant 0 : i32
    %dma_wait3A_178 = arith.constant 0 : i32
    %dma_wait3A_179 = tpu.memref_slice %arg5[%add3A_150, %dma_wait3A_177, %dma_wait3A_178] : memref<768x128x128xf32, #tpu.memory_space<hbm>> -> memref<1x128x128xf32, #tpu.memory_space<hbm>>
    %dma_wait3A_180 = tpu.memref_squeeze %dma_wait3A_179 : memref<1x128x128xf32, #tpu.memory_space<hbm>> -> memref<128x128xf32, #tpu.memory_space<hbm>>
    %dma_wait3A_181 = arith.constant 0 : i32
    %dma_wait3A_182 = arith.constant 0 : i32
    %dma_wait3A_183 = tpu.memref_slice %arg7[%dma_wait3A_168, %dma_wait3A_181, %dma_wait3A_182] : memref<6x128x128xf32, #tpu.memory_space<vmem>> -> memref<1x128x128xf32, #tpu.memory_space<vmem>>
    %dma_wait3A_184 = tpu.memref_squeeze %dma_wait3A_183 : memref<1x128x128xf32, #tpu.memory_space<vmem>> -> memref<128x128xf32, #tpu.memory_space<vmem>>
    tpu.wait_dma2 semaphore(%arg9 : memref<!tpu.dma_semaphore, #tpu.memory_space<semaphore_mem>>) src(%dma_wait3A_184 : memref<128x128xf32, #tpu.memory_space<vmem>>) dst(%dma_wait3A_180 : memref<128x128xf32, #tpu.memory_space<hbm>>)
    %dma_start3A_185 = arith.constant 7 : i32
    %dma_start3A_186 = arith.constant 1 : i32
    %dma_start3A_187 = arith.constant 0 : i32
    %dma_start3A_188 = arith.constant 0 : i32
    %dma_start3A_189 = tpu.memref_slice %arg7[%dma_start3A_186, %dma_start3A_187, %dma_start3A_188] : memref<6x128x128xf32, #tpu.memory_space<vmem>> -> memref<1x128x128xf32, #tpu.memory_space<vmem>>
    %dma_start3A_190 = tpu.memref_squeeze %dma_start3A_189 : memref<1x128x128xf32, #tpu.memory_space<vmem>> -> memref<128x128xf32, #tpu.memory_space<vmem>>
    %dma_start3A_191 = arith.constant 0 : i32
    %dma_start3A_192 = tpu.memref_slice %arg6[%dma_start3A_185, %dma_start3A_191] : memref<24x128xi32, #tpu.memory_space<vmem>> -> memref<1x128xi32, #tpu.memory_space<vmem>>
    %dma_start3A_193 = tpu.memref_squeeze %dma_start3A_192 : memref<1x128xi32, #tpu.memory_space<vmem>> -> memref<128xi32, #tpu.memory_space<vmem>>
    %dma_start3A_194 = arith.constant 0 : i32
    %dma_start3A_195 = arith.constant 0 : i32
    %dma_start3A_196 = tpu.memref_slice %arg2[%dma_start3A_194, %dma_start3A_195] : memref<262144x128xf32, #tpu.memory_space<hbm>> -> memref<262144x128xf32, #tpu.memory_space<hbm>>
    tpu.enqueue_indirect_dma source(%dma_start3A_196 : memref<262144x128xf32, #tpu.memory_space<hbm>>) target(%dma_start3A_190 : memref<128x128xf32, #tpu.memory_space<vmem>>) offsets(%dma_start3A_193 : memref<128xi32, #tpu.memory_space<vmem>>) semaphore(%arg8 : memref<!tpu.dma_semaphore, #tpu.memory_space<semaphore_mem>>)
    %dma_wait3A_197 = arith.constant 2 : i32
    %dma_wait3A_198 = arith.constant 2 : i32
    %dma_wait3A_199 = arith.constant 0 : i32
    %dma_wait3A_200 = arith.constant 0 : i32
    %dma_wait3A_201 = tpu.memref_slice %arg7[%dma_wait3A_198, %dma_wait3A_199, %dma_wait3A_200] : memref<6x128x128xf32, #tpu.memory_space<vmem>> -> memref<1x128x128xf32, #tpu.memory_space<vmem>>
    %dma_wait3A_202 = tpu.memref_squeeze %dma_wait3A_201 : memref<1x128x128xf32, #tpu.memory_space<vmem>> -> memref<128x128xf32, #tpu.memory_space<vmem>>
    %dma_wait3A_203 = arith.constant 0 : i32
    %dma_wait3A_204 = tpu.memref_slice %arg6[%dma_wait3A_197, %dma_wait3A_203] : memref<24x128xi32, #tpu.memory_space<vmem>> -> memref<1x128xi32, #tpu.memory_space<vmem>>
    %dma_wait3A_205 = tpu.memref_squeeze %dma_wait3A_204 : memref<1x128xi32, #tpu.memory_space<vmem>> -> memref<128xi32, #tpu.memory_space<vmem>>
    %dma_wait3A_206 = arith.constant 0 : i32
    %dma_wait3A_207 = arith.constant 0 : i32
    %dma_wait3A_208 = tpu.memref_slice %arg2[%dma_wait3A_206, %dma_wait3A_207] : memref<262144x128xf32, #tpu.memory_space<hbm>> -> memref<262144x128xf32, #tpu.memory_space<hbm>>
    tpu.wait_indirect_dma semaphore(%arg8 : memref<!tpu.dma_semaphore, #tpu.memory_space<semaphore_mem>>) src(%dma_wait3A_208 : memref<262144x128xf32, #tpu.memory_space<hbm>>) dst(%dma_wait3A_202 : memref<128x128xf32, #tpu.memory_space<vmem>>)
    %mul3A_209 = arith.constant 24 : i32
    %mul3A_210 = arith.muli %add3A, %mul3A_209 : i32
    %add3A_211 = arith.constant 2 : i32
    %add3A_212 = arith.addi %mul3A_210, %add3A_211 : i32
    %dma_start3A_213 = arith.constant 2 : i32
    %dma_start3A_214 = arith.constant 0 : i32
    %dma_start3A_215 = arith.constant 0 : i32
    %dma_start3A_216 = tpu.memref_slice %arg7[%dma_start3A_213, %dma_start3A_214, %dma_start3A_215] : memref<6x128x128xf32, #tpu.memory_space<vmem>> -> memref<1x128x128xf32, #tpu.memory_space<vmem>>
    %dma_start3A_217 = tpu.memref_squeeze %dma_start3A_216 : memref<1x128x128xf32, #tpu.memory_space<vmem>> -> memref<128x128xf32, #tpu.memory_space<vmem>>
    %dma_start3A_218 = arith.constant 0 : i32
    %dma_start3A_219 = arith.constant 0 : i32
    %dma_start3A_220 = tpu.memref_slice %arg5[%add3A_212, %dma_start3A_218, %dma_start3A_219] : memref<768x128x128xf32, #tpu.memory_space<hbm>> -> memref<1x128x128xf32, #tpu.memory_space<hbm>>
    %dma_start3A_221 = tpu.memref_squeeze %dma_start3A_220 : memref<1x128x128xf32, #tpu.memory_space<hbm>> -> memref<128x128xf32, #tpu.memory_space<hbm>>
    %dma_start3A_222 = arith.constant 0 : i32
    %dma_start3A_223 = arith.constant 0 : i32
    %dma_start3A_224 = tpu.memref_slice %arg5[%add3A_212, %dma_start3A_222, %dma_start3A_223] : memref<768x128x128xf32, #tpu.memory_space<hbm>> -> memref<1x128x128xf32, #tpu.memory_space<hbm>>
    %dma_start3A_225 = tpu.memref_squeeze %dma_start3A_224 : memref<1x128x128xf32, #tpu.memory_space<hbm>> -> memref<128x128xf32, #tpu.memory_space<hbm>>
    %dma_start3A_226 = arith.constant 0 : i32
    %dma_start3A_227 = arith.constant 0 : i32
    %dma_start3A_228 = tpu.memref_slice %arg7[%dma_start3A_213, %dma_start3A_226, %dma_start3A_227] : memref<6x128x128xf32, #tpu.memory_space<vmem>> -> memref<1x128x128xf32, #tpu.memory_space<vmem>>
    %dma_start3A_229 = tpu.memref_squeeze %dma_start3A_228 : memref<1x128x128xf32, #tpu.memory_space<vmem>> -> memref<128x128xf32, #tpu.memory_space<vmem>>
    tpu.enqueue_dma source(%dma_start3A_229 : memref<128x128xf32, #tpu.memory_space<vmem>>) target(%dma_start3A_225 : memref<128x128xf32, #tpu.memory_space<hbm>>) target_semaphore(%arg9 : memref<!tpu.dma_semaphore, #tpu.memory_space<semaphore_mem>>)
    %dma_wait3A_230 = arith.constant 2 : i32
    %dma_wait3A_231 = arith.constant 0 : i32
    %dma_wait3A_232 = arith.constant 0 : i32
    %dma_wait3A_233 = tpu.memref_slice %arg7[%dma_wait3A_230, %dma_wait3A_231, %dma_wait3A_232] : memref<6x128x128xf32, #tpu.memory_space<vmem>> -> memref<1x128x128xf32, #tpu.memory_space<vmem>>
    %dma_wait3A_234 = tpu.memref_squeeze %dma_wait3A_233 : memref<1x128x128xf32, #tpu.memory_space<vmem>> -> memref<128x128xf32, #tpu.memory_space<vmem>>
    %dma_wait3A_235 = arith.constant 0 : i32
    %dma_wait3A_236 = arith.constant 0 : i32
    %dma_wait3A_237 = tpu.memref_slice %arg5[%add3A_212, %dma_wait3A_235, %dma_wait3A_236] : memref<768x128x128xf32, #tpu.memory_space<hbm>> -> memref<1x128x128xf32, #tpu.memory_space<hbm>>
    %dma_wait3A_238 = tpu.memref_squeeze %dma_wait3A_237 : memref<1x128x128xf32, #tpu.memory_space<hbm>> -> memref<128x128xf32, #tpu.memory_space<hbm>>
    %dma_wait3A_239 = arith.constant 0 : i32
    %dma_wait3A_240 = arith.constant 0 : i32
    %dma_wait3A_241 = tpu.memref_slice %arg5[%add3A_212, %dma_wait3A_239, %dma_wait3A_240] : memref<768x128x128xf32, #tpu.memory_space<hbm>> -> memref<1x128x128xf32, #tpu.memory_space<hbm>>
    %dma_wait3A_242 = tpu.memref_squeeze %dma_wait3A_241 : memref<1x128x128xf32, #tpu.memory_space<hbm>> -> memref<128x128xf32, #tpu.memory_space<hbm>>
    %dma_wait3A_243 = arith.constant 0 : i32
    %dma_wait3A_244 = arith.constant 0 : i32
    %dma_wait3A_245 = tpu.memref_slice %arg7[%dma_wait3A_230, %dma_wait3A_243, %dma_wait3A_244] : memref<6x128x128xf32, #tpu.memory_space<vmem>> -> memref<1x128x128xf32, #tpu.memory_space<vmem>>
    %dma_wait3A_246 = tpu.memref_squeeze %dma_wait3A_245 : memref<1x128x128xf32, #tpu.memory_space<vmem>> -> memref<128x128xf32, #tpu.memory_space<vmem>>
    tpu.wait_dma2 semaphore(%arg9 : memref<!tpu.dma_semaphore, #tpu.memory_space<semaphore_mem>>) src(%dma_wait3A_246 : memref<128x128xf32, #tpu.memory_space<vmem>>) dst(%dma_wait3A_242 : memref<128x128xf32, #tpu.memory_space<hbm>>)
    %dma_start3A_247 = arith.constant 8 : i32
    %dma_start3A_248 = arith.constant 2 : i32
    %dma_start3A_249 = arith.constant 0 : i32
    %dma_start3A_250 = arith.constant 0 : i32
    %dma_start3A_251 = tpu.memref_slice %arg7[%dma_start3A_248, %dma_start3A_249, %dma_start3A_250] : memref<6x128x128xf32, #tpu.memory_space<vmem>> -> memref<1x128x128xf32, #tpu.memory_space<vmem>>
    %dma_start3A_252 = tpu.memref_squeeze %dma_start3A_251 : memref<1x128x128xf32, #tpu.memory_space<vmem>> -> memref<128x128xf32, #tpu.memory_space<vmem>>
    %dma_start3A_253 = arith.constant 0 : i32
    %dma_start3A_254 = tpu.memref_slice %arg6[%dma_start3A_247, %dma_start3A_253] : memref<24x128xi32, #tpu.memory_space<vmem>> -> memref<1x128xi32, #tpu.memory_space<vmem>>
    %dma_start3A_255 = tpu.memref_squeeze %dma_start3A_254 : memref<1x128xi32, #tpu.memory_space<vmem>> -> memref<128xi32, #tpu.memory_space<vmem>>
    %dma_start3A_256 = arith.constant 0 : i32
    %dma_start3A_257 = arith.constant 0 : i32
    %dma_start3A_258 = tpu.memref_slice %arg2[%dma_start3A_256, %dma_start3A_257] : memref<262144x128xf32, #tpu.memory_space<hbm>> -> memref<262144x128xf32, #tpu.memory_space<hbm>>
    tpu.enqueue_indirect_dma source(%dma_start3A_258 : memref<262144x128xf32, #tpu.memory_space<hbm>>) target(%dma_start3A_252 : memref<128x128xf32, #tpu.memory_space<vmem>>) offsets(%dma_start3A_255 : memref<128xi32, #tpu.memory_space<vmem>>) semaphore(%arg8 : memref<!tpu.dma_semaphore, #tpu.memory_space<semaphore_mem>>)
    %dma_wait3A_259 = arith.constant 3 : i32
    %dma_wait3A_260 = arith.constant 3 : i32
    %dma_wait3A_261 = arith.constant 0 : i32
    %dma_wait3A_262 = arith.constant 0 : i32
    %dma_wait3A_263 = tpu.memref_slice %arg7[%dma_wait3A_260, %dma_wait3A_261, %dma_wait3A_262] : memref<6x128x128xf32, #tpu.memory_space<vmem>> -> memref<1x128x128xf32, #tpu.memory_space<vmem>>
    %dma_wait3A_264 = tpu.memref_squeeze %dma_wait3A_263 : memref<1x128x128xf32, #tpu.memory_space<vmem>> -> memref<128x128xf32, #tpu.memory_space<vmem>>
    %dma_wait3A_265 = arith.constant 0 : i32
    %dma_wait3A_266 = tpu.memref_slice %arg6[%dma_wait3A_259, %dma_wait3A_265] : memref<24x128xi32, #tpu.memory_space<vmem>> -> memref<1x128xi32, #tpu.memory_space<vmem>>
    %dma_wait3A_267 = tpu.memref_squeeze %dma_wait3A_266 : memref<1x128xi32, #tpu.memory_space<vmem>> -> memref<128xi32, #tpu.memory_space<vmem>>
    %dma_wait3A_268 = arith.constant 0 : i32
    %dma_wait3A_269 = arith.constant 0 : i32
    %dma_wait3A_270 = tpu.memref_slice %arg2[%dma_wait3A_268, %dma_wait3A_269] : memref<262144x128xf32, #tpu.memory_space<hbm>> -> memref<262144x128xf32, #tpu.memory_space<hbm>>
    tpu.wait_indirect_dma semaphore(%arg8 : memref<!tpu.dma_semaphore, #tpu.memory_space<semaphore_mem>>) src(%dma_wait3A_270 : memref<262144x128xf32, #tpu.memory_space<hbm>>) dst(%dma_wait3A_264 : memref<128x128xf32, #tpu.memory_space<vmem>>)
    %mul3A_271 = arith.constant 24 : i32
    %mul3A_272 = arith.muli %add3A, %mul3A_271 : i32
    %add3A_273 = arith.constant 3 : i32
    %add3A_274 = arith.addi %mul3A_272, %add3A_273 : i32
    %dma_start3A_275 = arith.constant 3 : i32
    %dma_start3A_276 = arith.constant 0 : i32
    %dma_start3A_277 = arith.constant 0 : i32
    %dma_start3A_278 = tpu.memref_slice %arg7[%dma_start3A_275, %dma_start3A_276, %dma_start3A_277] : memref<6x128x128xf32, #tpu.memory_space<vmem>> -> memref<1x128x128xf32, #tpu.memory_space<vmem>>
    %dma_start3A_279 = tpu.memref_squeeze %dma_start3A_278 : memref<1x128x128xf32, #tpu.memory_space<vmem>> -> memref<128x128xf32, #tpu.memory_space<vmem>>
    %dma_start3A_280 = arith.constant 0 : i32
    %dma_start3A_281 = arith.constant 0 : i32
    %dma_start3A_282 = tpu.memref_slice %arg5[%add3A_274, %dma_start3A_280, %dma_start3A_281] : memref<768x128x128xf32, #tpu.memory_space<hbm>> -> memref<1x128x128xf32, #tpu.memory_space<hbm>>
    %dma_start3A_283 = tpu.memref_squeeze %dma_start3A_282 : memref<1x128x128xf32, #tpu.memory_space<hbm>> -> memref<128x128xf32, #tpu.memory_space<hbm>>
    %dma_start3A_284 = arith.constant 0 : i32
    %dma_start3A_285 = arith.constant 0 : i32
    %dma_start3A_286 = tpu.memref_slice %arg5[%add3A_274, %dma_start3A_284, %dma_start3A_285] : memref<768x128x128xf32, #tpu.memory_space<hbm>> -> memref<1x128x128xf32, #tpu.memory_space<hbm>>
    %dma_start3A_287 = tpu.memref_squeeze %dma_start3A_286 : memref<1x128x128xf32, #tpu.memory_space<hbm>> -> memref<128x128xf32, #tpu.memory_space<hbm>>
    %dma_start3A_288 = arith.constant 0 : i32
    %dma_start3A_289 = arith.constant 0 : i32
    %dma_start3A_290 = tpu.memref_slice %arg7[%dma_start3A_275, %dma_start3A_288, %dma_start3A_289] : memref<6x128x128xf32, #tpu.memory_space<vmem>> -> memref<1x128x128xf32, #tpu.memory_space<vmem>>
    %dma_start3A_291 = tpu.memref_squeeze %dma_start3A_290 : memref<1x128x128xf32, #tpu.memory_space<vmem>> -> memref<128x128xf32, #tpu.memory_space<vmem>>
    tpu.enqueue_dma source(%dma_start3A_291 : memref<128x128xf32, #tpu.memory_space<vmem>>) target(%dma_start3A_287 : memref<128x128xf32, #tpu.memory_space<hbm>>) target_semaphore(%arg9 : memref<!tpu.dma_semaphore, #tpu.memory_space<semaphore_mem>>)
    %dma_wait3A_292 = arith.constant 3 : i32
    %dma_wait3A_293 = arith.constant 0 : i32
    %dma_wait3A_294 = arith.constant 0 : i32
    %dma_wait3A_295 = tpu.memref_slice %arg7[%dma_wait3A_292, %dma_wait3A_293, %dma_wait3A_294] : memref<6x128x128xf32, #tpu.memory_space<vmem>> -> memref<1x128x128xf32, #tpu.memory_space<vmem>>
    %dma_wait3A_296 = tpu.memref_squeeze %dma_wait3A_295 : memref<1x128x128xf32, #tpu.memory_space<vmem>> -> memref<128x128xf32, #tpu.memory_space<vmem>>
    %dma_wait3A_297 = arith.constant 0 : i32
    %dma_wait3A_298 = arith.constant 0 : i32
    %dma_wait3A_299 = tpu.memref_slice %arg5[%add3A_274, %dma_wait3A_297, %dma_wait3A_298] : memref<768x128x128xf32, #tpu.memory_space<hbm>> -> memref<1x128x128xf32, #tpu.memory_space<hbm>>
    %dma_wait3A_300 = tpu.memref_squeeze %dma_wait3A_299 : memref<1x128x128xf32, #tpu.memory_space<hbm>> -> memref<128x128xf32, #tpu.memory_space<hbm>>
    %dma_wait3A_301 = arith.constant 0 : i32
    %dma_wait3A_302 = arith.constant 0 : i32
    %dma_wait3A_303 = tpu.memref_slice %arg5[%add3A_274, %dma_wait3A_301, %dma_wait3A_302] : memref<768x128x128xf32, #tpu.memory_space<hbm>> -> memref<1x128x128xf32, #tpu.memory_space<hbm>>
    %dma_wait3A_304 = tpu.memref_squeeze %dma_wait3A_303 : memref<1x128x128xf32, #tpu.memory_space<hbm>> -> memref<128x128xf32, #tpu.memory_space<hbm>>
    %dma_wait3A_305 = arith.constant 0 : i32
    %dma_wait3A_306 = arith.constant 0 : i32
    %dma_wait3A_307 = tpu.memref_slice %arg7[%dma_wait3A_292, %dma_wait3A_305, %dma_wait3A_306] : memref<6x128x128xf32, #tpu.memory_space<vmem>> -> memref<1x128x128xf32, #tpu.memory_space<vmem>>
    %dma_wait3A_308 = tpu.memref_squeeze %dma_wait3A_307 : memref<1x128x128xf32, #tpu.memory_space<vmem>> -> memref<128x128xf32, #tpu.memory_space<vmem>>
    tpu.wait_dma2 semaphore(%arg9 : memref<!tpu.dma_semaphore, #tpu.memory_space<semaphore_mem>>) src(%dma_wait3A_308 : memref<128x128xf32, #tpu.memory_space<vmem>>) dst(%dma_wait3A_304 : memref<128x128xf32, #tpu.memory_space<hbm>>)
    %dma_start3A_309 = arith.constant 9 : i32
    %dma_start3A_310 = arith.constant 3 : i32
    %dma_start3A_311 = arith.constant 0 : i32
    %dma_start3A_312 = arith.constant 0 : i32
    %dma_start3A_313 = tpu.memref_slice %arg7[%dma_start3A_310, %dma_start3A_311, %dma_start3A_312] : memref<6x128x128xf32, #tpu.memory_space<vmem>> -> memref<1x128x128xf32, #tpu.memory_space<vmem>>
    %dma_start3A_314 = tpu.memref_squeeze %dma_start3A_313 : memref<1x128x128xf32, #tpu.memory_space<vmem>> -> memref<128x128xf32, #tpu.memory_space<vmem>>
    %dma_start3A_315 = arith.constant 0 : i32
    %dma_start3A_316 = tpu.memref_slice %arg6[%dma_start3A_309, %dma_start3A_315] : memref<24x128xi32, #tpu.memory_space<vmem>> -> memref<1x128xi32, #tpu.memory_space<vmem>>
    %dma_start3A_317 = tpu.memref_squeeze %dma_start3A_316 : memref<1x128xi32, #tpu.memory_space<vmem>> -> memref<128xi32, #tpu.memory_space<vmem>>
    %dma_start3A_318 = arith.constant 0 : i32
    %dma_start3A_319 = arith.constant 0 : i32
    %dma_start3A_320 = tpu.memref_slice %arg2[%dma_start3A_318, %dma_start3A_319] : memref<262144x128xf32, #tpu.memory_space<hbm>> -> memref<262144x128xf32, #tpu.memory_space<hbm>>
    tpu.enqueue_indirect_dma source(%dma_start3A_320 : memref<262144x128xf32, #tpu.memory_space<hbm>>) target(%dma_start3A_314 : memref<128x128xf32, #tpu.memory_space<vmem>>) offsets(%dma_start3A_317 : memref<128xi32, #tpu.memory_space<vmem>>) semaphore(%arg8 : memref<!tpu.dma_semaphore, #tpu.memory_space<semaphore_mem>>)
    %dma_wait3A_321 = arith.constant 4 : i32
    %dma_wait3A_322 = arith.constant 4 : i32
    %dma_wait3A_323 = arith.constant 0 : i32
    %dma_wait3A_324 = arith.constant 0 : i32
    %dma_wait3A_325 = tpu.memref_slice %arg7[%dma_wait3A_322, %dma_wait3A_323, %dma_wait3A_324] : memref<6x128x128xf32, #tpu.memory_space<vmem>> -> memref<1x128x128xf32, #tpu.memory_space<vmem>>
    %dma_wait3A_326 = tpu.memref_squeeze %dma_wait3A_325 : memref<1x128x128xf32, #tpu.memory_space<vmem>> -> memref<128x128xf32, #tpu.memory_space<vmem>>
    %dma_wait3A_327 = arith.constant 0 : i32
    %dma_wait3A_328 = tpu.memref_slice %arg6[%dma_wait3A_321, %dma_wait3A_327] : memref<24x128xi32, #tpu.memory_space<vmem>> -> memref<1x128xi32, #tpu.memory_space<vmem>>
    %dma_wait3A_329 = tpu.memref_squeeze %dma_wait3A_328 : memref<1x128xi32, #tpu.memory_space<vmem>> -> memref<128xi32, #tpu.memory_space<vmem>>
    %dma_wait3A_330 = arith.constant 0 : i32
    %dma_wait3A_331 = arith.constant 0 : i32
    %dma_wait3A_332 = tpu.memref_slice %arg2[%dma_wait3A_330, %dma_wait3A_331] : memref<262144x128xf32, #tpu.memory_space<hbm>> -> memref<262144x128xf32, #tpu.memory_space<hbm>>
    tpu.wait_indirect_dma semaphore(%arg8 : memref<!tpu.dma_semaphore, #tpu.memory_space<semaphore_mem>>) src(%dma_wait3A_332 : memref<262144x128xf32, #tpu.memory_space<hbm>>) dst(%dma_wait3A_326 : memref<128x128xf32, #tpu.memory_space<vmem>>)
    %mul3A_333 = arith.constant 24 : i32
    %mul3A_334 = arith.muli %add3A, %mul3A_333 : i32
    %add3A_335 = arith.constant 4 : i32
    %add3A_336 = arith.addi %mul3A_334, %add3A_335 : i32
    %dma_start3A_337 = arith.constant 4 : i32
    %dma_start3A_338 = arith.constant 0 : i32
    %dma_start3A_339 = arith.constant 0 : i32
    %dma_start3A_340 = tpu.memref_slice %arg7[%dma_start3A_337, %dma_start3A_338, %dma_start3A_339] : memref<6x128x128xf32, #tpu.memory_space<vmem>> -> memref<1x128x128xf32, #tpu.memory_space<vmem>>
    %dma_start3A_341 = tpu.memref_squeeze %dma_start3A_340 : memref<1x128x128xf32, #tpu.memory_space<vmem>> -> memref<128x128xf32, #tpu.memory_space<vmem>>
    %dma_start3A_342 = arith.constant 0 : i32
    %dma_start3A_343 = arith.constant 0 : i32
    %dma_start3A_344 = tpu.memref_slice %arg5[%add3A_336, %dma_start3A_342, %dma_start3A_343] : memref<768x128x128xf32, #tpu.memory_space<hbm>> -> memref<1x128x128xf32, #tpu.memory_space<hbm>>
    %dma_start3A_345 = tpu.memref_squeeze %dma_start3A_344 : memref<1x128x128xf32, #tpu.memory_space<hbm>> -> memref<128x128xf32, #tpu.memory_space<hbm>>
    %dma_start3A_346 = arith.constant 0 : i32
    %dma_start3A_347 = arith.constant 0 : i32
    %dma_start3A_348 = tpu.memref_slice %arg5[%add3A_336, %dma_start3A_346, %dma_start3A_347] : memref<768x128x128xf32, #tpu.memory_space<hbm>> -> memref<1x128x128xf32, #tpu.memory_space<hbm>>
    %dma_start3A_349 = tpu.memref_squeeze %dma_start3A_348 : memref<1x128x128xf32, #tpu.memory_space<hbm>> -> memref<128x128xf32, #tpu.memory_space<hbm>>
    %dma_start3A_350 = arith.constant 0 : i32
    %dma_start3A_351 = arith.constant 0 : i32
    %dma_start3A_352 = tpu.memref_slice %arg7[%dma_start3A_337, %dma_start3A_350, %dma_start3A_351] : memref<6x128x128xf32, #tpu.memory_space<vmem>> -> memref<1x128x128xf32, #tpu.memory_space<vmem>>
    %dma_start3A_353 = tpu.memref_squeeze %dma_start3A_352 : memref<1x128x128xf32, #tpu.memory_space<vmem>> -> memref<128x128xf32, #tpu.memory_space<vmem>>
    tpu.enqueue_dma source(%dma_start3A_353 : memref<128x128xf32, #tpu.memory_space<vmem>>) target(%dma_start3A_349 : memref<128x128xf32, #tpu.memory_space<hbm>>) target_semaphore(%arg9 : memref<!tpu.dma_semaphore, #tpu.memory_space<semaphore_mem>>)
    %dma_wait3A_354 = arith.constant 4 : i32
    %dma_wait3A_355 = arith.constant 0 : i32
    %dma_wait3A_356 = arith.constant 0 : i32
    %dma_wait3A_357 = tpu.memref_slice %arg7[%dma_wait3A_354, %dma_wait3A_355, %dma_wait3A_356] : memref<6x128x128xf32, #tpu.memory_space<vmem>> -> memref<1x128x128xf32, #tpu.memory_space<vmem>>
    %dma_wait3A_358 = tpu.memref_squeeze %dma_wait3A_357 : memref<1x128x128xf32, #tpu.memory_space<vmem>> -> memref<128x128xf32, #tpu.memory_space<vmem>>
    %dma_wait3A_359 = arith.constant 0 : i32
    %dma_wait3A_360 = arith.constant 0 : i32
    %dma_wait3A_361 = tpu.memref_slice %arg5[%add3A_336, %dma_wait3A_359, %dma_wait3A_360] : memref<768x128x128xf32, #tpu.memory_space<hbm>> -> memref<1x128x128xf32, #tpu.memory_space<hbm>>
    %dma_wait3A_362 = tpu.memref_squeeze %dma_wait3A_361 : memref<1x128x128xf32, #tpu.memory_space<hbm>> -> memref<128x128xf32, #tpu.memory_space<hbm>>
    %dma_wait3A_363 = arith.constant 0 : i32
    %dma_wait3A_364 = arith.constant 0 : i32
    %dma_wait3A_365 = tpu.memref_slice %arg5[%add3A_336, %dma_wait3A_363, %dma_wait3A_364] : memref<768x128x128xf32, #tpu.memory_space<hbm>> -> memref<1x128x128xf32, #tpu.memory_space<hbm>>
    %dma_wait3A_366 = tpu.memref_squeeze %dma_wait3A_365 : memref<1x128x128xf32, #tpu.memory_space<hbm>> -> memref<128x128xf32, #tpu.memory_space<hbm>>
    %dma_wait3A_367 = arith.constant 0 : i32
    %dma_wait3A_368 = arith.constant 0 : i32
    %dma_wait3A_369 = tpu.memref_slice %arg7[%dma_wait3A_354, %dma_wait3A_367, %dma_wait3A_368] : memref<6x128x128xf32, #tpu.memory_space<vmem>> -> memref<1x128x128xf32, #tpu.memory_space<vmem>>
    %dma_wait3A_370 = tpu.memref_squeeze %dma_wait3A_369 : memref<1x128x128xf32, #tpu.memory_space<vmem>> -> memref<128x128xf32, #tpu.memory_space<vmem>>
    tpu.wait_dma2 semaphore(%arg9 : memref<!tpu.dma_semaphore, #tpu.memory_space<semaphore_mem>>) src(%dma_wait3A_370 : memref<128x128xf32, #tpu.memory_space<vmem>>) dst(%dma_wait3A_366 : memref<128x128xf32, #tpu.memory_space<hbm>>)
    %dma_start3A_371 = arith.constant 10 : i32
    %dma_start3A_372 = arith.constant 4 : i32
    %dma_start3A_373 = arith.constant 0 : i32
    %dma_start3A_374 = arith.constant 0 : i32
    %dma_start3A_375 = tpu.memref_slice %arg7[%dma_start3A_372, %dma_start3A_373, %dma_start3A_374] : memref<6x128x128xf32, #tpu.memory_space<vmem>> -> memref<1x128x128xf32, #tpu.memory_space<vmem>>
    %dma_start3A_376 = tpu.memref_squeeze %dma_start3A_375 : memref<1x128x128xf32, #tpu.memory_space<vmem>> -> memref<128x128xf32, #tpu.memory_space<vmem>>
    %dma_start3A_377 = arith.constant 0 : i32
    %dma_start3A_378 = tpu.memref_slice %arg6[%dma_start3A_371, %dma_start3A_377] : memref<24x128xi32, #tpu.memory_space<vmem>> -> memref<1x128xi32, #tpu.memory_space<vmem>>
    %dma_start3A_379 = tpu.memref_squeeze %dma_start3A_378 : memref<1x128xi32, #tpu.memory_space<vmem>> -> memref<128xi32, #tpu.memory_space<vmem>>
    %dma_start3A_380 = arith.constant 0 : i32
    %dma_start3A_381 = arith.constant 0 : i32
    %dma_start3A_382 = tpu.memref_slice %arg2[%dma_start3A_380, %dma_start3A_381] : memref<262144x128xf32, #tpu.memory_space<hbm>> -> memref<262144x128xf32, #tpu.memory_space<hbm>>
    tpu.enqueue_indirect_dma source(%dma_start3A_382 : memref<262144x128xf32, #tpu.memory_space<hbm>>) target(%dma_start3A_376 : memref<128x128xf32, #tpu.memory_space<vmem>>) offsets(%dma_start3A_379 : memref<128xi32, #tpu.memory_space<vmem>>) semaphore(%arg8 : memref<!tpu.dma_semaphore, #tpu.memory_space<semaphore_mem>>)
    %dma_wait3A_383 = arith.constant 5 : i32
    %dma_wait3A_384 = arith.constant 5 : i32
    %dma_wait3A_385 = arith.constant 0 : i32
    %dma_wait3A_386 = arith.constant 0 : i32
    %dma_wait3A_387 = tpu.memref_slice %arg7[%dma_wait3A_384, %dma_wait3A_385, %dma_wait3A_386] : memref<6x128x128xf32, #tpu.memory_space<vmem>> -> memref<1x128x128xf32, #tpu.memory_space<vmem>>
    %dma_wait3A_388 = tpu.memref_squeeze %dma_wait3A_387 : memref<1x128x128xf32, #tpu.memory_space<vmem>> -> memref<128x128xf32, #tpu.memory_space<vmem>>
    %dma_wait3A_389 = arith.constant 0 : i32
    %dma_wait3A_390 = tpu.memref_slice %arg6[%dma_wait3A_383, %dma_wait3A_389] : memref<24x128xi32, #tpu.memory_space<vmem>> -> memref<1x128xi32, #tpu.memory_space<vmem>>
    %dma_wait3A_391 = tpu.memref_squeeze %dma_wait3A_390 : memref<1x128xi32, #tpu.memory_space<vmem>> -> memref<128xi32, #tpu.memory_space<vmem>>
    %dma_wait3A_392 = arith.constant 0 : i32
    %dma_wait3A_393 = arith.constant 0 : i32
    %dma_wait3A_394 = tpu.memref_slice %arg2[%dma_wait3A_392, %dma_wait3A_393] : memref<262144x128xf32, #tpu.memory_space<hbm>> -> memref<262144x128xf32, #tpu.memory_space<hbm>>
    tpu.wait_indirect_dma semaphore(%arg8 : memref<!tpu.dma_semaphore, #tpu.memory_space<semaphore_mem>>) src(%dma_wait3A_394 : memref<262144x128xf32, #tpu.memory_space<hbm>>) dst(%dma_wait3A_388 : memref<128x128xf32, #tpu.memory_space<vmem>>)
    %mul3A_395 = arith.constant 24 : i32
    %mul3A_396 = arith.muli %add3A, %mul3A_395 : i32
    %add3A_397 = arith.constant 5 : i32
    %add3A_398 = arith.addi %mul3A_396, %add3A_397 : i32
    %dma_start3A_399 = arith.constant 5 : i32
    %dma_start3A_400 = arith.constant 0 : i32
    %dma_start3A_401 = arith.constant 0 : i32
    %dma_start3A_402 = tpu.memref_slice %arg7[%dma_start3A_399, %dma_start3A_400, %dma_start3A_401] : memref<6x128x128xf32, #tpu.memory_space<vmem>> -> memref<1x128x128xf32, #tpu.memory_space<vmem>>
    %dma_start3A_403 = tpu.memref_squeeze %dma_start3A_402 : memref<1x128x128xf32, #tpu.memory_space<vmem>> -> memref<128x128xf32, #tpu.memory_space<vmem>>
    %dma_start3A_404 = arith.constant 0 : i32
    %dma_start3A_405 = arith.constant 0 : i32
    %dma_start3A_406 = tpu.memref_slice %arg5[%add3A_398, %dma_start3A_404, %dma_start3A_405] : memref<768x128x128xf32, #tpu.memory_space<hbm>> -> memref<1x128x128xf32, #tpu.memory_space<hbm>>
    %dma_start3A_407 = tpu.memref_squeeze %dma_start3A_406 : memref<1x128x128xf32, #tpu.memory_space<hbm>> -> memref<128x128xf32, #tpu.memory_space<hbm>>
    %dma_start3A_408 = arith.constant 0 : i32
    %dma_start3A_409 = arith.constant 0 : i32
    %dma_start3A_410 = tpu.memref_slice %arg5[%add3A_398, %dma_start3A_408, %dma_start3A_409] : memref<768x128x128xf32, #tpu.memory_space<hbm>> -> memref<1x128x128xf32, #tpu.memory_space<hbm>>
    %dma_start3A_411 = tpu.memref_squeeze %dma_start3A_410 : memref<1x128x128xf32, #tpu.memory_space<hbm>> -> memref<128x128xf32, #tpu.memory_space<hbm>>
    %dma_start3A_412 = arith.constant 0 : i32
    %dma_start3A_413 = arith.constant 0 : i32
    %dma_start3A_414 = tpu.memref_slice %arg7[%dma_start3A_399, %dma_start3A_412, %dma_start3A_413] : memref<6x128x128xf32, #tpu.memory_space<vmem>> -> memref<1x128x128xf32, #tpu.memory_space<vmem>>
    %dma_start3A_415 = tpu.memref_squeeze %dma_start3A_414 : memref<1x128x128xf32, #tpu.memory_space<vmem>> -> memref<128x128xf32, #tpu.memory_space<vmem>>
    tpu.enqueue_dma source(%dma_start3A_415 : memref<128x128xf32, #tpu.memory_space<vmem>>) target(%dma_start3A_411 : memref<128x128xf32, #tpu.memory_space<hbm>>) target_semaphore(%arg9 : memref<!tpu.dma_semaphore, #tpu.memory_space<semaphore_mem>>)
    %dma_wait3A_416 = arith.constant 5 : i32
    %dma_wait3A_417 = arith.constant 0 : i32
    %dma_wait3A_418 = arith.constant 0 : i32
    %dma_wait3A_419 = tpu.memref_slice %arg7[%dma_wait3A_416, %dma_wait3A_417, %dma_wait3A_418] : memref<6x128x128xf32, #tpu.memory_space<vmem>> -> memref<1x128x128xf32, #tpu.memory_space<vmem>>
    %dma_wait3A_420 = tpu.memref_squeeze %dma_wait3A_419 : memref<1x128x128xf32, #tpu.memory_space<vmem>> -> memref<128x128xf32, #tpu.memory_space<vmem>>
    %dma_wait3A_421 = arith.constant 0 : i32
    %dma_wait3A_422 = arith.constant 0 : i32
    %dma_wait3A_423 = tpu.memref_slice %arg5[%add3A_398, %dma_wait3A_421, %dma_wait3A_422] : memref<768x128x128xf32, #tpu.memory_space<hbm>> -> memref<1x128x128xf32, #tpu.memory_space<hbm>>
    %dma_wait3A_424 = tpu.memref_squeeze %dma_wait3A_423 : memref<1x128x128xf32, #tpu.memory_space<hbm>> -> memref<128x128xf32, #tpu.memory_space<hbm>>
    %dma_wait3A_425 = arith.constant 0 : i32
    %dma_wait3A_426 = arith.constant 0 : i32
    %dma_wait3A_427 = tpu.memref_slice %arg5[%add3A_398, %dma_wait3A_425, %dma_wait3A_426] : memref<768x128x128xf32, #tpu.memory_space<hbm>> -> memref<1x128x128xf32, #tpu.memory_space<hbm>>
    %dma_wait3A_428 = tpu.memref_squeeze %dma_wait3A_427 : memref<1x128x128xf32, #tpu.memory_space<hbm>> -> memref<128x128xf32, #tpu.memory_space<hbm>>
    %dma_wait3A_429 = arith.constant 0 : i32
    %dma_wait3A_430 = arith.constant 0 : i32
    %dma_wait3A_431 = tpu.memref_slice %arg7[%dma_wait3A_416, %dma_wait3A_429, %dma_wait3A_430] : memref<6x128x128xf32, #tpu.memory_space<vmem>> -> memref<1x128x128xf32, #tpu.memory_space<vmem>>
    %dma_wait3A_432 = tpu.memref_squeeze %dma_wait3A_431 : memref<1x128x128xf32, #tpu.memory_space<vmem>> -> memref<128x128xf32, #tpu.memory_space<vmem>>
    tpu.wait_dma2 semaphore(%arg9 : memref<!tpu.dma_semaphore, #tpu.memory_space<semaphore_mem>>) src(%dma_wait3A_432 : memref<128x128xf32, #tpu.memory_space<vmem>>) dst(%dma_wait3A_428 : memref<128x128xf32, #tpu.memory_space<hbm>>)
    %dma_start3A_433 = arith.constant 11 : i32
    %dma_start3A_434 = arith.constant 5 : i32
    %dma_start3A_435 = arith.constant 0 : i32
    %dma_start3A_436 = arith.constant 0 : i32
    %dma_start3A_437 = tpu.memref_slice %arg7[%dma_start3A_434, %dma_start3A_435, %dma_start3A_436] : memref<6x128x128xf32, #tpu.memory_space<vmem>> -> memref<1x128x128xf32, #tpu.memory_space<vmem>>
    %dma_start3A_438 = tpu.memref_squeeze %dma_start3A_437 : memref<1x128x128xf32, #tpu.memory_space<vmem>> -> memref<128x128xf32, #tpu.memory_space<vmem>>
    %dma_start3A_439 = arith.constant 0 : i32
    %dma_start3A_440 = tpu.memref_slice %arg6[%dma_start3A_433, %dma_start3A_439] : memref<24x128xi32, #tpu.memory_space<vmem>> -> memref<1x128xi32, #tpu.memory_space<vmem>>
    %dma_start3A_441 = tpu.memref_squeeze %dma_start3A_440 : memref<1x128xi32, #tpu.memory_space<vmem>> -> memref<128xi32, #tpu.memory_space<vmem>>
    %dma_start3A_442 = arith.constant 0 : i32
    %dma_start3A_443 = arith.constant 0 : i32
    %dma_start3A_444 = tpu.memref_slice %arg2[%dma_start3A_442, %dma_start3A_443] : memref<262144x128xf32, #tpu.memory_space<hbm>> -> memref<262144x128xf32, #tpu.memory_space<hbm>>
    tpu.enqueue_indirect_dma source(%dma_start3A_444 : memref<262144x128xf32, #tpu.memory_space<hbm>>) target(%dma_start3A_438 : memref<128x128xf32, #tpu.memory_space<vmem>>) offsets(%dma_start3A_441 : memref<128xi32, #tpu.memory_space<vmem>>) semaphore(%arg8 : memref<!tpu.dma_semaphore, #tpu.memory_space<semaphore_mem>>)
    %dma_wait3A_445 = arith.constant 6 : i32
    %dma_wait3A_446 = arith.constant 0 : i32
    %dma_wait3A_447 = arith.constant 0 : i32
    %dma_wait3A_448 = arith.constant 0 : i32
    %dma_wait3A_449 = tpu.memref_slice %arg7[%dma_wait3A_446, %dma_wait3A_447, %dma_wait3A_448] : memref<6x128x128xf32, #tpu.memory_space<vmem>> -> memref<1x128x128xf32, #tpu.memory_space<vmem>>
    %dma_wait3A_450 = tpu.memref_squeeze %dma_wait3A_449 : memref<1x128x128xf32, #tpu.memory_space<vmem>> -> memref<128x128xf32, #tpu.memory_space<vmem>>
    %dma_wait3A_451 = arith.constant 0 : i32
    %dma_wait3A_452 = tpu.memref_slice %arg6[%dma_wait3A_445, %dma_wait3A_451] : memref<24x128xi32, #tpu.memory_space<vmem>> -> memref<1x128xi32, #tpu.memory_space<vmem>>
    %dma_wait3A_453 = tpu.memref_squeeze %dma_wait3A_452 : memref<1x128xi32, #tpu.memory_space<vmem>> -> memref<128xi32, #tpu.memory_space<vmem>>
    %dma_wait3A_454 = arith.constant 0 : i32
    %dma_wait3A_455 = arith.constant 0 : i32
    %dma_wait3A_456 = tpu.memref_slice %arg2[%dma_wait3A_454, %dma_wait3A_455] : memref<262144x128xf32, #tpu.memory_space<hbm>> -> memref<262144x128xf32, #tpu.memory_space<hbm>>
    tpu.wait_indirect_dma semaphore(%arg8 : memref<!tpu.dma_semaphore, #tpu.memory_space<semaphore_mem>>) src(%dma_wait3A_456 : memref<262144x128xf32, #tpu.memory_space<hbm>>) dst(%dma_wait3A_450 : memref<128x128xf32, #tpu.memory_space<vmem>>)
    %mul3A_457 = arith.constant 24 : i32
    %mul3A_458 = arith.muli %add3A, %mul3A_457 : i32
    %add3A_459 = arith.constant 6 : i32
    %add3A_460 = arith.addi %mul3A_458, %add3A_459 : i32
    %dma_start3A_461 = arith.constant 0 : i32
    %dma_start3A_462 = arith.constant 0 : i32
    %dma_start3A_463 = arith.constant 0 : i32
    %dma_start3A_464 = tpu.memref_slice %arg7[%dma_start3A_461, %dma_start3A_462, %dma_start3A_463] : memref<6x128x128xf32, #tpu.memory_space<vmem>> -> memref<1x128x128xf32, #tpu.memory_space<vmem>>
    %dma_start3A_465 = tpu.memref_squeeze %dma_start3A_464 : memref<1x128x128xf32, #tpu.memory_space<vmem>> -> memref<128x128xf32, #tpu.memory_space<vmem>>
    %dma_start3A_466 = arith.constant 0 : i32
    %dma_start3A_467 = arith.constant 0 : i32
    %dma_start3A_468 = tpu.memref_slice %arg5[%add3A_460, %dma_start3A_466, %dma_start3A_467] : memref<768x128x128xf32, #tpu.memory_space<hbm>> -> memref<1x128x128xf32, #tpu.memory_space<hbm>>
    %dma_start3A_469 = tpu.memref_squeeze %dma_start3A_468 : memref<1x128x128xf32, #tpu.memory_space<hbm>> -> memref<128x128xf32, #tpu.memory_space<hbm>>
    %dma_start3A_470 = arith.constant 0 : i32
    %dma_start3A_471 = arith.constant 0 : i32
    %dma_start3A_472 = tpu.memref_slice %arg5[%add3A_460, %dma_start3A_470, %dma_start3A_471] : memref<768x128x128xf32, #tpu.memory_space<hbm>> -> memref<1x128x128xf32, #tpu.memory_space<hbm>>
    %dma_start3A_473 = tpu.memref_squeeze %dma_start3A_472 : memref<1x128x128xf32, #tpu.memory_space<hbm>> -> memref<128x128xf32, #tpu.memory_space<hbm>>
    %dma_start3A_474 = arith.constant 0 : i32
    %dma_start3A_475 = arith.constant 0 : i32
    %dma_start3A_476 = tpu.memref_slice %arg7[%dma_start3A_461, %dma_start3A_474, %dma_start3A_475] : memref<6x128x128xf32, #tpu.memory_space<vmem>> -> memref<1x128x128xf32, #tpu.memory_space<vmem>>
    %dma_start3A_477 = tpu.memref_squeeze %dma_start3A_476 : memref<1x128x128xf32, #tpu.memory_space<vmem>> -> memref<128x128xf32, #tpu.memory_space<vmem>>
    tpu.enqueue_dma source(%dma_start3A_477 : memref<128x128xf32, #tpu.memory_space<vmem>>) target(%dma_start3A_473 : memref<128x128xf32, #tpu.memory_space<hbm>>) target_semaphore(%arg9 : memref<!tpu.dma_semaphore, #tpu.memory_space<semaphore_mem>>)
    %dma_wait3A_478 = arith.constant 0 : i32
    %dma_wait3A_479 = arith.constant 0 : i32
    %dma_wait3A_480 = arith.constant 0 : i32
    %dma_wait3A_481 = tpu.memref_slice %arg7[%dma_wait3A_478, %dma_wait3A_479, %dma_wait3A_480] : memref<6x128x128xf32, #tpu.memory_space<vmem>> -> memref<1x128x128xf32, #tpu.memory_space<vmem>>
    %dma_wait3A_482 = tpu.memref_squeeze %dma_wait3A_481 : memref<1x128x128xf32, #tpu.memory_space<vmem>> -> memref<128x128xf32, #tpu.memory_space<vmem>>
    %dma_wait3A_483 = arith.constant 0 : i32
    %dma_wait3A_484 = arith.constant 0 : i32
    %dma_wait3A_485 = tpu.memref_slice %arg5[%add3A_460, %dma_wait3A_483, %dma_wait3A_484] : memref<768x128x128xf32, #tpu.memory_space<hbm>> -> memref<1x128x128xf32, #tpu.memory_space<hbm>>
    %dma_wait3A_486 = tpu.memref_squeeze %dma_wait3A_485 : memref<1x128x128xf32, #tpu.memory_space<hbm>> -> memref<128x128xf32, #tpu.memory_space<hbm>>
    %dma_wait3A_487 = arith.constant 0 : i32
    %dma_wait3A_488 = arith.constant 0 : i32
    %dma_wait3A_489 = tpu.memref_slice %arg5[%add3A_460, %dma_wait3A_487, %dma_wait3A_488] : memref<768x128x128xf32, #tpu.memory_space<hbm>> -> memref<1x128x128xf32, #tpu.memory_space<hbm>>
    %dma_wait3A_490 = tpu.memref_squeeze %dma_wait3A_489 : memref<1x128x128xf32, #tpu.memory_space<hbm>> -> memref<128x128xf32, #tpu.memory_space<hbm>>
    %dma_wait3A_491 = arith.constant 0 : i32
    %dma_wait3A_492 = arith.constant 0 : i32
    %dma_wait3A_493 = tpu.memref_slice %arg7[%dma_wait3A_478, %dma_wait3A_491, %dma_wait3A_492] : memref<6x128x128xf32, #tpu.memory_space<vmem>> -> memref<1x128x128xf32, #tpu.memory_space<vmem>>
    %dma_wait3A_494 = tpu.memref_squeeze %dma_wait3A_493 : memref<1x128x128xf32, #tpu.memory_space<vmem>> -> memref<128x128xf32, #tpu.memory_space<vmem>>
    tpu.wait_dma2 semaphore(%arg9 : memref<!tpu.dma_semaphore, #tpu.memory_space<semaphore_mem>>) src(%dma_wait3A_494 : memref<128x128xf32, #tpu.memory_space<vmem>>) dst(%dma_wait3A_490 : memref<128x128xf32, #tpu.memory_space<hbm>>)
    %dma_start3A_495 = arith.constant 12 : i32
    %dma_start3A_496 = arith.constant 0 : i32
    %dma_start3A_497 = arith.constant 0 : i32
    %dma_start3A_498 = arith.constant 0 : i32
    %dma_start3A_499 = tpu.memref_slice %arg7[%dma_start3A_496, %dma_start3A_497, %dma_start3A_498] : memref<6x128x128xf32, #tpu.memory_space<vmem>> -> memref<1x128x128xf32, #tpu.memory_space<vmem>>
    %dma_start3A_500 = tpu.memref_squeeze %dma_start3A_499 : memref<1x128x128xf32, #tpu.memory_space<vmem>> -> memref<128x128xf32, #tpu.memory_space<vmem>>
    %dma_start3A_501 = arith.constant 0 : i32
    %dma_start3A_502 = tpu.memref_slice %arg6[%dma_start3A_495, %dma_start3A_501] : memref<24x128xi32, #tpu.memory_space<vmem>> -> memref<1x128xi32, #tpu.memory_space<vmem>>
    %dma_start3A_503 = tpu.memref_squeeze %dma_start3A_502 : memref<1x128xi32, #tpu.memory_space<vmem>> -> memref<128xi32, #tpu.memory_space<vmem>>
    %dma_start3A_504 = arith.constant 0 : i32
    %dma_start3A_505 = arith.constant 0 : i32
    %dma_start3A_506 = tpu.memref_slice %arg2[%dma_start3A_504, %dma_start3A_505] : memref<262144x128xf32, #tpu.memory_space<hbm>> -> memref<262144x128xf32, #tpu.memory_space<hbm>>
    tpu.enqueue_indirect_dma source(%dma_start3A_506 : memref<262144x128xf32, #tpu.memory_space<hbm>>) target(%dma_start3A_500 : memref<128x128xf32, #tpu.memory_space<vmem>>) offsets(%dma_start3A_503 : memref<128xi32, #tpu.memory_space<vmem>>) semaphore(%arg8 : memref<!tpu.dma_semaphore, #tpu.memory_space<semaphore_mem>>)
    %dma_wait3A_507 = arith.constant 7 : i32
    %dma_wait3A_508 = arith.constant 1 : i32
    %dma_wait3A_509 = arith.constant 0 : i32
    %dma_wait3A_510 = arith.constant 0 : i32
    %dma_wait3A_511 = tpu.memref_slice %arg7[%dma_wait3A_508, %dma_wait3A_509, %dma_wait3A_510] : memref<6x128x128xf32, #tpu.memory_space<vmem>> -> memref<1x128x128xf32, #tpu.memory_space<vmem>>
    %dma_wait3A_512 = tpu.memref_squeeze %dma_wait3A_511 : memref<1x128x128xf32, #tpu.memory_space<vmem>> -> memref<128x128xf32, #tpu.memory_space<vmem>>
    %dma_wait3A_513 = arith.constant 0 : i32
    %dma_wait3A_514 = tpu.memref_slice %arg6[%dma_wait3A_507, %dma_wait3A_513] : memref<24x128xi32, #tpu.memory_space<vmem>> -> memref<1x128xi32, #tpu.memory_space<vmem>>
    %dma_wait3A_515 = tpu.memref_squeeze %dma_wait3A_514 : memref<1x128xi32, #tpu.memory_space<vmem>> -> memref<128xi32, #tpu.memory_space<vmem>>
    %dma_wait3A_516 = arith.constant 0 : i32
    %dma_wait3A_517 = arith.constant 0 : i32
    %dma_wait3A_518 = tpu.memref_slice %arg2[%dma_wait3A_516, %dma_wait3A_517] : memref<262144x128xf32, #tpu.memory_space<hbm>> -> memref<262144x128xf32, #tpu.memory_space<hbm>>
    tpu.wait_indirect_dma semaphore(%arg8 : memref<!tpu.dma_semaphore, #tpu.memory_space<semaphore_mem>>) src(%dma_wait3A_518 : memref<262144x128xf32, #tpu.memory_space<hbm>>) dst(%dma_wait3A_512 : memref<128x128xf32, #tpu.memory_space<vmem>>)
    %mul3A_519 = arith.constant 24 : i32
    %mul3A_520 = arith.muli %add3A, %mul3A_519 : i32
    %add3A_521 = arith.constant 7 : i32
    %add3A_522 = arith.addi %mul3A_520, %add3A_521 : i32
    %dma_start3A_523 = arith.constant 1 : i32
    %dma_start3A_524 = arith.constant 0 : i32
    %dma_start3A_525 = arith.constant 0 : i32
    %dma_start3A_526 = tpu.memref_slice %arg7[%dma_start3A_523, %dma_start3A_524, %dma_start3A_525] : memref<6x128x128xf32, #tpu.memory_space<vmem>> -> memref<1x128x128xf32, #tpu.memory_space<vmem>>
    %dma_start3A_527 = tpu.memref_squeeze %dma_start3A_526 : memref<1x128x128xf32, #tpu.memory_space<vmem>> -> memref<128x128xf32, #tpu.memory_space<vmem>>
    %dma_start3A_528 = arith.constant 0 : i32
    %dma_start3A_529 = arith.constant 0 : i32
    %dma_start3A_530 = tpu.memref_slice %arg5[%add3A_522, %dma_start3A_528, %dma_start3A_529] : memref<768x128x128xf32, #tpu.memory_space<hbm>> -> memref<1x128x128xf32, #tpu.memory_space<hbm>>
    %dma_start3A_531 = tpu.memref_squeeze %dma_start3A_530 : memref<1x128x128xf32, #tpu.memory_space<hbm>> -> memref<128x128xf32, #tpu.memory_space<hbm>>
    %dma_start3A_532 = arith.constant 0 : i32
    %dma_start3A_533 = arith.constant 0 : i32
    %dma_start3A_534 = tpu.memref_slice %arg5[%add3A_522, %dma_start3A_532, %dma_start3A_533] : memref<768x128x128xf32, #tpu.memory_space<hbm>> -> memref<1x128x128xf32, #tpu.memory_space<hbm>>
    %dma_start3A_535 = tpu.memref_squeeze %dma_start3A_534 : memref<1x128x128xf32, #tpu.memory_space<hbm>> -> memref<128x128xf32, #tpu.memory_space<hbm>>
    %dma_start3A_536 = arith.constant 0 : i32
    %dma_start3A_537 = arith.constant 0 : i32
    %dma_start3A_538 = tpu.memref_slice %arg7[%dma_start3A_523, %dma_start3A_536, %dma_start3A_537] : memref<6x128x128xf32, #tpu.memory_space<vmem>> -> memref<1x128x128xf32, #tpu.memory_space<vmem>>
    %dma_start3A_539 = tpu.memref_squeeze %dma_start3A_538 : memref<1x128x128xf32, #tpu.memory_space<vmem>> -> memref<128x128xf32, #tpu.memory_space<vmem>>
    tpu.enqueue_dma source(%dma_start3A_539 : memref<128x128xf32, #tpu.memory_space<vmem>>) target(%dma_start3A_535 : memref<128x128xf32, #tpu.memory_space<hbm>>) target_semaphore(%arg9 : memref<!tpu.dma_semaphore, #tpu.memory_space<semaphore_mem>>)
    %dma_wait3A_540 = arith.constant 1 : i32
    %dma_wait3A_541 = arith.constant 0 : i32
    %dma_wait3A_542 = arith.constant 0 : i32
    %dma_wait3A_543 = tpu.memref_slice %arg7[%dma_wait3A_540, %dma_wait3A_541, %dma_wait3A_542] : memref<6x128x128xf32, #tpu.memory_space<vmem>> -> memref<1x128x128xf32, #tpu.memory_space<vmem>>
    %dma_wait3A_544 = tpu.memref_squeeze %dma_wait3A_543 : memref<1x128x128xf32, #tpu.memory_space<vmem>> -> memref<128x128xf32, #tpu.memory_space<vmem>>
    %dma_wait3A_545 = arith.constant 0 : i32
    %dma_wait3A_546 = arith.constant 0 : i32
    %dma_wait3A_547 = tpu.memref_slice %arg5[%add3A_522, %dma_wait3A_545, %dma_wait3A_546] : memref<768x128x128xf32, #tpu.memory_space<hbm>> -> memref<1x128x128xf32, #tpu.memory_space<hbm>>
    %dma_wait3A_548 = tpu.memref_squeeze %dma_wait3A_547 : memref<1x128x128xf32, #tpu.memory_space<hbm>> -> memref<128x128xf32, #tpu.memory_space<hbm>>
    %dma_wait3A_549 = arith.constant 0 : i32
    %dma_wait3A_550 = arith.constant 0 : i32
    %dma_wait3A_551 = tpu.memref_slice %arg5[%add3A_522, %dma_wait3A_549, %dma_wait3A_550] : memref<768x128x128xf32, #tpu.memory_space<hbm>> -> memref<1x128x128xf32, #tpu.memory_space<hbm>>
    %dma_wait3A_552 = tpu.memref_squeeze %dma_wait3A_551 : memref<1x128x128xf32, #tpu.memory_space<hbm>> -> memref<128x128xf32, #tpu.memory_space<hbm>>
    %dma_wait3A_553 = arith.constant 0 : i32
    %dma_wait3A_554 = arith.constant 0 : i32
    %dma_wait3A_555 = tpu.memref_slice %arg7[%dma_wait3A_540, %dma_wait3A_553, %dma_wait3A_554] : memref<6x128x128xf32, #tpu.memory_space<vmem>> -> memref<1x128x128xf32, #tpu.memory_space<vmem>>
    %dma_wait3A_556 = tpu.memref_squeeze %dma_wait3A_555 : memref<1x128x128xf32, #tpu.memory_space<vmem>> -> memref<128x128xf32, #tpu.memory_space<vmem>>
    tpu.wait_dma2 semaphore(%arg9 : memref<!tpu.dma_semaphore, #tpu.memory_space<semaphore_mem>>) src(%dma_wait3A_556 : memref<128x128xf32, #tpu.memory_space<vmem>>) dst(%dma_wait3A_552 : memref<128x128xf32, #tpu.memory_space<hbm>>)
    %dma_start3A_557 = arith.constant 13 : i32
    %dma_start3A_558 = arith.constant 1 : i32
    %dma_start3A_559 = arith.constant 0 : i32
    %dma_start3A_560 = arith.constant 0 : i32
    %dma_start3A_561 = tpu.memref_slice %arg7[%dma_start3A_558, %dma_start3A_559, %dma_start3A_560] : memref<6x128x128xf32, #tpu.memory_space<vmem>> -> memref<1x128x128xf32, #tpu.memory_space<vmem>>
    %dma_start3A_562 = tpu.memref_squeeze %dma_start3A_561 : memref<1x128x128xf32, #tpu.memory_space<vmem>> -> memref<128x128xf32, #tpu.memory_space<vmem>>
    %dma_start3A_563 = arith.constant 0 : i32
    %dma_start3A_564 = tpu.memref_slice %arg6[%dma_start3A_557, %dma_start3A_563] : memref<24x128xi32, #tpu.memory_space<vmem>> -> memref<1x128xi32, #tpu.memory_space<vmem>>
    %dma_start3A_565 = tpu.memref_squeeze %dma_start3A_564 : memref<1x128xi32, #tpu.memory_space<vmem>> -> memref<128xi32, #tpu.memory_space<vmem>>
    %dma_start3A_566 = arith.constant 0 : i32
    %dma_start3A_567 = arith.constant 0 : i32
    %dma_start3A_568 = tpu.memref_slice %arg2[%dma_start3A_566, %dma_start3A_567] : memref<262144x128xf32, #tpu.memory_space<hbm>> -> memref<262144x128xf32, #tpu.memory_space<hbm>>
    tpu.enqueue_indirect_dma source(%dma_start3A_568 : memref<262144x128xf32, #tpu.memory_space<hbm>>) target(%dma_start3A_562 : memref<128x128xf32, #tpu.memory_space<vmem>>) offsets(%dma_start3A_565 : memref<128xi32, #tpu.memory_space<vmem>>) semaphore(%arg8 : memref<!tpu.dma_semaphore, #tpu.memory_space<semaphore_mem>>)
    %dma_wait3A_569 = arith.constant 8 : i32
    %dma_wait3A_570 = arith.constant 2 : i32
    %dma_wait3A_571 = arith.constant 0 : i32
    %dma_wait3A_572 = arith.constant 0 : i32
    %dma_wait3A_573 = tpu.memref_slice %arg7[%dma_wait3A_570, %dma_wait3A_571, %dma_wait3A_572] : memref<6x128x128xf32, #tpu.memory_space<vmem>> -> memref<1x128x128xf32, #tpu.memory_space<vmem>>
    %dma_wait3A_574 = tpu.memref_squeeze %dma_wait3A_573 : memref<1x128x128xf32, #tpu.memory_space<vmem>> -> memref<128x128xf32, #tpu.memory_space<vmem>>
    %dma_wait3A_575 = arith.constant 0 : i32
    %dma_wait3A_576 = tpu.memref_slice %arg6[%dma_wait3A_569, %dma_wait3A_575] : memref<24x128xi32, #tpu.memory_space<vmem>> -> memref<1x128xi32, #tpu.memory_space<vmem>>
    %dma_wait3A_577 = tpu.memref_squeeze %dma_wait3A_576 : memref<1x128xi32, #tpu.memory_space<vmem>> -> memref<128xi32, #tpu.memory_space<vmem>>
    %dma_wait3A_578 = arith.constant 0 : i32
    %dma_wait3A_579 = arith.constant 0 : i32
    %dma_wait3A_580 = tpu.memref_slice %arg2[%dma_wait3A_578, %dma_wait3A_579] : memref<262144x128xf32, #tpu.memory_space<hbm>> -> memref<262144x128xf32, #tpu.memory_space<hbm>>
    tpu.wait_indirect_dma semaphore(%arg8 : memref<!tpu.dma_semaphore, #tpu.memory_space<semaphore_mem>>) src(%dma_wait3A_580 : memref<262144x128xf32, #tpu.memory_space<hbm>>) dst(%dma_wait3A_574 : memref<128x128xf32, #tpu.memory_space<vmem>>)
    %mul3A_581 = arith.constant 24 : i32
    %mul3A_582 = arith.muli %add3A, %mul3A_581 : i32
    %add3A_583 = arith.constant 8 : i32
    %add3A_584 = arith.addi %mul3A_582, %add3A_583 : i32
    %dma_start3A_585 = arith.constant 2 : i32
    %dma_start3A_586 = arith.constant 0 : i32
    %dma_start3A_587 = arith.constant 0 : i32
    %dma_start3A_588 = tpu.memref_slice %arg7[%dma_start3A_585, %dma_start3A_586, %dma_start3A_587] : memref<6x128x128xf32, #tpu.memory_space<vmem>> -> memref<1x128x128xf32, #tpu.memory_space<vmem>>
    %dma_start3A_589 = tpu.memref_squeeze %dma_start3A_588 : memref<1x128x128xf32, #tpu.memory_space<vmem>> -> memref<128x128xf32, #tpu.memory_space<vmem>>
    %dma_start3A_590 = arith.constant 0 : i32
    %dma_start3A_591 = arith.constant 0 : i32
    %dma_start3A_592 = tpu.memref_slice %arg5[%add3A_584, %dma_start3A_590, %dma_start3A_591] : memref<768x128x128xf32, #tpu.memory_space<hbm>> -> memref<1x128x128xf32, #tpu.memory_space<hbm>>
    %dma_start3A_593 = tpu.memref_squeeze %dma_start3A_592 : memref<1x128x128xf32, #tpu.memory_space<hbm>> -> memref<128x128xf32, #tpu.memory_space<hbm>>
    %dma_start3A_594 = arith.constant 0 : i32
    %dma_start3A_595 = arith.constant 0 : i32
    %dma_start3A_596 = tpu.memref_slice %arg5[%add3A_584, %dma_start3A_594, %dma_start3A_595] : memref<768x128x128xf32, #tpu.memory_space<hbm>> -> memref<1x128x128xf32, #tpu.memory_space<hbm>>
    %dma_start3A_597 = tpu.memref_squeeze %dma_start3A_596 : memref<1x128x128xf32, #tpu.memory_space<hbm>> -> memref<128x128xf32, #tpu.memory_space<hbm>>
    %dma_start3A_598 = arith.constant 0 : i32
    %dma_start3A_599 = arith.constant 0 : i32
    %dma_start3A_600 = tpu.memref_slice %arg7[%dma_start3A_585, %dma_start3A_598, %dma_start3A_599] : memref<6x128x128xf32, #tpu.memory_space<vmem>> -> memref<1x128x128xf32, #tpu.memory_space<vmem>>
    %dma_start3A_601 = tpu.memref_squeeze %dma_start3A_600 : memref<1x128x128xf32, #tpu.memory_space<vmem>> -> memref<128x128xf32, #tpu.memory_space<vmem>>
    tpu.enqueue_dma source(%dma_start3A_601 : memref<128x128xf32, #tpu.memory_space<vmem>>) target(%dma_start3A_597 : memref<128x128xf32, #tpu.memory_space<hbm>>) target_semaphore(%arg9 : memref<!tpu.dma_semaphore, #tpu.memory_space<semaphore_mem>>)
    %dma_wait3A_602 = arith.constant 2 : i32
    %dma_wait3A_603 = arith.constant 0 : i32
    %dma_wait3A_604 = arith.constant 0 : i32
    %dma_wait3A_605 = tpu.memref_slice %arg7[%dma_wait3A_602, %dma_wait3A_603, %dma_wait3A_604] : memref<6x128x128xf32, #tpu.memory_space<vmem>> -> memref<1x128x128xf32, #tpu.memory_space<vmem>>
    %dma_wait3A_606 = tpu.memref_squeeze %dma_wait3A_605 : memref<1x128x128xf32, #tpu.memory_space<vmem>> -> memref<128x128xf32, #tpu.memory_space<vmem>>
    %dma_wait3A_607 = arith.constant 0 : i32
    %dma_wait3A_608 = arith.constant 0 : i32
    %dma_wait3A_609 = tpu.memref_slice %arg5[%add3A_584, %dma_wait3A_607, %dma_wait3A_608] : memref<768x128x128xf32, #tpu.memory_space<hbm>> -> memref<1x128x128xf32, #tpu.memory_space<hbm>>
    %dma_wait3A_610 = tpu.memref_squeeze %dma_wait3A_609 : memref<1x128x128xf32, #tpu.memory_space<hbm>> -> memref<128x128xf32, #tpu.memory_space<hbm>>
    %dma_wait3A_611 = arith.constant 0 : i32
    %dma_wait3A_612 = arith.constant 0 : i32
    %dma_wait3A_613 = tpu.memref_slice %arg5[%add3A_584, %dma_wait3A_611, %dma_wait3A_612] : memref<768x128x128xf32, #tpu.memory_space<hbm>> -> memref<1x128x128xf32, #tpu.memory_space<hbm>>
    %dma_wait3A_614 = tpu.memref_squeeze %dma_wait3A_613 : memref<1x128x128xf32, #tpu.memory_space<hbm>> -> memref<128x128xf32, #tpu.memory_space<hbm>>
    %dma_wait3A_615 = arith.constant 0 : i32
    %dma_wait3A_616 = arith.constant 0 : i32
    %dma_wait3A_617 = tpu.memref_slice %arg7[%dma_wait3A_602, %dma_wait3A_615, %dma_wait3A_616] : memref<6x128x128xf32, #tpu.memory_space<vmem>> -> memref<1x128x128xf32, #tpu.memory_space<vmem>>
    %dma_wait3A_618 = tpu.memref_squeeze %dma_wait3A_617 : memref<1x128x128xf32, #tpu.memory_space<vmem>> -> memref<128x128xf32, #tpu.memory_space<vmem>>
    tpu.wait_dma2 semaphore(%arg9 : memref<!tpu.dma_semaphore, #tpu.memory_space<semaphore_mem>>) src(%dma_wait3A_618 : memref<128x128xf32, #tpu.memory_space<vmem>>) dst(%dma_wait3A_614 : memref<128x128xf32, #tpu.memory_space<hbm>>)
    %dma_start3A_619 = arith.constant 14 : i32
    %dma_start3A_620 = arith.constant 2 : i32
    %dma_start3A_621 = arith.constant 0 : i32
    %dma_start3A_622 = arith.constant 0 : i32
    %dma_start3A_623 = tpu.memref_slice %arg7[%dma_start3A_620, %dma_start3A_621, %dma_start3A_622] : memref<6x128x128xf32, #tpu.memory_space<vmem>> -> memref<1x128x128xf32, #tpu.memory_space<vmem>>
    %dma_start3A_624 = tpu.memref_squeeze %dma_start3A_623 : memref<1x128x128xf32, #tpu.memory_space<vmem>> -> memref<128x128xf32, #tpu.memory_space<vmem>>
    %dma_start3A_625 = arith.constant 0 : i32
    %dma_start3A_626 = tpu.memref_slice %arg6[%dma_start3A_619, %dma_start3A_625] : memref<24x128xi32, #tpu.memory_space<vmem>> -> memref<1x128xi32, #tpu.memory_space<vmem>>
    %dma_start3A_627 = tpu.memref_squeeze %dma_start3A_626 : memref<1x128xi32, #tpu.memory_space<vmem>> -> memref<128xi32, #tpu.memory_space<vmem>>
    %dma_start3A_628 = arith.constant 0 : i32
    %dma_start3A_629 = arith.constant 0 : i32
    %dma_start3A_630 = tpu.memref_slice %arg2[%dma_start3A_628, %dma_start3A_629] : memref<262144x128xf32, #tpu.memory_space<hbm>> -> memref<262144x128xf32, #tpu.memory_space<hbm>>
    tpu.enqueue_indirect_dma source(%dma_start3A_630 : memref<262144x128xf32, #tpu.memory_space<hbm>>) target(%dma_start3A_624 : memref<128x128xf32, #tpu.memory_space<vmem>>) offsets(%dma_start3A_627 : memref<128xi32, #tpu.memory_space<vmem>>) semaphore(%arg8 : memref<!tpu.dma_semaphore, #tpu.memory_space<semaphore_mem>>)
    %dma_wait3A_631 = arith.constant 9 : i32
    %dma_wait3A_632 = arith.constant 3 : i32
    %dma_wait3A_633 = arith.constant 0 : i32
    %dma_wait3A_634 = arith.constant 0 : i32
    %dma_wait3A_635 = tpu.memref_slice %arg7[%dma_wait3A_632, %dma_wait3A_633, %dma_wait3A_634] : memref<6x128x128xf32, #tpu.memory_space<vmem>> -> memref<1x128x128xf32, #tpu.memory_space<vmem>>
    %dma_wait3A_636 = tpu.memref_squeeze %dma_wait3A_635 : memref<1x128x128xf32, #tpu.memory_space<vmem>> -> memref<128x128xf32, #tpu.memory_space<vmem>>
    %dma_wait3A_637 = arith.constant 0 : i32
    %dma_wait3A_638 = tpu.memref_slice %arg6[%dma_wait3A_631, %dma_wait3A_637] : memref<24x128xi32, #tpu.memory_space<vmem>> -> memref<1x128xi32, #tpu.memory_space<vmem>>
    %dma_wait3A_639 = tpu.memref_squeeze %dma_wait3A_638 : memref<1x128xi32, #tpu.memory_space<vmem>> -> memref<128xi32, #tpu.memory_space<vmem>>
    %dma_wait3A_640 = arith.constant 0 : i32
    %dma_wait3A_641 = arith.constant 0 : i32
    %dma_wait3A_642 = tpu.memref_slice %arg2[%dma_wait3A_640, %dma_wait3A_641] : memref<262144x128xf32, #tpu.memory_space<hbm>> -> memref<262144x128xf32, #tpu.memory_space<hbm>>
    tpu.wait_indirect_dma semaphore(%arg8 : memref<!tpu.dma_semaphore, #tpu.memory_space<semaphore_mem>>) src(%dma_wait3A_642 : memref<262144x128xf32, #tpu.memory_space<hbm>>) dst(%dma_wait3A_636 : memref<128x128xf32, #tpu.memory_space<vmem>>)
    %mul3A_643 = arith.constant 24 : i32
    %mul3A_644 = arith.muli %add3A, %mul3A_643 : i32
    %add3A_645 = arith.constant 9 : i32
    %add3A_646 = arith.addi %mul3A_644, %add3A_645 : i32
    %dma_start3A_647 = arith.constant 3 : i32
    %dma_start3A_648 = arith.constant 0 : i32
    %dma_start3A_649 = arith.constant 0 : i32
    %dma_start3A_650 = tpu.memref_slice %arg7[%dma_start3A_647, %dma_start3A_648, %dma_start3A_649] : memref<6x128x128xf32, #tpu.memory_space<vmem>> -> memref<1x128x128xf32, #tpu.memory_space<vmem>>
    %dma_start3A_651 = tpu.memref_squeeze %dma_start3A_650 : memref<1x128x128xf32, #tpu.memory_space<vmem>> -> memref<128x128xf32, #tpu.memory_space<vmem>>
    %dma_start3A_652 = arith.constant 0 : i32
    %dma_start3A_653 = arith.constant 0 : i32
    %dma_start3A_654 = tpu.memref_slice %arg5[%add3A_646, %dma_start3A_652, %dma_start3A_653] : memref<768x128x128xf32, #tpu.memory_space<hbm>> -> memref<1x128x128xf32, #tpu.memory_space<hbm>>
    %dma_start3A_655 = tpu.memref_squeeze %dma_start3A_654 : memref<1x128x128xf32, #tpu.memory_space<hbm>> -> memref<128x128xf32, #tpu.memory_space<hbm>>
    %dma_start3A_656 = arith.constant 0 : i32
    %dma_start3A_657 = arith.constant 0 : i32
    %dma_start3A_658 = tpu.memref_slice %arg5[%add3A_646, %dma_start3A_656, %dma_start3A_657] : memref<768x128x128xf32, #tpu.memory_space<hbm>> -> memref<1x128x128xf32, #tpu.memory_space<hbm>>
    %dma_start3A_659 = tpu.memref_squeeze %dma_start3A_658 : memref<1x128x128xf32, #tpu.memory_space<hbm>> -> memref<128x128xf32, #tpu.memory_space<hbm>>
    %dma_start3A_660 = arith.constant 0 : i32
    %dma_start3A_661 = arith.constant 0 : i32
    %dma_start3A_662 = tpu.memref_slice %arg7[%dma_start3A_647, %dma_start3A_660, %dma_start3A_661] : memref<6x128x128xf32, #tpu.memory_space<vmem>> -> memref<1x128x128xf32, #tpu.memory_space<vmem>>
    %dma_start3A_663 = tpu.memref_squeeze %dma_start3A_662 : memref<1x128x128xf32, #tpu.memory_space<vmem>> -> memref<128x128xf32, #tpu.memory_space<vmem>>
    tpu.enqueue_dma source(%dma_start3A_663 : memref<128x128xf32, #tpu.memory_space<vmem>>) target(%dma_start3A_659 : memref<128x128xf32, #tpu.memory_space<hbm>>) target_semaphore(%arg9 : memref<!tpu.dma_semaphore, #tpu.memory_space<semaphore_mem>>)
    %dma_wait3A_664 = arith.constant 3 : i32
    %dma_wait3A_665 = arith.constant 0 : i32
    %dma_wait3A_666 = arith.constant 0 : i32
    %dma_wait3A_667 = tpu.memref_slice %arg7[%dma_wait3A_664, %dma_wait3A_665, %dma_wait3A_666] : memref<6x128x128xf32, #tpu.memory_space<vmem>> -> memref<1x128x128xf32, #tpu.memory_space<vmem>>
    %dma_wait3A_668 = tpu.memref_squeeze %dma_wait3A_667 : memref<1x128x128xf32, #tpu.memory_space<vmem>> -> memref<128x128xf32, #tpu.memory_space<vmem>>
    %dma_wait3A_669 = arith.constant 0 : i32
    %dma_wait3A_670 = arith.constant 0 : i32
    %dma_wait3A_671 = tpu.memref_slice %arg5[%add3A_646, %dma_wait3A_669, %dma_wait3A_670] : memref<768x128x128xf32, #tpu.memory_space<hbm>> -> memref<1x128x128xf32, #tpu.memory_space<hbm>>
    %dma_wait3A_672 = tpu.memref_squeeze %dma_wait3A_671 : memref<1x128x128xf32, #tpu.memory_space<hbm>> -> memref<128x128xf32, #tpu.memory_space<hbm>>
    %dma_wait3A_673 = arith.constant 0 : i32
    %dma_wait3A_674 = arith.constant 0 : i32
    %dma_wait3A_675 = tpu.memref_slice %arg5[%add3A_646, %dma_wait3A_673, %dma_wait3A_674] : memref<768x128x128xf32, #tpu.memory_space<hbm>> -> memref<1x128x128xf32, #tpu.memory_space<hbm>>
    %dma_wait3A_676 = tpu.memref_squeeze %dma_wait3A_675 : memref<1x128x128xf32, #tpu.memory_space<hbm>> -> memref<128x128xf32, #tpu.memory_space<hbm>>
    %dma_wait3A_677 = arith.constant 0 : i32
    %dma_wait3A_678 = arith.constant 0 : i32
    %dma_wait3A_679 = tpu.memref_slice %arg7[%dma_wait3A_664, %dma_wait3A_677, %dma_wait3A_678] : memref<6x128x128xf32, #tpu.memory_space<vmem>> -> memref<1x128x128xf32, #tpu.memory_space<vmem>>
    %dma_wait3A_680 = tpu.memref_squeeze %dma_wait3A_679 : memref<1x128x128xf32, #tpu.memory_space<vmem>> -> memref<128x128xf32, #tpu.memory_space<vmem>>
    tpu.wait_dma2 semaphore(%arg9 : memref<!tpu.dma_semaphore, #tpu.memory_space<semaphore_mem>>) src(%dma_wait3A_680 : memref<128x128xf32, #tpu.memory_space<vmem>>) dst(%dma_wait3A_676 : memref<128x128xf32, #tpu.memory_space<hbm>>)
    %dma_start3A_681 = arith.constant 15 : i32
    %dma_start3A_682 = arith.constant 3 : i32
    %dma_start3A_683 = arith.constant 0 : i32
    %dma_start3A_684 = arith.constant 0 : i32
    %dma_start3A_685 = tpu.memref_slice %arg7[%dma_start3A_682, %dma_start3A_683, %dma_start3A_684] : memref<6x128x128xf32, #tpu.memory_space<vmem>> -> memref<1x128x128xf32, #tpu.memory_space<vmem>>
    %dma_start3A_686 = tpu.memref_squeeze %dma_start3A_685 : memref<1x128x128xf32, #tpu.memory_space<vmem>> -> memref<128x128xf32, #tpu.memory_space<vmem>>
    %dma_start3A_687 = arith.constant 0 : i32
    %dma_start3A_688 = tpu.memref_slice %arg6[%dma_start3A_681, %dma_start3A_687] : memref<24x128xi32, #tpu.memory_space<vmem>> -> memref<1x128xi32, #tpu.memory_space<vmem>>
    %dma_start3A_689 = tpu.memref_squeeze %dma_start3A_688 : memref<1x128xi32, #tpu.memory_space<vmem>> -> memref<128xi32, #tpu.memory_space<vmem>>
    %dma_start3A_690 = arith.constant 0 : i32
    %dma_start3A_691 = arith.constant 0 : i32
    %dma_start3A_692 = tpu.memref_slice %arg2[%dma_start3A_690, %dma_start3A_691] : memref<262144x128xf32, #tpu.memory_space<hbm>> -> memref<262144x128xf32, #tpu.memory_space<hbm>>
    tpu.enqueue_indirect_dma source(%dma_start3A_692 : memref<262144x128xf32, #tpu.memory_space<hbm>>) target(%dma_start3A_686 : memref<128x128xf32, #tpu.memory_space<vmem>>) offsets(%dma_start3A_689 : memref<128xi32, #tpu.memory_space<vmem>>) semaphore(%arg8 : memref<!tpu.dma_semaphore, #tpu.memory_space<semaphore_mem>>)
    %dma_wait3A_693 = arith.constant 10 : i32
    %dma_wait3A_694 = arith.constant 4 : i32
    %dma_wait3A_695 = arith.constant 0 : i32
    %dma_wait3A_696 = arith.constant 0 : i32
    %dma_wait3A_697 = tpu.memref_slice %arg7[%dma_wait3A_694, %dma_wait3A_695, %dma_wait3A_696] : memref<6x128x128xf32, #tpu.memory_space<vmem>> -> memref<1x128x128xf32, #tpu.memory_space<vmem>>
    %dma_wait3A_698 = tpu.memref_squeeze %dma_wait3A_697 : memref<1x128x128xf32, #tpu.memory_space<vmem>> -> memref<128x128xf32, #tpu.memory_space<vmem>>
    %dma_wait3A_699 = arith.constant 0 : i32
    %dma_wait3A_700 = tpu.memref_slice %arg6[%dma_wait3A_693, %dma_wait3A_699] : memref<24x128xi32, #tpu.memory_space<vmem>> -> memref<1x128xi32, #tpu.memory_space<vmem>>
    %dma_wait3A_701 = tpu.memref_squeeze %dma_wait3A_700 : memref<1x128xi32, #tpu.memory_space<vmem>> -> memref<128xi32, #tpu.memory_space<vmem>>
    %dma_wait3A_702 = arith.constant 0 : i32
    %dma_wait3A_703 = arith.constant 0 : i32
    %dma_wait3A_704 = tpu.memref_slice %arg2[%dma_wait3A_702, %dma_wait3A_703] : memref<262144x128xf32, #tpu.memory_space<hbm>> -> memref<262144x128xf32, #tpu.memory_space<hbm>>
    tpu.wait_indirect_dma semaphore(%arg8 : memref<!tpu.dma_semaphore, #tpu.memory_space<semaphore_mem>>) src(%dma_wait3A_704 : memref<262144x128xf32, #tpu.memory_space<hbm>>) dst(%dma_wait3A_698 : memref<128x128xf32, #tpu.memory_space<vmem>>)
    %mul3A_705 = arith.constant 24 : i32
    %mul3A_706 = arith.muli %add3A, %mul3A_705 : i32
    %add3A_707 = arith.constant 10 : i32
    %add3A_708 = arith.addi %mul3A_706, %add3A_707 : i32
    %dma_start3A_709 = arith.constant 4 : i32
    %dma_start3A_710 = arith.constant 0 : i32
    %dma_start3A_711 = arith.constant 0 : i32
    %dma_start3A_712 = tpu.memref_slice %arg7[%dma_start3A_709, %dma_start3A_710, %dma_start3A_711] : memref<6x128x128xf32, #tpu.memory_space<vmem>> -> memref<1x128x128xf32, #tpu.memory_space<vmem>>
    %dma_start3A_713 = tpu.memref_squeeze %dma_start3A_712 : memref<1x128x128xf32, #tpu.memory_space<vmem>> -> memref<128x128xf32, #tpu.memory_space<vmem>>
    %dma_start3A_714 = arith.constant 0 : i32
    %dma_start3A_715 = arith.constant 0 : i32
    %dma_start3A_716 = tpu.memref_slice %arg5[%add3A_708, %dma_start3A_714, %dma_start3A_715] : memref<768x128x128xf32, #tpu.memory_space<hbm>> -> memref<1x128x128xf32, #tpu.memory_space<hbm>>
    %dma_start3A_717 = tpu.memref_squeeze %dma_start3A_716 : memref<1x128x128xf32, #tpu.memory_space<hbm>> -> memref<128x128xf32, #tpu.memory_space<hbm>>
    %dma_start3A_718 = arith.constant 0 : i32
    %dma_start3A_719 = arith.constant 0 : i32
    %dma_start3A_720 = tpu.memref_slice %arg5[%add3A_708, %dma_start3A_718, %dma_start3A_719] : memref<768x128x128xf32, #tpu.memory_space<hbm>> -> memref<1x128x128xf32, #tpu.memory_space<hbm>>
    %dma_start3A_721 = tpu.memref_squeeze %dma_start3A_720 : memref<1x128x128xf32, #tpu.memory_space<hbm>> -> memref<128x128xf32, #tpu.memory_space<hbm>>
    %dma_start3A_722 = arith.constant 0 : i32
    %dma_start3A_723 = arith.constant 0 : i32
    %dma_start3A_724 = tpu.memref_slice %arg7[%dma_start3A_709, %dma_start3A_722, %dma_start3A_723] : memref<6x128x128xf32, #tpu.memory_space<vmem>> -> memref<1x128x128xf32, #tpu.memory_space<vmem>>
    %dma_start3A_725 = tpu.memref_squeeze %dma_start3A_724 : memref<1x128x128xf32, #tpu.memory_space<vmem>> -> memref<128x128xf32, #tpu.memory_space<vmem>>
    tpu.enqueue_dma source(%dma_start3A_725 : memref<128x128xf32, #tpu.memory_space<vmem>>) target(%dma_start3A_721 : memref<128x128xf32, #tpu.memory_space<hbm>>) target_semaphore(%arg9 : memref<!tpu.dma_semaphore, #tpu.memory_space<semaphore_mem>>)
    %dma_wait3A_726 = arith.constant 4 : i32
    %dma_wait3A_727 = arith.constant 0 : i32
    %dma_wait3A_728 = arith.constant 0 : i32
    %dma_wait3A_729 = tpu.memref_slice %arg7[%dma_wait3A_726, %dma_wait3A_727, %dma_wait3A_728] : memref<6x128x128xf32, #tpu.memory_space<vmem>> -> memref<1x128x128xf32, #tpu.memory_space<vmem>>
    %dma_wait3A_730 = tpu.memref_squeeze %dma_wait3A_729 : memref<1x128x128xf32, #tpu.memory_space<vmem>> -> memref<128x128xf32, #tpu.memory_space<vmem>>
    %dma_wait3A_731 = arith.constant 0 : i32
    %dma_wait3A_732 = arith.constant 0 : i32
    %dma_wait3A_733 = tpu.memref_slice %arg5[%add3A_708, %dma_wait3A_731, %dma_wait3A_732] : memref<768x128x128xf32, #tpu.memory_space<hbm>> -> memref<1x128x128xf32, #tpu.memory_space<hbm>>
    %dma_wait3A_734 = tpu.memref_squeeze %dma_wait3A_733 : memref<1x128x128xf32, #tpu.memory_space<hbm>> -> memref<128x128xf32, #tpu.memory_space<hbm>>
    %dma_wait3A_735 = arith.constant 0 : i32
    %dma_wait3A_736 = arith.constant 0 : i32
    %dma_wait3A_737 = tpu.memref_slice %arg5[%add3A_708, %dma_wait3A_735, %dma_wait3A_736] : memref<768x128x128xf32, #tpu.memory_space<hbm>> -> memref<1x128x128xf32, #tpu.memory_space<hbm>>
    %dma_wait3A_738 = tpu.memref_squeeze %dma_wait3A_737 : memref<1x128x128xf32, #tpu.memory_space<hbm>> -> memref<128x128xf32, #tpu.memory_space<hbm>>
    %dma_wait3A_739 = arith.constant 0 : i32
    %dma_wait3A_740 = arith.constant 0 : i32
    %dma_wait3A_741 = tpu.memref_slice %arg7[%dma_wait3A_726, %dma_wait3A_739, %dma_wait3A_740] : memref<6x128x128xf32, #tpu.memory_space<vmem>> -> memref<1x128x128xf32, #tpu.memory_space<vmem>>
    %dma_wait3A_742 = tpu.memref_squeeze %dma_wait3A_741 : memref<1x128x128xf32, #tpu.memory_space<vmem>> -> memref<128x128xf32, #tpu.memory_space<vmem>>
    tpu.wait_dma2 semaphore(%arg9 : memref<!tpu.dma_semaphore, #tpu.memory_space<semaphore_mem>>) src(%dma_wait3A_742 : memref<128x128xf32, #tpu.memory_space<vmem>>) dst(%dma_wait3A_738 : memref<128x128xf32, #tpu.memory_space<hbm>>)
    %dma_start3A_743 = arith.constant 16 : i32
    %dma_start3A_744 = arith.constant 4 : i32
    %dma_start3A_745 = arith.constant 0 : i32
    %dma_start3A_746 = arith.constant 0 : i32
    %dma_start3A_747 = tpu.memref_slice %arg7[%dma_start3A_744, %dma_start3A_745, %dma_start3A_746] : memref<6x128x128xf32, #tpu.memory_space<vmem>> -> memref<1x128x128xf32, #tpu.memory_space<vmem>>
    %dma_start3A_748 = tpu.memref_squeeze %dma_start3A_747 : memref<1x128x128xf32, #tpu.memory_space<vmem>> -> memref<128x128xf32, #tpu.memory_space<vmem>>
    %dma_start3A_749 = arith.constant 0 : i32
    %dma_start3A_750 = tpu.memref_slice %arg6[%dma_start3A_743, %dma_start3A_749] : memref<24x128xi32, #tpu.memory_space<vmem>> -> memref<1x128xi32, #tpu.memory_space<vmem>>
    %dma_start3A_751 = tpu.memref_squeeze %dma_start3A_750 : memref<1x128xi32, #tpu.memory_space<vmem>> -> memref<128xi32, #tpu.memory_space<vmem>>
    %dma_start3A_752 = arith.constant 0 : i32
    %dma_start3A_753 = arith.constant 0 : i32
    %dma_start3A_754 = tpu.memref_slice %arg2[%dma_start3A_752, %dma_start3A_753] : memref<262144x128xf32, #tpu.memory_space<hbm>> -> memref<262144x128xf32, #tpu.memory_space<hbm>>
    tpu.enqueue_indirect_dma source(%dma_start3A_754 : memref<262144x128xf32, #tpu.memory_space<hbm>>) target(%dma_start3A_748 : memref<128x128xf32, #tpu.memory_space<vmem>>) offsets(%dma_start3A_751 : memref<128xi32, #tpu.memory_space<vmem>>) semaphore(%arg8 : memref<!tpu.dma_semaphore, #tpu.memory_space<semaphore_mem>>)
    %dma_wait3A_755 = arith.constant 11 : i32
    %dma_wait3A_756 = arith.constant 5 : i32
    %dma_wait3A_757 = arith.constant 0 : i32
    %dma_wait3A_758 = arith.constant 0 : i32
    %dma_wait3A_759 = tpu.memref_slice %arg7[%dma_wait3A_756, %dma_wait3A_757, %dma_wait3A_758] : memref<6x128x128xf32, #tpu.memory_space<vmem>> -> memref<1x128x128xf32, #tpu.memory_space<vmem>>
    %dma_wait3A_760 = tpu.memref_squeeze %dma_wait3A_759 : memref<1x128x128xf32, #tpu.memory_space<vmem>> -> memref<128x128xf32, #tpu.memory_space<vmem>>
    %dma_wait3A_761 = arith.constant 0 : i32
    %dma_wait3A_762 = tpu.memref_slice %arg6[%dma_wait3A_755, %dma_wait3A_761] : memref<24x128xi32, #tpu.memory_space<vmem>> -> memref<1x128xi32, #tpu.memory_space<vmem>>
    %dma_wait3A_763 = tpu.memref_squeeze %dma_wait3A_762 : memref<1x128xi32, #tpu.memory_space<vmem>> -> memref<128xi32, #tpu.memory_space<vmem>>
    %dma_wait3A_764 = arith.constant 0 : i32
    %dma_wait3A_765 = arith.constant 0 : i32
    %dma_wait3A_766 = tpu.memref_slice %arg2[%dma_wait3A_764, %dma_wait3A_765] : memref<262144x128xf32, #tpu.memory_space<hbm>> -> memref<262144x128xf32, #tpu.memory_space<hbm>>
    tpu.wait_indirect_dma semaphore(%arg8 : memref<!tpu.dma_semaphore, #tpu.memory_space<semaphore_mem>>) src(%dma_wait3A_766 : memref<262144x128xf32, #tpu.memory_space<hbm>>) dst(%dma_wait3A_760 : memref<128x128xf32, #tpu.memory_space<vmem>>)
    %mul3A_767 = arith.constant 24 : i32
    %mul3A_768 = arith.muli %add3A, %mul3A_767 : i32
    %add3A_769 = arith.constant 11 : i32
    %add3A_770 = arith.addi %mul3A_768, %add3A_769 : i32
    %dma_start3A_771 = arith.constant 5 : i32
    %dma_start3A_772 = arith.constant 0 : i32
    %dma_start3A_773 = arith.constant 0 : i32
    %dma_start3A_774 = tpu.memref_slice %arg7[%dma_start3A_771, %dma_start3A_772, %dma_start3A_773] : memref<6x128x128xf32, #tpu.memory_space<vmem>> -> memref<1x128x128xf32, #tpu.memory_space<vmem>>
    %dma_start3A_775 = tpu.memref_squeeze %dma_start3A_774 : memref<1x128x128xf32, #tpu.memory_space<vmem>> -> memref<128x128xf32, #tpu.memory_space<vmem>>
    %dma_start3A_776 = arith.constant 0 : i32
    %dma_start3A_777 = arith.constant 0 : i32
    %dma_start3A_778 = tpu.memref_slice %arg5[%add3A_770, %dma_start3A_776, %dma_start3A_777] : memref<768x128x128xf32, #tpu.memory_space<hbm>> -> memref<1x128x128xf32, #tpu.memory_space<hbm>>
    %dma_start3A_779 = tpu.memref_squeeze %dma_start3A_778 : memref<1x128x128xf32, #tpu.memory_space<hbm>> -> memref<128x128xf32, #tpu.memory_space<hbm>>
    %dma_start3A_780 = arith.constant 0 : i32
    %dma_start3A_781 = arith.constant 0 : i32
    %dma_start3A_782 = tpu.memref_slice %arg5[%add3A_770, %dma_start3A_780, %dma_start3A_781] : memref<768x128x128xf32, #tpu.memory_space<hbm>> -> memref<1x128x128xf32, #tpu.memory_space<hbm>>
    %dma_start3A_783 = tpu.memref_squeeze %dma_start3A_782 : memref<1x128x128xf32, #tpu.memory_space<hbm>> -> memref<128x128xf32, #tpu.memory_space<hbm>>
    %dma_start3A_784 = arith.constant 0 : i32
    %dma_start3A_785 = arith.constant 0 : i32
    %dma_start3A_786 = tpu.memref_slice %arg7[%dma_start3A_771, %dma_start3A_784, %dma_start3A_785] : memref<6x128x128xf32, #tpu.memory_space<vmem>> -> memref<1x128x128xf32, #tpu.memory_space<vmem>>
    %dma_start3A_787 = tpu.memref_squeeze %dma_start3A_786 : memref<1x128x128xf32, #tpu.memory_space<vmem>> -> memref<128x128xf32, #tpu.memory_space<vmem>>
    tpu.enqueue_dma source(%dma_start3A_787 : memref<128x128xf32, #tpu.memory_space<vmem>>) target(%dma_start3A_783 : memref<128x128xf32, #tpu.memory_space<hbm>>) target_semaphore(%arg9 : memref<!tpu.dma_semaphore, #tpu.memory_space<semaphore_mem>>)
    %dma_wait3A_788 = arith.constant 5 : i32
    %dma_wait3A_789 = arith.constant 0 : i32
    %dma_wait3A_790 = arith.constant 0 : i32
    %dma_wait3A_791 = tpu.memref_slice %arg7[%dma_wait3A_788, %dma_wait3A_789, %dma_wait3A_790] : memref<6x128x128xf32, #tpu.memory_space<vmem>> -> memref<1x128x128xf32, #tpu.memory_space<vmem>>
    %dma_wait3A_792 = tpu.memref_squeeze %dma_wait3A_791 : memref<1x128x128xf32, #tpu.memory_space<vmem>> -> memref<128x128xf32, #tpu.memory_space<vmem>>
    %dma_wait3A_793 = arith.constant 0 : i32
    %dma_wait3A_794 = arith.constant 0 : i32
    %dma_wait3A_795 = tpu.memref_slice %arg5[%add3A_770, %dma_wait3A_793, %dma_wait3A_794] : memref<768x128x128xf32, #tpu.memory_space<hbm>> -> memref<1x128x128xf32, #tpu.memory_space<hbm>>
    %dma_wait3A_796 = tpu.memref_squeeze %dma_wait3A_795 : memref<1x128x128xf32, #tpu.memory_space<hbm>> -> memref<128x128xf32, #tpu.memory_space<hbm>>
    %dma_wait3A_797 = arith.constant 0 : i32
    %dma_wait3A_798 = arith.constant 0 : i32
    %dma_wait3A_799 = tpu.memref_slice %arg5[%add3A_770, %dma_wait3A_797, %dma_wait3A_798] : memref<768x128x128xf32, #tpu.memory_space<hbm>> -> memref<1x128x128xf32, #tpu.memory_space<hbm>>
    %dma_wait3A_800 = tpu.memref_squeeze %dma_wait3A_799 : memref<1x128x128xf32, #tpu.memory_space<hbm>> -> memref<128x128xf32, #tpu.memory_space<hbm>>
    %dma_wait3A_801 = arith.constant 0 : i32
    %dma_wait3A_802 = arith.constant 0 : i32
    %dma_wait3A_803 = tpu.memref_slice %arg7[%dma_wait3A_788, %dma_wait3A_801, %dma_wait3A_802] : memref<6x128x128xf32, #tpu.memory_space<vmem>> -> memref<1x128x128xf32, #tpu.memory_space<vmem>>
    %dma_wait3A_804 = tpu.memref_squeeze %dma_wait3A_803 : memref<1x128x128xf32, #tpu.memory_space<vmem>> -> memref<128x128xf32, #tpu.memory_space<vmem>>
    tpu.wait_dma2 semaphore(%arg9 : memref<!tpu.dma_semaphore, #tpu.memory_space<semaphore_mem>>) src(%dma_wait3A_804 : memref<128x128xf32, #tpu.memory_space<vmem>>) dst(%dma_wait3A_800 : memref<128x128xf32, #tpu.memory_space<hbm>>)
    %dma_start3A_805 = arith.constant 17 : i32
    %dma_start3A_806 = arith.constant 5 : i32
    %dma_start3A_807 = arith.constant 0 : i32
    %dma_start3A_808 = arith.constant 0 : i32
    %dma_start3A_809 = tpu.memref_slice %arg7[%dma_start3A_806, %dma_start3A_807, %dma_start3A_808] : memref<6x128x128xf32, #tpu.memory_space<vmem>> -> memref<1x128x128xf32, #tpu.memory_space<vmem>>
    %dma_start3A_810 = tpu.memref_squeeze %dma_start3A_809 : memref<1x128x128xf32, #tpu.memory_space<vmem>> -> memref<128x128xf32, #tpu.memory_space<vmem>>
    %dma_start3A_811 = arith.constant 0 : i32
    %dma_start3A_812 = tpu.memref_slice %arg6[%dma_start3A_805, %dma_start3A_811] : memref<24x128xi32, #tpu.memory_space<vmem>> -> memref<1x128xi32, #tpu.memory_space<vmem>>
    %dma_start3A_813 = tpu.memref_squeeze %dma_start3A_812 : memref<1x128xi32, #tpu.memory_space<vmem>> -> memref<128xi32, #tpu.memory_space<vmem>>
    %dma_start3A_814 = arith.constant 0 : i32
    %dma_start3A_815 = arith.constant 0 : i32
    %dma_start3A_816 = tpu.memref_slice %arg2[%dma_start3A_814, %dma_start3A_815] : memref<262144x128xf32, #tpu.memory_space<hbm>> -> memref<262144x128xf32, #tpu.memory_space<hbm>>
    tpu.enqueue_indirect_dma source(%dma_start3A_816 : memref<262144x128xf32, #tpu.memory_space<hbm>>) target(%dma_start3A_810 : memref<128x128xf32, #tpu.memory_space<vmem>>) offsets(%dma_start3A_813 : memref<128xi32, #tpu.memory_space<vmem>>) semaphore(%arg8 : memref<!tpu.dma_semaphore, #tpu.memory_space<semaphore_mem>>)
    %dma_wait3A_817 = arith.constant 12 : i32
    %dma_wait3A_818 = arith.constant 0 : i32
    %dma_wait3A_819 = arith.constant 0 : i32
    %dma_wait3A_820 = arith.constant 0 : i32
    %dma_wait3A_821 = tpu.memref_slice %arg7[%dma_wait3A_818, %dma_wait3A_819, %dma_wait3A_820] : memref<6x128x128xf32, #tpu.memory_space<vmem>> -> memref<1x128x128xf32, #tpu.memory_space<vmem>>
    %dma_wait3A_822 = tpu.memref_squeeze %dma_wait3A_821 : memref<1x128x128xf32, #tpu.memory_space<vmem>> -> memref<128x128xf32, #tpu.memory_space<vmem>>
    %dma_wait3A_823 = arith.constant 0 : i32
    %dma_wait3A_824 = tpu.memref_slice %arg6[%dma_wait3A_817, %dma_wait3A_823] : memref<24x128xi32, #tpu.memory_space<vmem>> -> memref<1x128xi32, #tpu.memory_space<vmem>>
    %dma_wait3A_825 = tpu.memref_squeeze %dma_wait3A_824 : memref<1x128xi32, #tpu.memory_space<vmem>> -> memref<128xi32, #tpu.memory_space<vmem>>
    %dma_wait3A_826 = arith.constant 0 : i32
    %dma_wait3A_827 = arith.constant 0 : i32
    %dma_wait3A_828 = tpu.memref_slice %arg2[%dma_wait3A_826, %dma_wait3A_827] : memref<262144x128xf32, #tpu.memory_space<hbm>> -> memref<262144x128xf32, #tpu.memory_space<hbm>>
    tpu.wait_indirect_dma semaphore(%arg8 : memref<!tpu.dma_semaphore, #tpu.memory_space<semaphore_mem>>) src(%dma_wait3A_828 : memref<262144x128xf32, #tpu.memory_space<hbm>>) dst(%dma_wait3A_822 : memref<128x128xf32, #tpu.memory_space<vmem>>)
    %mul3A_829 = arith.constant 24 : i32
    %mul3A_830 = arith.muli %add3A, %mul3A_829 : i32
    %add3A_831 = arith.constant 12 : i32
    %add3A_832 = arith.addi %mul3A_830, %add3A_831 : i32
    %dma_start3A_833 = arith.constant 0 : i32
    %dma_start3A_834 = arith.constant 0 : i32
    %dma_start3A_835 = arith.constant 0 : i32
    %dma_start3A_836 = tpu.memref_slice %arg7[%dma_start3A_833, %dma_start3A_834, %dma_start3A_835] : memref<6x128x128xf32, #tpu.memory_space<vmem>> -> memref<1x128x128xf32, #tpu.memory_space<vmem>>
    %dma_start3A_837 = tpu.memref_squeeze %dma_start3A_836 : memref<1x128x128xf32, #tpu.memory_space<vmem>> -> memref<128x128xf32, #tpu.memory_space<vmem>>
    %dma_start3A_838 = arith.constant 0 : i32
    %dma_start3A_839 = arith.constant 0 : i32
    %dma_start3A_840 = tpu.memref_slice %arg5[%add3A_832, %dma_start3A_838, %dma_start3A_839] : memref<768x128x128xf32, #tpu.memory_space<hbm>> -> memref<1x128x128xf32, #tpu.memory_space<hbm>>
    %dma_start3A_841 = tpu.memref_squeeze %dma_start3A_840 : memref<1x128x128xf32, #tpu.memory_space<hbm>> -> memref<128x128xf32, #tpu.memory_space<hbm>>
    %dma_start3A_842 = arith.constant 0 : i32
    %dma_start3A_843 = arith.constant 0 : i32
    %dma_start3A_844 = tpu.memref_slice %arg5[%add3A_832, %dma_start3A_842, %dma_start3A_843] : memref<768x128x128xf32, #tpu.memory_space<hbm>> -> memref<1x128x128xf32, #tpu.memory_space<hbm>>
    %dma_start3A_845 = tpu.memref_squeeze %dma_start3A_844 : memref<1x128x128xf32, #tpu.memory_space<hbm>> -> memref<128x128xf32, #tpu.memory_space<hbm>>
    %dma_start3A_846 = arith.constant 0 : i32
    %dma_start3A_847 = arith.constant 0 : i32
    %dma_start3A_848 = tpu.memref_slice %arg7[%dma_start3A_833, %dma_start3A_846, %dma_start3A_847] : memref<6x128x128xf32, #tpu.memory_space<vmem>> -> memref<1x128x128xf32, #tpu.memory_space<vmem>>
    %dma_start3A_849 = tpu.memref_squeeze %dma_start3A_848 : memref<1x128x128xf32, #tpu.memory_space<vmem>> -> memref<128x128xf32, #tpu.memory_space<vmem>>
    tpu.enqueue_dma source(%dma_start3A_849 : memref<128x128xf32, #tpu.memory_space<vmem>>) target(%dma_start3A_845 : memref<128x128xf32, #tpu.memory_space<hbm>>) target_semaphore(%arg9 : memref<!tpu.dma_semaphore, #tpu.memory_space<semaphore_mem>>)
    %dma_wait3A_850 = arith.constant 0 : i32
    %dma_wait3A_851 = arith.constant 0 : i32
    %dma_wait3A_852 = arith.constant 0 : i32
    %dma_wait3A_853 = tpu.memref_slice %arg7[%dma_wait3A_850, %dma_wait3A_851, %dma_wait3A_852] : memref<6x128x128xf32, #tpu.memory_space<vmem>> -> memref<1x128x128xf32, #tpu.memory_space<vmem>>
    %dma_wait3A_854 = tpu.memref_squeeze %dma_wait3A_853 : memref<1x128x128xf32, #tpu.memory_space<vmem>> -> memref<128x128xf32, #tpu.memory_space<vmem>>
    %dma_wait3A_855 = arith.constant 0 : i32
    %dma_wait3A_856 = arith.constant 0 : i32
    %dma_wait3A_857 = tpu.memref_slice %arg5[%add3A_832, %dma_wait3A_855, %dma_wait3A_856] : memref<768x128x128xf32, #tpu.memory_space<hbm>> -> memref<1x128x128xf32, #tpu.memory_space<hbm>>
    %dma_wait3A_858 = tpu.memref_squeeze %dma_wait3A_857 : memref<1x128x128xf32, #tpu.memory_space<hbm>> -> memref<128x128xf32, #tpu.memory_space<hbm>>
    %dma_wait3A_859 = arith.constant 0 : i32
    %dma_wait3A_860 = arith.constant 0 : i32
    %dma_wait3A_861 = tpu.memref_slice %arg5[%add3A_832, %dma_wait3A_859, %dma_wait3A_860] : memref<768x128x128xf32, #tpu.memory_space<hbm>> -> memref<1x128x128xf32, #tpu.memory_space<hbm>>
    %dma_wait3A_862 = tpu.memref_squeeze %dma_wait3A_861 : memref<1x128x128xf32, #tpu.memory_space<hbm>> -> memref<128x128xf32, #tpu.memory_space<hbm>>
    %dma_wait3A_863 = arith.constant 0 : i32
    %dma_wait3A_864 = arith.constant 0 : i32
    %dma_wait3A_865 = tpu.memref_slice %arg7[%dma_wait3A_850, %dma_wait3A_863, %dma_wait3A_864] : memref<6x128x128xf32, #tpu.memory_space<vmem>> -> memref<1x128x128xf32, #tpu.memory_space<vmem>>
    %dma_wait3A_866 = tpu.memref_squeeze %dma_wait3A_865 : memref<1x128x128xf32, #tpu.memory_space<vmem>> -> memref<128x128xf32, #tpu.memory_space<vmem>>
    tpu.wait_dma2 semaphore(%arg9 : memref<!tpu.dma_semaphore, #tpu.memory_space<semaphore_mem>>) src(%dma_wait3A_866 : memref<128x128xf32, #tpu.memory_space<vmem>>) dst(%dma_wait3A_862 : memref<128x128xf32, #tpu.memory_space<hbm>>)
    %dma_start3A_867 = arith.constant 18 : i32
    %dma_start3A_868 = arith.constant 0 : i32
    %dma_start3A_869 = arith.constant 0 : i32
    %dma_start3A_870 = arith.constant 0 : i32
    %dma_start3A_871 = tpu.memref_slice %arg7[%dma_start3A_868, %dma_start3A_869, %dma_start3A_870] : memref<6x128x128xf32, #tpu.memory_space<vmem>> -> memref<1x128x128xf32, #tpu.memory_space<vmem>>
    %dma_start3A_872 = tpu.memref_squeeze %dma_start3A_871 : memref<1x128x128xf32, #tpu.memory_space<vmem>> -> memref<128x128xf32, #tpu.memory_space<vmem>>
    %dma_start3A_873 = arith.constant 0 : i32
    %dma_start3A_874 = tpu.memref_slice %arg6[%dma_start3A_867, %dma_start3A_873] : memref<24x128xi32, #tpu.memory_space<vmem>> -> memref<1x128xi32, #tpu.memory_space<vmem>>
    %dma_start3A_875 = tpu.memref_squeeze %dma_start3A_874 : memref<1x128xi32, #tpu.memory_space<vmem>> -> memref<128xi32, #tpu.memory_space<vmem>>
    %dma_start3A_876 = arith.constant 0 : i32
    %dma_start3A_877 = arith.constant 0 : i32
    %dma_start3A_878 = tpu.memref_slice %arg2[%dma_start3A_876, %dma_start3A_877] : memref<262144x128xf32, #tpu.memory_space<hbm>> -> memref<262144x128xf32, #tpu.memory_space<hbm>>
    tpu.enqueue_indirect_dma source(%dma_start3A_878 : memref<262144x128xf32, #tpu.memory_space<hbm>>) target(%dma_start3A_872 : memref<128x128xf32, #tpu.memory_space<vmem>>) offsets(%dma_start3A_875 : memref<128xi32, #tpu.memory_space<vmem>>) semaphore(%arg8 : memref<!tpu.dma_semaphore, #tpu.memory_space<semaphore_mem>>)
    %dma_wait3A_879 = arith.constant 13 : i32
    %dma_wait3A_880 = arith.constant 1 : i32
    %dma_wait3A_881 = arith.constant 0 : i32
    %dma_wait3A_882 = arith.constant 0 : i32
    %dma_wait3A_883 = tpu.memref_slice %arg7[%dma_wait3A_880, %dma_wait3A_881, %dma_wait3A_882] : memref<6x128x128xf32, #tpu.memory_space<vmem>> -> memref<1x128x128xf32, #tpu.memory_space<vmem>>
    %dma_wait3A_884 = tpu.memref_squeeze %dma_wait3A_883 : memref<1x128x128xf32, #tpu.memory_space<vmem>> -> memref<128x128xf32, #tpu.memory_space<vmem>>
    %dma_wait3A_885 = arith.constant 0 : i32
    %dma_wait3A_886 = tpu.memref_slice %arg6[%dma_wait3A_879, %dma_wait3A_885] : memref<24x128xi32, #tpu.memory_space<vmem>> -> memref<1x128xi32, #tpu.memory_space<vmem>>
    %dma_wait3A_887 = tpu.memref_squeeze %dma_wait3A_886 : memref<1x128xi32, #tpu.memory_space<vmem>> -> memref<128xi32, #tpu.memory_space<vmem>>
    %dma_wait3A_888 = arith.constant 0 : i32
    %dma_wait3A_889 = arith.constant 0 : i32
    %dma_wait3A_890 = tpu.memref_slice %arg2[%dma_wait3A_888, %dma_wait3A_889] : memref<262144x128xf32, #tpu.memory_space<hbm>> -> memref<262144x128xf32, #tpu.memory_space<hbm>>
    tpu.wait_indirect_dma semaphore(%arg8 : memref<!tpu.dma_semaphore, #tpu.memory_space<semaphore_mem>>) src(%dma_wait3A_890 : memref<262144x128xf32, #tpu.memory_space<hbm>>) dst(%dma_wait3A_884 : memref<128x128xf32, #tpu.memory_space<vmem>>)
    %mul3A_891 = arith.constant 24 : i32
    %mul3A_892 = arith.muli %add3A, %mul3A_891 : i32
    %add3A_893 = arith.constant 13 : i32
    %add3A_894 = arith.addi %mul3A_892, %add3A_893 : i32
    %dma_start3A_895 = arith.constant 1 : i32
    %dma_start3A_896 = arith.constant 0 : i32
    %dma_start3A_897 = arith.constant 0 : i32
    %dma_start3A_898 = tpu.memref_slice %arg7[%dma_start3A_895, %dma_start3A_896, %dma_start3A_897] : memref<6x128x128xf32, #tpu.memory_space<vmem>> -> memref<1x128x128xf32, #tpu.memory_space<vmem>>
    %dma_start3A_899 = tpu.memref_squeeze %dma_start3A_898 : memref<1x128x128xf32, #tpu.memory_space<vmem>> -> memref<128x128xf32, #tpu.memory_space<vmem>>
    %dma_start3A_900 = arith.constant 0 : i32
    %dma_start3A_901 = arith.constant 0 : i32
    %dma_start3A_902 = tpu.memref_slice %arg5[%add3A_894, %dma_start3A_900, %dma_start3A_901] : memref<768x128x128xf32, #tpu.memory_space<hbm>> -> memref<1x128x128xf32, #tpu.memory_space<hbm>>
    %dma_start3A_903 = tpu.memref_squeeze %dma_start3A_902 : memref<1x128x128xf32, #tpu.memory_space<hbm>> -> memref<128x128xf32, #tpu.memory_space<hbm>>
    %dma_start3A_904 = arith.constant 0 : i32
    %dma_start3A_905 = arith.constant 0 : i32
    %dma_start3A_906 = tpu.memref_slice %arg5[%add3A_894, %dma_start3A_904, %dma_start3A_905] : memref<768x128x128xf32, #tpu.memory_space<hbm>> -> memref<1x128x128xf32, #tpu.memory_space<hbm>>
    %dma_start3A_907 = tpu.memref_squeeze %dma_start3A_906 : memref<1x128x128xf32, #tpu.memory_space<hbm>> -> memref<128x128xf32, #tpu.memory_space<hbm>>
    %dma_start3A_908 = arith.constant 0 : i32
    %dma_start3A_909 = arith.constant 0 : i32
    %dma_start3A_910 = tpu.memref_slice %arg7[%dma_start3A_895, %dma_start3A_908, %dma_start3A_909] : memref<6x128x128xf32, #tpu.memory_space<vmem>> -> memref<1x128x128xf32, #tpu.memory_space<vmem>>
    %dma_start3A_911 = tpu.memref_squeeze %dma_start3A_910 : memref<1x128x128xf32, #tpu.memory_space<vmem>> -> memref<128x128xf32, #tpu.memory_space<vmem>>
    tpu.enqueue_dma source(%dma_start3A_911 : memref<128x128xf32, #tpu.memory_space<vmem>>) target(%dma_start3A_907 : memref<128x128xf32, #tpu.memory_space<hbm>>) target_semaphore(%arg9 : memref<!tpu.dma_semaphore, #tpu.memory_space<semaphore_mem>>)
    %dma_wait3A_912 = arith.constant 1 : i32
    %dma_wait3A_913 = arith.constant 0 : i32
    %dma_wait3A_914 = arith.constant 0 : i32
    %dma_wait3A_915 = tpu.memref_slice %arg7[%dma_wait3A_912, %dma_wait3A_913, %dma_wait3A_914] : memref<6x128x128xf32, #tpu.memory_space<vmem>> -> memref<1x128x128xf32, #tpu.memory_space<vmem>>
    %dma_wait3A_916 = tpu.memref_squeeze %dma_wait3A_915 : memref<1x128x128xf32, #tpu.memory_space<vmem>> -> memref<128x128xf32, #tpu.memory_space<vmem>>
    %dma_wait3A_917 = arith.constant 0 : i32
    %dma_wait3A_918 = arith.constant 0 : i32
    %dma_wait3A_919 = tpu.memref_slice %arg5[%add3A_894, %dma_wait3A_917, %dma_wait3A_918] : memref<768x128x128xf32, #tpu.memory_space<hbm>> -> memref<1x128x128xf32, #tpu.memory_space<hbm>>
    %dma_wait3A_920 = tpu.memref_squeeze %dma_wait3A_919 : memref<1x128x128xf32, #tpu.memory_space<hbm>> -> memref<128x128xf32, #tpu.memory_space<hbm>>
    %dma_wait3A_921 = arith.constant 0 : i32
    %dma_wait3A_922 = arith.constant 0 : i32
    %dma_wait3A_923 = tpu.memref_slice %arg5[%add3A_894, %dma_wait3A_921, %dma_wait3A_922] : memref<768x128x128xf32, #tpu.memory_space<hbm>> -> memref<1x128x128xf32, #tpu.memory_space<hbm>>
    %dma_wait3A_924 = tpu.memref_squeeze %dma_wait3A_923 : memref<1x128x128xf32, #tpu.memory_space<hbm>> -> memref<128x128xf32, #tpu.memory_space<hbm>>
    %dma_wait3A_925 = arith.constant 0 : i32
    %dma_wait3A_926 = arith.constant 0 : i32
    %dma_wait3A_927 = tpu.memref_slice %arg7[%dma_wait3A_912, %dma_wait3A_925, %dma_wait3A_926] : memref<6x128x128xf32, #tpu.memory_space<vmem>> -> memref<1x128x128xf32, #tpu.memory_space<vmem>>
    %dma_wait3A_928 = tpu.memref_squeeze %dma_wait3A_927 : memref<1x128x128xf32, #tpu.memory_space<vmem>> -> memref<128x128xf32, #tpu.memory_space<vmem>>
    tpu.wait_dma2 semaphore(%arg9 : memref<!tpu.dma_semaphore, #tpu.memory_space<semaphore_mem>>) src(%dma_wait3A_928 : memref<128x128xf32, #tpu.memory_space<vmem>>) dst(%dma_wait3A_924 : memref<128x128xf32, #tpu.memory_space<hbm>>)
    %dma_start3A_929 = arith.constant 19 : i32
    %dma_start3A_930 = arith.constant 1 : i32
    %dma_start3A_931 = arith.constant 0 : i32
    %dma_start3A_932 = arith.constant 0 : i32
    %dma_start3A_933 = tpu.memref_slice %arg7[%dma_start3A_930, %dma_start3A_931, %dma_start3A_932] : memref<6x128x128xf32, #tpu.memory_space<vmem>> -> memref<1x128x128xf32, #tpu.memory_space<vmem>>
    %dma_start3A_934 = tpu.memref_squeeze %dma_start3A_933 : memref<1x128x128xf32, #tpu.memory_space<vmem>> -> memref<128x128xf32, #tpu.memory_space<vmem>>
    %dma_start3A_935 = arith.constant 0 : i32
    %dma_start3A_936 = tpu.memref_slice %arg6[%dma_start3A_929, %dma_start3A_935] : memref<24x128xi32, #tpu.memory_space<vmem>> -> memref<1x128xi32, #tpu.memory_space<vmem>>
    %dma_start3A_937 = tpu.memref_squeeze %dma_start3A_936 : memref<1x128xi32, #tpu.memory_space<vmem>> -> memref<128xi32, #tpu.memory_space<vmem>>
    %dma_start3A_938 = arith.constant 0 : i32
    %dma_start3A_939 = arith.constant 0 : i32
    %dma_start3A_940 = tpu.memref_slice %arg2[%dma_start3A_938, %dma_start3A_939] : memref<262144x128xf32, #tpu.memory_space<hbm>> -> memref<262144x128xf32, #tpu.memory_space<hbm>>
    tpu.enqueue_indirect_dma source(%dma_start3A_940 : memref<262144x128xf32, #tpu.memory_space<hbm>>) target(%dma_start3A_934 : memref<128x128xf32, #tpu.memory_space<vmem>>) offsets(%dma_start3A_937 : memref<128xi32, #tpu.memory_space<vmem>>) semaphore(%arg8 : memref<!tpu.dma_semaphore, #tpu.memory_space<semaphore_mem>>)
    %dma_wait3A_941 = arith.constant 14 : i32
    %dma_wait3A_942 = arith.constant 2 : i32
    %dma_wait3A_943 = arith.constant 0 : i32
    %dma_wait3A_944 = arith.constant 0 : i32
    %dma_wait3A_945 = tpu.memref_slice %arg7[%dma_wait3A_942, %dma_wait3A_943, %dma_wait3A_944] : memref<6x128x128xf32, #tpu.memory_space<vmem>> -> memref<1x128x128xf32, #tpu.memory_space<vmem>>
    %dma_wait3A_946 = tpu.memref_squeeze %dma_wait3A_945 : memref<1x128x128xf32, #tpu.memory_space<vmem>> -> memref<128x128xf32, #tpu.memory_space<vmem>>
    %dma_wait3A_947 = arith.constant 0 : i32
    %dma_wait3A_948 = tpu.memref_slice %arg6[%dma_wait3A_941, %dma_wait3A_947] : memref<24x128xi32, #tpu.memory_space<vmem>> -> memref<1x128xi32, #tpu.memory_space<vmem>>
    %dma_wait3A_949 = tpu.memref_squeeze %dma_wait3A_948 : memref<1x128xi32, #tpu.memory_space<vmem>> -> memref<128xi32, #tpu.memory_space<vmem>>
    %dma_wait3A_950 = arith.constant 0 : i32
    %dma_wait3A_951 = arith.constant 0 : i32
    %dma_wait3A_952 = tpu.memref_slice %arg2[%dma_wait3A_950, %dma_wait3A_951] : memref<262144x128xf32, #tpu.memory_space<hbm>> -> memref<262144x128xf32, #tpu.memory_space<hbm>>
    tpu.wait_indirect_dma semaphore(%arg8 : memref<!tpu.dma_semaphore, #tpu.memory_space<semaphore_mem>>) src(%dma_wait3A_952 : memref<262144x128xf32, #tpu.memory_space<hbm>>) dst(%dma_wait3A_946 : memref<128x128xf32, #tpu.memory_space<vmem>>)
    %mul3A_953 = arith.constant 24 : i32
    %mul3A_954 = arith.muli %add3A, %mul3A_953 : i32
    %add3A_955 = arith.constant 14 : i32
    %add3A_956 = arith.addi %mul3A_954, %add3A_955 : i32
    %dma_start3A_957 = arith.constant 2 : i32
    %dma_start3A_958 = arith.constant 0 : i32
    %dma_start3A_959 = arith.constant 0 : i32
    %dma_start3A_960 = tpu.memref_slice %arg7[%dma_start3A_957, %dma_start3A_958, %dma_start3A_959] : memref<6x128x128xf32, #tpu.memory_space<vmem>> -> memref<1x128x128xf32, #tpu.memory_space<vmem>>
    %dma_start3A_961 = tpu.memref_squeeze %dma_start3A_960 : memref<1x128x128xf32, #tpu.memory_space<vmem>> -> memref<128x128xf32, #tpu.memory_space<vmem>>
    %dma_start3A_962 = arith.constant 0 : i32
    %dma_start3A_963 = arith.constant 0 : i32
    %dma_start3A_964 = tpu.memref_slice %arg5[%add3A_956, %dma_start3A_962, %dma_start3A_963] : memref<768x128x128xf32, #tpu.memory_space<hbm>> -> memref<1x128x128xf32, #tpu.memory_space<hbm>>
    %dma_start3A_965 = tpu.memref_squeeze %dma_start3A_964 : memref<1x128x128xf32, #tpu.memory_space<hbm>> -> memref<128x128xf32, #tpu.memory_space<hbm>>
    %dma_start3A_966 = arith.constant 0 : i32
    %dma_start3A_967 = arith.constant 0 : i32
    %dma_start3A_968 = tpu.memref_slice %arg5[%add3A_956, %dma_start3A_966, %dma_start3A_967] : memref<768x128x128xf32, #tpu.memory_space<hbm>> -> memref<1x128x128xf32, #tpu.memory_space<hbm>>
    %dma_start3A_969 = tpu.memref_squeeze %dma_start3A_968 : memref<1x128x128xf32, #tpu.memory_space<hbm>> -> memref<128x128xf32, #tpu.memory_space<hbm>>
    %dma_start3A_970 = arith.constant 0 : i32
    %dma_start3A_971 = arith.constant 0 : i32
    %dma_start3A_972 = tpu.memref_slice %arg7[%dma_start3A_957, %dma_start3A_970, %dma_start3A_971] : memref<6x128x128xf32, #tpu.memory_space<vmem>> -> memref<1x128x128xf32, #tpu.memory_space<vmem>>
    %dma_start3A_973 = tpu.memref_squeeze %dma_start3A_972 : memref<1x128x128xf32, #tpu.memory_space<vmem>> -> memref<128x128xf32, #tpu.memory_space<vmem>>
    tpu.enqueue_dma source(%dma_start3A_973 : memref<128x128xf32, #tpu.memory_space<vmem>>) target(%dma_start3A_969 : memref<128x128xf32, #tpu.memory_space<hbm>>) target_semaphore(%arg9 : memref<!tpu.dma_semaphore, #tpu.memory_space<semaphore_mem>>)
    %dma_wait3A_974 = arith.constant 2 : i32
    %dma_wait3A_975 = arith.constant 0 : i32
    %dma_wait3A_976 = arith.constant 0 : i32
    %dma_wait3A_977 = tpu.memref_slice %arg7[%dma_wait3A_974, %dma_wait3A_975, %dma_wait3A_976] : memref<6x128x128xf32, #tpu.memory_space<vmem>> -> memref<1x128x128xf32, #tpu.memory_space<vmem>>
    %dma_wait3A_978 = tpu.memref_squeeze %dma_wait3A_977 : memref<1x128x128xf32, #tpu.memory_space<vmem>> -> memref<128x128xf32, #tpu.memory_space<vmem>>
    %dma_wait3A_979 = arith.constant 0 : i32
    %dma_wait3A_980 = arith.constant 0 : i32
    %dma_wait3A_981 = tpu.memref_slice %arg5[%add3A_956, %dma_wait3A_979, %dma_wait3A_980] : memref<768x128x128xf32, #tpu.memory_space<hbm>> -> memref<1x128x128xf32, #tpu.memory_space<hbm>>
    %dma_wait3A_982 = tpu.memref_squeeze %dma_wait3A_981 : memref<1x128x128xf32, #tpu.memory_space<hbm>> -> memref<128x128xf32, #tpu.memory_space<hbm>>
    %dma_wait3A_983 = arith.constant 0 : i32
    %dma_wait3A_984 = arith.constant 0 : i32
    %dma_wait3A_985 = tpu.memref_slice %arg5[%add3A_956, %dma_wait3A_983, %dma_wait3A_984] : memref<768x128x128xf32, #tpu.memory_space<hbm>> -> memref<1x128x128xf32, #tpu.memory_space<hbm>>
    %dma_wait3A_986 = tpu.memref_squeeze %dma_wait3A_985 : memref<1x128x128xf32, #tpu.memory_space<hbm>> -> memref<128x128xf32, #tpu.memory_space<hbm>>
    %dma_wait3A_987 = arith.constant 0 : i32
    %dma_wait3A_988 = arith.constant 0 : i32
    %dma_wait3A_989 = tpu.memref_slice %arg7[%dma_wait3A_974, %dma_wait3A_987, %dma_wait3A_988] : memref<6x128x128xf32, #tpu.memory_space<vmem>> -> memref<1x128x128xf32, #tpu.memory_space<vmem>>
    %dma_wait3A_990 = tpu.memref_squeeze %dma_wait3A_989 : memref<1x128x128xf32, #tpu.memory_space<vmem>> -> memref<128x128xf32, #tpu.memory_space<vmem>>
    tpu.wait_dma2 semaphore(%arg9 : memref<!tpu.dma_semaphore, #tpu.memory_space<semaphore_mem>>) src(%dma_wait3A_990 : memref<128x128xf32, #tpu.memory_space<vmem>>) dst(%dma_wait3A_986 : memref<128x128xf32, #tpu.memory_space<hbm>>)
    %dma_start3A_991 = arith.constant 20 : i32
    %dma_start3A_992 = arith.constant 2 : i32
    %dma_start3A_993 = arith.constant 0 : i32
    %dma_start3A_994 = arith.constant 0 : i32
    %dma_start3A_995 = tpu.memref_slice %arg7[%dma_start3A_992, %dma_start3A_993, %dma_start3A_994] : memref<6x128x128xf32, #tpu.memory_space<vmem>> -> memref<1x128x128xf32, #tpu.memory_space<vmem>>
    %dma_start3A_996 = tpu.memref_squeeze %dma_start3A_995 : memref<1x128x128xf32, #tpu.memory_space<vmem>> -> memref<128x128xf32, #tpu.memory_space<vmem>>
    %dma_start3A_997 = arith.constant 0 : i32
    %dma_start3A_998 = tpu.memref_slice %arg6[%dma_start3A_991, %dma_start3A_997] : memref<24x128xi32, #tpu.memory_space<vmem>> -> memref<1x128xi32, #tpu.memory_space<vmem>>
    %dma_start3A_999 = tpu.memref_squeeze %dma_start3A_998 : memref<1x128xi32, #tpu.memory_space<vmem>> -> memref<128xi32, #tpu.memory_space<vmem>>
    %dma_start3A_1000 = arith.constant 0 : i32
    %dma_start3A_1001 = arith.constant 0 : i32
    %dma_start3A_1002 = tpu.memref_slice %arg3[%dma_start3A_1000, %dma_start3A_1001] : memref<32768x128xf32, #tpu.memory_space<hbm>> -> memref<32768x128xf32, #tpu.memory_space<hbm>>
    tpu.enqueue_indirect_dma source(%dma_start3A_1002 : memref<32768x128xf32, #tpu.memory_space<hbm>>) target(%dma_start3A_996 : memref<128x128xf32, #tpu.memory_space<vmem>>) offsets(%dma_start3A_999 : memref<128xi32, #tpu.memory_space<vmem>>) semaphore(%arg8 : memref<!tpu.dma_semaphore, #tpu.memory_space<semaphore_mem>>)
    %dma_wait3A_1003 = arith.constant 15 : i32
    %dma_wait3A_1004 = arith.constant 3 : i32
    %dma_wait3A_1005 = arith.constant 0 : i32
    %dma_wait3A_1006 = arith.constant 0 : i32
    %dma_wait3A_1007 = tpu.memref_slice %arg7[%dma_wait3A_1004, %dma_wait3A_1005, %dma_wait3A_1006] : memref<6x128x128xf32, #tpu.memory_space<vmem>> -> memref<1x128x128xf32, #tpu.memory_space<vmem>>
    %dma_wait3A_1008 = tpu.memref_squeeze %dma_wait3A_1007 : memref<1x128x128xf32, #tpu.memory_space<vmem>> -> memref<128x128xf32, #tpu.memory_space<vmem>>
    %dma_wait3A_1009 = arith.constant 0 : i32
    %dma_wait3A_1010 = tpu.memref_slice %arg6[%dma_wait3A_1003, %dma_wait3A_1009] : memref<24x128xi32, #tpu.memory_space<vmem>> -> memref<1x128xi32, #tpu.memory_space<vmem>>
    %dma_wait3A_1011 = tpu.memref_squeeze %dma_wait3A_1010 : memref<1x128xi32, #tpu.memory_space<vmem>> -> memref<128xi32, #tpu.memory_space<vmem>>
    %dma_wait3A_1012 = arith.constant 0 : i32
    %dma_wait3A_1013 = arith.constant 0 : i32
    %dma_wait3A_1014 = tpu.memref_slice %arg2[%dma_wait3A_1012, %dma_wait3A_1013] : memref<262144x128xf32, #tpu.memory_space<hbm>> -> memref<262144x128xf32, #tpu.memory_space<hbm>>
    tpu.wait_indirect_dma semaphore(%arg8 : memref<!tpu.dma_semaphore, #tpu.memory_space<semaphore_mem>>) src(%dma_wait3A_1014 : memref<262144x128xf32, #tpu.memory_space<hbm>>) dst(%dma_wait3A_1008 : memref<128x128xf32, #tpu.memory_space<vmem>>)
    %mul3A_1015 = arith.constant 24 : i32
    %mul3A_1016 = arith.muli %add3A, %mul3A_1015 : i32
    %add3A_1017 = arith.constant 15 : i32
    %add3A_1018 = arith.addi %mul3A_1016, %add3A_1017 : i32
    %dma_start3A_1019 = arith.constant 3 : i32
    %dma_start3A_1020 = arith.constant 0 : i32
    %dma_start3A_1021 = arith.constant 0 : i32
    %dma_start3A_1022 = tpu.memref_slice %arg7[%dma_start3A_1019, %dma_start3A_1020, %dma_start3A_1021] : memref<6x128x128xf32, #tpu.memory_space<vmem>> -> memref<1x128x128xf32, #tpu.memory_space<vmem>>
    %dma_start3A_1023 = tpu.memref_squeeze %dma_start3A_1022 : memref<1x128x128xf32, #tpu.memory_space<vmem>> -> memref<128x128xf32, #tpu.memory_space<vmem>>
    %dma_start3A_1024 = arith.constant 0 : i32
    %dma_start3A_1025 = arith.constant 0 : i32
    %dma_start3A_1026 = tpu.memref_slice %arg5[%add3A_1018, %dma_start3A_1024, %dma_start3A_1025] : memref<768x128x128xf32, #tpu.memory_space<hbm>> -> memref<1x128x128xf32, #tpu.memory_space<hbm>>
    %dma_start3A_1027 = tpu.memref_squeeze %dma_start3A_1026 : memref<1x128x128xf32, #tpu.memory_space<hbm>> -> memref<128x128xf32, #tpu.memory_space<hbm>>
    %dma_start3A_1028 = arith.constant 0 : i32
    %dma_start3A_1029 = arith.constant 0 : i32
    %dma_start3A_1030 = tpu.memref_slice %arg5[%add3A_1018, %dma_start3A_1028, %dma_start3A_1029] : memref<768x128x128xf32, #tpu.memory_space<hbm>> -> memref<1x128x128xf32, #tpu.memory_space<hbm>>
    %dma_start3A_1031 = tpu.memref_squeeze %dma_start3A_1030 : memref<1x128x128xf32, #tpu.memory_space<hbm>> -> memref<128x128xf32, #tpu.memory_space<hbm>>
    %dma_start3A_1032 = arith.constant 0 : i32
    %dma_start3A_1033 = arith.constant 0 : i32
    %dma_start3A_1034 = tpu.memref_slice %arg7[%dma_start3A_1019, %dma_start3A_1032, %dma_start3A_1033] : memref<6x128x128xf32, #tpu.memory_space<vmem>> -> memref<1x128x128xf32, #tpu.memory_space<vmem>>
    %dma_start3A_1035 = tpu.memref_squeeze %dma_start3A_1034 : memref<1x128x128xf32, #tpu.memory_space<vmem>> -> memref<128x128xf32, #tpu.memory_space<vmem>>
    tpu.enqueue_dma source(%dma_start3A_1035 : memref<128x128xf32, #tpu.memory_space<vmem>>) target(%dma_start3A_1031 : memref<128x128xf32, #tpu.memory_space<hbm>>) target_semaphore(%arg9 : memref<!tpu.dma_semaphore, #tpu.memory_space<semaphore_mem>>)
    %dma_wait3A_1036 = arith.constant 3 : i32
    %dma_wait3A_1037 = arith.constant 0 : i32
    %dma_wait3A_1038 = arith.constant 0 : i32
    %dma_wait3A_1039 = tpu.memref_slice %arg7[%dma_wait3A_1036, %dma_wait3A_1037, %dma_wait3A_1038] : memref<6x128x128xf32, #tpu.memory_space<vmem>> -> memref<1x128x128xf32, #tpu.memory_space<vmem>>
    %dma_wait3A_1040 = tpu.memref_squeeze %dma_wait3A_1039 : memref<1x128x128xf32, #tpu.memory_space<vmem>> -> memref<128x128xf32, #tpu.memory_space<vmem>>
    %dma_wait3A_1041 = arith.constant 0 : i32
    %dma_wait3A_1042 = arith.constant 0 : i32
    %dma_wait3A_1043 = tpu.memref_slice %arg5[%add3A_1018, %dma_wait3A_1041, %dma_wait3A_1042] : memref<768x128x128xf32, #tpu.memory_space<hbm>> -> memref<1x128x128xf32, #tpu.memory_space<hbm>>
    %dma_wait3A_1044 = tpu.memref_squeeze %dma_wait3A_1043 : memref<1x128x128xf32, #tpu.memory_space<hbm>> -> memref<128x128xf32, #tpu.memory_space<hbm>>
    %dma_wait3A_1045 = arith.constant 0 : i32
    %dma_wait3A_1046 = arith.constant 0 : i32
    %dma_wait3A_1047 = tpu.memref_slice %arg5[%add3A_1018, %dma_wait3A_1045, %dma_wait3A_1046] : memref<768x128x128xf32, #tpu.memory_space<hbm>> -> memref<1x128x128xf32, #tpu.memory_space<hbm>>
    %dma_wait3A_1048 = tpu.memref_squeeze %dma_wait3A_1047 : memref<1x128x128xf32, #tpu.memory_space<hbm>> -> memref<128x128xf32, #tpu.memory_space<hbm>>
    %dma_wait3A_1049 = arith.constant 0 : i32
    %dma_wait3A_1050 = arith.constant 0 : i32
    %dma_wait3A_1051 = tpu.memref_slice %arg7[%dma_wait3A_1036, %dma_wait3A_1049, %dma_wait3A_1050] : memref<6x128x128xf32, #tpu.memory_space<vmem>> -> memref<1x128x128xf32, #tpu.memory_space<vmem>>
    %dma_wait3A_1052 = tpu.memref_squeeze %dma_wait3A_1051 : memref<1x128x128xf32, #tpu.memory_space<vmem>> -> memref<128x128xf32, #tpu.memory_space<vmem>>
    tpu.wait_dma2 semaphore(%arg9 : memref<!tpu.dma_semaphore, #tpu.memory_space<semaphore_mem>>) src(%dma_wait3A_1052 : memref<128x128xf32, #tpu.memory_space<vmem>>) dst(%dma_wait3A_1048 : memref<128x128xf32, #tpu.memory_space<hbm>>)
    %dma_start3A_1053 = arith.constant 21 : i32
    %dma_start3A_1054 = arith.constant 3 : i32
    %dma_start3A_1055 = arith.constant 0 : i32
    %dma_start3A_1056 = arith.constant 0 : i32
    %dma_start3A_1057 = tpu.memref_slice %arg7[%dma_start3A_1054, %dma_start3A_1055, %dma_start3A_1056] : memref<6x128x128xf32, #tpu.memory_space<vmem>> -> memref<1x128x128xf32, #tpu.memory_space<vmem>>
    %dma_start3A_1058 = tpu.memref_squeeze %dma_start3A_1057 : memref<1x128x128xf32, #tpu.memory_space<vmem>> -> memref<128x128xf32, #tpu.memory_space<vmem>>
    %dma_start3A_1059 = arith.constant 0 : i32
    %dma_start3A_1060 = tpu.memref_slice %arg6[%dma_start3A_1053, %dma_start3A_1059] : memref<24x128xi32, #tpu.memory_space<vmem>> -> memref<1x128xi32, #tpu.memory_space<vmem>>
    %dma_start3A_1061 = tpu.memref_squeeze %dma_start3A_1060 : memref<1x128xi32, #tpu.memory_space<vmem>> -> memref<128xi32, #tpu.memory_space<vmem>>
    %dma_start3A_1062 = arith.constant 0 : i32
    %dma_start3A_1063 = arith.constant 0 : i32
    %dma_start3A_1064 = tpu.memref_slice %arg3[%dma_start3A_1062, %dma_start3A_1063] : memref<32768x128xf32, #tpu.memory_space<hbm>> -> memref<32768x128xf32, #tpu.memory_space<hbm>>
    tpu.enqueue_indirect_dma source(%dma_start3A_1064 : memref<32768x128xf32, #tpu.memory_space<hbm>>) target(%dma_start3A_1058 : memref<128x128xf32, #tpu.memory_space<vmem>>) offsets(%dma_start3A_1061 : memref<128xi32, #tpu.memory_space<vmem>>) semaphore(%arg8 : memref<!tpu.dma_semaphore, #tpu.memory_space<semaphore_mem>>)
    %dma_wait3A_1065 = arith.constant 16 : i32
    %dma_wait3A_1066 = arith.constant 4 : i32
    %dma_wait3A_1067 = arith.constant 0 : i32
    %dma_wait3A_1068 = arith.constant 0 : i32
    %dma_wait3A_1069 = tpu.memref_slice %arg7[%dma_wait3A_1066, %dma_wait3A_1067, %dma_wait3A_1068] : memref<6x128x128xf32, #tpu.memory_space<vmem>> -> memref<1x128x128xf32, #tpu.memory_space<vmem>>
    %dma_wait3A_1070 = tpu.memref_squeeze %dma_wait3A_1069 : memref<1x128x128xf32, #tpu.memory_space<vmem>> -> memref<128x128xf32, #tpu.memory_space<vmem>>
    %dma_wait3A_1071 = arith.constant 0 : i32
    %dma_wait3A_1072 = tpu.memref_slice %arg6[%dma_wait3A_1065, %dma_wait3A_1071] : memref<24x128xi32, #tpu.memory_space<vmem>> -> memref<1x128xi32, #tpu.memory_space<vmem>>
    %dma_wait3A_1073 = tpu.memref_squeeze %dma_wait3A_1072 : memref<1x128xi32, #tpu.memory_space<vmem>> -> memref<128xi32, #tpu.memory_space<vmem>>
    %dma_wait3A_1074 = arith.constant 0 : i32
    %dma_wait3A_1075 = arith.constant 0 : i32
    %dma_wait3A_1076 = tpu.memref_slice %arg2[%dma_wait3A_1074, %dma_wait3A_1075] : memref<262144x128xf32, #tpu.memory_space<hbm>> -> memref<262144x128xf32, #tpu.memory_space<hbm>>
    tpu.wait_indirect_dma semaphore(%arg8 : memref<!tpu.dma_semaphore, #tpu.memory_space<semaphore_mem>>) src(%dma_wait3A_1076 : memref<262144x128xf32, #tpu.memory_space<hbm>>) dst(%dma_wait3A_1070 : memref<128x128xf32, #tpu.memory_space<vmem>>)
    %mul3A_1077 = arith.constant 24 : i32
    %mul3A_1078 = arith.muli %add3A, %mul3A_1077 : i32
    %add3A_1079 = arith.constant 16 : i32
    %add3A_1080 = arith.addi %mul3A_1078, %add3A_1079 : i32
    %dma_start3A_1081 = arith.constant 4 : i32
    %dma_start3A_1082 = arith.constant 0 : i32
    %dma_start3A_1083 = arith.constant 0 : i32
    %dma_start3A_1084 = tpu.memref_slice %arg7[%dma_start3A_1081, %dma_start3A_1082, %dma_start3A_1083] : memref<6x128x128xf32, #tpu.memory_space<vmem>> -> memref<1x128x128xf32, #tpu.memory_space<vmem>>
    %dma_start3A_1085 = tpu.memref_squeeze %dma_start3A_1084 : memref<1x128x128xf32, #tpu.memory_space<vmem>> -> memref<128x128xf32, #tpu.memory_space<vmem>>
    %dma_start3A_1086 = arith.constant 0 : i32
    %dma_start3A_1087 = arith.constant 0 : i32
    %dma_start3A_1088 = tpu.memref_slice %arg5[%add3A_1080, %dma_start3A_1086, %dma_start3A_1087] : memref<768x128x128xf32, #tpu.memory_space<hbm>> -> memref<1x128x128xf32, #tpu.memory_space<hbm>>
    %dma_start3A_1089 = tpu.memref_squeeze %dma_start3A_1088 : memref<1x128x128xf32, #tpu.memory_space<hbm>> -> memref<128x128xf32, #tpu.memory_space<hbm>>
    %dma_start3A_1090 = arith.constant 0 : i32
    %dma_start3A_1091 = arith.constant 0 : i32
    %dma_start3A_1092 = tpu.memref_slice %arg5[%add3A_1080, %dma_start3A_1090, %dma_start3A_1091] : memref<768x128x128xf32, #tpu.memory_space<hbm>> -> memref<1x128x128xf32, #tpu.memory_space<hbm>>
    %dma_start3A_1093 = tpu.memref_squeeze %dma_start3A_1092 : memref<1x128x128xf32, #tpu.memory_space<hbm>> -> memref<128x128xf32, #tpu.memory_space<hbm>>
    %dma_start3A_1094 = arith.constant 0 : i32
    %dma_start3A_1095 = arith.constant 0 : i32
    %dma_start3A_1096 = tpu.memref_slice %arg7[%dma_start3A_1081, %dma_start3A_1094, %dma_start3A_1095] : memref<6x128x128xf32, #tpu.memory_space<vmem>> -> memref<1x128x128xf32, #tpu.memory_space<vmem>>
    %dma_start3A_1097 = tpu.memref_squeeze %dma_start3A_1096 : memref<1x128x128xf32, #tpu.memory_space<vmem>> -> memref<128x128xf32, #tpu.memory_space<vmem>>
    tpu.enqueue_dma source(%dma_start3A_1097 : memref<128x128xf32, #tpu.memory_space<vmem>>) target(%dma_start3A_1093 : memref<128x128xf32, #tpu.memory_space<hbm>>) target_semaphore(%arg9 : memref<!tpu.dma_semaphore, #tpu.memory_space<semaphore_mem>>)
    %dma_wait3A_1098 = arith.constant 4 : i32
    %dma_wait3A_1099 = arith.constant 0 : i32
    %dma_wait3A_1100 = arith.constant 0 : i32
    %dma_wait3A_1101 = tpu.memref_slice %arg7[%dma_wait3A_1098, %dma_wait3A_1099, %dma_wait3A_1100] : memref<6x128x128xf32, #tpu.memory_space<vmem>> -> memref<1x128x128xf32, #tpu.memory_space<vmem>>
    %dma_wait3A_1102 = tpu.memref_squeeze %dma_wait3A_1101 : memref<1x128x128xf32, #tpu.memory_space<vmem>> -> memref<128x128xf32, #tpu.memory_space<vmem>>
    %dma_wait3A_1103 = arith.constant 0 : i32
    %dma_wait3A_1104 = arith.constant 0 : i32
    %dma_wait3A_1105 = tpu.memref_slice %arg5[%add3A_1080, %dma_wait3A_1103, %dma_wait3A_1104] : memref<768x128x128xf32, #tpu.memory_space<hbm>> -> memref<1x128x128xf32, #tpu.memory_space<hbm>>
    %dma_wait3A_1106 = tpu.memref_squeeze %dma_wait3A_1105 : memref<1x128x128xf32, #tpu.memory_space<hbm>> -> memref<128x128xf32, #tpu.memory_space<hbm>>
    %dma_wait3A_1107 = arith.constant 0 : i32
    %dma_wait3A_1108 = arith.constant 0 : i32
    %dma_wait3A_1109 = tpu.memref_slice %arg5[%add3A_1080, %dma_wait3A_1107, %dma_wait3A_1108] : memref<768x128x128xf32, #tpu.memory_space<hbm>> -> memref<1x128x128xf32, #tpu.memory_space<hbm>>
    %dma_wait3A_1110 = tpu.memref_squeeze %dma_wait3A_1109 : memref<1x128x128xf32, #tpu.memory_space<hbm>> -> memref<128x128xf32, #tpu.memory_space<hbm>>
    %dma_wait3A_1111 = arith.constant 0 : i32
    %dma_wait3A_1112 = arith.constant 0 : i32
    %dma_wait3A_1113 = tpu.memref_slice %arg7[%dma_wait3A_1098, %dma_wait3A_1111, %dma_wait3A_1112] : memref<6x128x128xf32, #tpu.memory_space<vmem>> -> memref<1x128x128xf32, #tpu.memory_space<vmem>>
    %dma_wait3A_1114 = tpu.memref_squeeze %dma_wait3A_1113 : memref<1x128x128xf32, #tpu.memory_space<vmem>> -> memref<128x128xf32, #tpu.memory_space<vmem>>
    tpu.wait_dma2 semaphore(%arg9 : memref<!tpu.dma_semaphore, #tpu.memory_space<semaphore_mem>>) src(%dma_wait3A_1114 : memref<128x128xf32, #tpu.memory_space<vmem>>) dst(%dma_wait3A_1110 : memref<128x128xf32, #tpu.memory_space<hbm>>)
    %dma_start3A_1115 = arith.constant 22 : i32
    %dma_start3A_1116 = arith.constant 4 : i32
    %dma_start3A_1117 = arith.constant 0 : i32
    %dma_start3A_1118 = arith.constant 0 : i32
    %dma_start3A_1119 = tpu.memref_slice %arg7[%dma_start3A_1116, %dma_start3A_1117, %dma_start3A_1118] : memref<6x128x128xf32, #tpu.memory_space<vmem>> -> memref<1x128x128xf32, #tpu.memory_space<vmem>>
    %dma_start3A_1120 = tpu.memref_squeeze %dma_start3A_1119 : memref<1x128x128xf32, #tpu.memory_space<vmem>> -> memref<128x128xf32, #tpu.memory_space<vmem>>
    %dma_start3A_1121 = arith.constant 0 : i32
    %dma_start3A_1122 = tpu.memref_slice %arg6[%dma_start3A_1115, %dma_start3A_1121] : memref<24x128xi32, #tpu.memory_space<vmem>> -> memref<1x128xi32, #tpu.memory_space<vmem>>
    %dma_start3A_1123 = tpu.memref_squeeze %dma_start3A_1122 : memref<1x128xi32, #tpu.memory_space<vmem>> -> memref<128xi32, #tpu.memory_space<vmem>>
    %dma_start3A_1124 = arith.constant 0 : i32
    %dma_start3A_1125 = arith.constant 0 : i32
    %dma_start3A_1126 = tpu.memref_slice %arg3[%dma_start3A_1124, %dma_start3A_1125] : memref<32768x128xf32, #tpu.memory_space<hbm>> -> memref<32768x128xf32, #tpu.memory_space<hbm>>
    tpu.enqueue_indirect_dma source(%dma_start3A_1126 : memref<32768x128xf32, #tpu.memory_space<hbm>>) target(%dma_start3A_1120 : memref<128x128xf32, #tpu.memory_space<vmem>>) offsets(%dma_start3A_1123 : memref<128xi32, #tpu.memory_space<vmem>>) semaphore(%arg8 : memref<!tpu.dma_semaphore, #tpu.memory_space<semaphore_mem>>)
    %dma_wait3A_1127 = arith.constant 17 : i32
    %dma_wait3A_1128 = arith.constant 5 : i32
    %dma_wait3A_1129 = arith.constant 0 : i32
    %dma_wait3A_1130 = arith.constant 0 : i32
    %dma_wait3A_1131 = tpu.memref_slice %arg7[%dma_wait3A_1128, %dma_wait3A_1129, %dma_wait3A_1130] : memref<6x128x128xf32, #tpu.memory_space<vmem>> -> memref<1x128x128xf32, #tpu.memory_space<vmem>>
    %dma_wait3A_1132 = tpu.memref_squeeze %dma_wait3A_1131 : memref<1x128x128xf32, #tpu.memory_space<vmem>> -> memref<128x128xf32, #tpu.memory_space<vmem>>
    %dma_wait3A_1133 = arith.constant 0 : i32
    %dma_wait3A_1134 = tpu.memref_slice %arg6[%dma_wait3A_1127, %dma_wait3A_1133] : memref<24x128xi32, #tpu.memory_space<vmem>> -> memref<1x128xi32, #tpu.memory_space<vmem>>
    %dma_wait3A_1135 = tpu.memref_squeeze %dma_wait3A_1134 : memref<1x128xi32, #tpu.memory_space<vmem>> -> memref<128xi32, #tpu.memory_space<vmem>>
    %dma_wait3A_1136 = arith.constant 0 : i32
    %dma_wait3A_1137 = arith.constant 0 : i32
    %dma_wait3A_1138 = tpu.memref_slice %arg2[%dma_wait3A_1136, %dma_wait3A_1137] : memref<262144x128xf32, #tpu.memory_space<hbm>> -> memref<262144x128xf32, #tpu.memory_space<hbm>>
    tpu.wait_indirect_dma semaphore(%arg8 : memref<!tpu.dma_semaphore, #tpu.memory_space<semaphore_mem>>) src(%dma_wait3A_1138 : memref<262144x128xf32, #tpu.memory_space<hbm>>) dst(%dma_wait3A_1132 : memref<128x128xf32, #tpu.memory_space<vmem>>)
    %mul3A_1139 = arith.constant 24 : i32
    %mul3A_1140 = arith.muli %add3A, %mul3A_1139 : i32
    %add3A_1141 = arith.constant 17 : i32
    %add3A_1142 = arith.addi %mul3A_1140, %add3A_1141 : i32
    %dma_start3A_1143 = arith.constant 5 : i32
    %dma_start3A_1144 = arith.constant 0 : i32
    %dma_start3A_1145 = arith.constant 0 : i32
    %dma_start3A_1146 = tpu.memref_slice %arg7[%dma_start3A_1143, %dma_start3A_1144, %dma_start3A_1145] : memref<6x128x128xf32, #tpu.memory_space<vmem>> -> memref<1x128x128xf32, #tpu.memory_space<vmem>>
    %dma_start3A_1147 = tpu.memref_squeeze %dma_start3A_1146 : memref<1x128x128xf32, #tpu.memory_space<vmem>> -> memref<128x128xf32, #tpu.memory_space<vmem>>
    %dma_start3A_1148 = arith.constant 0 : i32
    %dma_start3A_1149 = arith.constant 0 : i32
    %dma_start3A_1150 = tpu.memref_slice %arg5[%add3A_1142, %dma_start3A_1148, %dma_start3A_1149] : memref<768x128x128xf32, #tpu.memory_space<hbm>> -> memref<1x128x128xf32, #tpu.memory_space<hbm>>
    %dma_start3A_1151 = tpu.memref_squeeze %dma_start3A_1150 : memref<1x128x128xf32, #tpu.memory_space<hbm>> -> memref<128x128xf32, #tpu.memory_space<hbm>>
    %dma_start3A_1152 = arith.constant 0 : i32
    %dma_start3A_1153 = arith.constant 0 : i32
    %dma_start3A_1154 = tpu.memref_slice %arg5[%add3A_1142, %dma_start3A_1152, %dma_start3A_1153] : memref<768x128x128xf32, #tpu.memory_space<hbm>> -> memref<1x128x128xf32, #tpu.memory_space<hbm>>
    %dma_start3A_1155 = tpu.memref_squeeze %dma_start3A_1154 : memref<1x128x128xf32, #tpu.memory_space<hbm>> -> memref<128x128xf32, #tpu.memory_space<hbm>>
    %dma_start3A_1156 = arith.constant 0 : i32
    %dma_start3A_1157 = arith.constant 0 : i32
    %dma_start3A_1158 = tpu.memref_slice %arg7[%dma_start3A_1143, %dma_start3A_1156, %dma_start3A_1157] : memref<6x128x128xf32, #tpu.memory_space<vmem>> -> memref<1x128x128xf32, #tpu.memory_space<vmem>>
    %dma_start3A_1159 = tpu.memref_squeeze %dma_start3A_1158 : memref<1x128x128xf32, #tpu.memory_space<vmem>> -> memref<128x128xf32, #tpu.memory_space<vmem>>
    tpu.enqueue_dma source(%dma_start3A_1159 : memref<128x128xf32, #tpu.memory_space<vmem>>) target(%dma_start3A_1155 : memref<128x128xf32, #tpu.memory_space<hbm>>) target_semaphore(%arg9 : memref<!tpu.dma_semaphore, #tpu.memory_space<semaphore_mem>>)
    %dma_wait3A_1160 = arith.constant 5 : i32
    %dma_wait3A_1161 = arith.constant 0 : i32
    %dma_wait3A_1162 = arith.constant 0 : i32
    %dma_wait3A_1163 = tpu.memref_slice %arg7[%dma_wait3A_1160, %dma_wait3A_1161, %dma_wait3A_1162] : memref<6x128x128xf32, #tpu.memory_space<vmem>> -> memref<1x128x128xf32, #tpu.memory_space<vmem>>
    %dma_wait3A_1164 = tpu.memref_squeeze %dma_wait3A_1163 : memref<1x128x128xf32, #tpu.memory_space<vmem>> -> memref<128x128xf32, #tpu.memory_space<vmem>>
    %dma_wait3A_1165 = arith.constant 0 : i32
    %dma_wait3A_1166 = arith.constant 0 : i32
    %dma_wait3A_1167 = tpu.memref_slice %arg5[%add3A_1142, %dma_wait3A_1165, %dma_wait3A_1166] : memref<768x128x128xf32, #tpu.memory_space<hbm>> -> memref<1x128x128xf32, #tpu.memory_space<hbm>>
    %dma_wait3A_1168 = tpu.memref_squeeze %dma_wait3A_1167 : memref<1x128x128xf32, #tpu.memory_space<hbm>> -> memref<128x128xf32, #tpu.memory_space<hbm>>
    %dma_wait3A_1169 = arith.constant 0 : i32
    %dma_wait3A_1170 = arith.constant 0 : i32
    %dma_wait3A_1171 = tpu.memref_slice %arg5[%add3A_1142, %dma_wait3A_1169, %dma_wait3A_1170] : memref<768x128x128xf32, #tpu.memory_space<hbm>> -> memref<1x128x128xf32, #tpu.memory_space<hbm>>
    %dma_wait3A_1172 = tpu.memref_squeeze %dma_wait3A_1171 : memref<1x128x128xf32, #tpu.memory_space<hbm>> -> memref<128x128xf32, #tpu.memory_space<hbm>>
    %dma_wait3A_1173 = arith.constant 0 : i32
    %dma_wait3A_1174 = arith.constant 0 : i32
    %dma_wait3A_1175 = tpu.memref_slice %arg7[%dma_wait3A_1160, %dma_wait3A_1173, %dma_wait3A_1174] : memref<6x128x128xf32, #tpu.memory_space<vmem>> -> memref<1x128x128xf32, #tpu.memory_space<vmem>>
    %dma_wait3A_1176 = tpu.memref_squeeze %dma_wait3A_1175 : memref<1x128x128xf32, #tpu.memory_space<vmem>> -> memref<128x128xf32, #tpu.memory_space<vmem>>
    tpu.wait_dma2 semaphore(%arg9 : memref<!tpu.dma_semaphore, #tpu.memory_space<semaphore_mem>>) src(%dma_wait3A_1176 : memref<128x128xf32, #tpu.memory_space<vmem>>) dst(%dma_wait3A_1172 : memref<128x128xf32, #tpu.memory_space<hbm>>)
    %dma_start3A_1177 = arith.constant 23 : i32
    %dma_start3A_1178 = arith.constant 5 : i32
    %dma_start3A_1179 = arith.constant 0 : i32
    %dma_start3A_1180 = arith.constant 0 : i32
    %dma_start3A_1181 = tpu.memref_slice %arg7[%dma_start3A_1178, %dma_start3A_1179, %dma_start3A_1180] : memref<6x128x128xf32, #tpu.memory_space<vmem>> -> memref<1x128x128xf32, #tpu.memory_space<vmem>>
    %dma_start3A_1182 = tpu.memref_squeeze %dma_start3A_1181 : memref<1x128x128xf32, #tpu.memory_space<vmem>> -> memref<128x128xf32, #tpu.memory_space<vmem>>
    %dma_start3A_1183 = arith.constant 0 : i32
    %dma_start3A_1184 = tpu.memref_slice %arg6[%dma_start3A_1177, %dma_start3A_1183] : memref<24x128xi32, #tpu.memory_space<vmem>> -> memref<1x128xi32, #tpu.memory_space<vmem>>
    %dma_start3A_1185 = tpu.memref_squeeze %dma_start3A_1184 : memref<1x128xi32, #tpu.memory_space<vmem>> -> memref<128xi32, #tpu.memory_space<vmem>>
    %dma_start3A_1186 = arith.constant 0 : i32
    %dma_start3A_1187 = arith.constant 0 : i32
    %dma_start3A_1188 = tpu.memref_slice %arg3[%dma_start3A_1186, %dma_start3A_1187] : memref<32768x128xf32, #tpu.memory_space<hbm>> -> memref<32768x128xf32, #tpu.memory_space<hbm>>
    tpu.enqueue_indirect_dma source(%dma_start3A_1188 : memref<32768x128xf32, #tpu.memory_space<hbm>>) target(%dma_start3A_1182 : memref<128x128xf32, #tpu.memory_space<vmem>>) offsets(%dma_start3A_1185 : memref<128xi32, #tpu.memory_space<vmem>>) semaphore(%arg8 : memref<!tpu.dma_semaphore, #tpu.memory_space<semaphore_mem>>)
    %dma_wait3A_1189 = arith.constant 18 : i32
    %dma_wait3A_1190 = arith.constant 0 : i32
    %dma_wait3A_1191 = arith.constant 0 : i32
    %dma_wait3A_1192 = arith.constant 0 : i32
    %dma_wait3A_1193 = tpu.memref_slice %arg7[%dma_wait3A_1190, %dma_wait3A_1191, %dma_wait3A_1192] : memref<6x128x128xf32, #tpu.memory_space<vmem>> -> memref<1x128x128xf32, #tpu.memory_space<vmem>>
    %dma_wait3A_1194 = tpu.memref_squeeze %dma_wait3A_1193 : memref<1x128x128xf32, #tpu.memory_space<vmem>> -> memref<128x128xf32, #tpu.memory_space<vmem>>
    %dma_wait3A_1195 = arith.constant 0 : i32
    %dma_wait3A_1196 = tpu.memref_slice %arg6[%dma_wait3A_1189, %dma_wait3A_1195] : memref<24x128xi32, #tpu.memory_space<vmem>> -> memref<1x128xi32, #tpu.memory_space<vmem>>
    %dma_wait3A_1197 = tpu.memref_squeeze %dma_wait3A_1196 : memref<1x128xi32, #tpu.memory_space<vmem>> -> memref<128xi32, #tpu.memory_space<vmem>>
    %dma_wait3A_1198 = arith.constant 0 : i32
    %dma_wait3A_1199 = arith.constant 0 : i32
    %dma_wait3A_1200 = tpu.memref_slice %arg2[%dma_wait3A_1198, %dma_wait3A_1199] : memref<262144x128xf32, #tpu.memory_space<hbm>> -> memref<262144x128xf32, #tpu.memory_space<hbm>>
    tpu.wait_indirect_dma semaphore(%arg8 : memref<!tpu.dma_semaphore, #tpu.memory_space<semaphore_mem>>) src(%dma_wait3A_1200 : memref<262144x128xf32, #tpu.memory_space<hbm>>) dst(%dma_wait3A_1194 : memref<128x128xf32, #tpu.memory_space<vmem>>)
    %mul3A_1201 = arith.constant 24 : i32
    %mul3A_1202 = arith.muli %add3A, %mul3A_1201 : i32
    %add3A_1203 = arith.constant 18 : i32
    %add3A_1204 = arith.addi %mul3A_1202, %add3A_1203 : i32
    %dma_start3A_1205 = arith.constant 0 : i32
    %dma_start3A_1206 = arith.constant 0 : i32
    %dma_start3A_1207 = arith.constant 0 : i32
    %dma_start3A_1208 = tpu.memref_slice %arg7[%dma_start3A_1205, %dma_start3A_1206, %dma_start3A_1207] : memref<6x128x128xf32, #tpu.memory_space<vmem>> -> memref<1x128x128xf32, #tpu.memory_space<vmem>>
    %dma_start3A_1209 = tpu.memref_squeeze %dma_start3A_1208 : memref<1x128x128xf32, #tpu.memory_space<vmem>> -> memref<128x128xf32, #tpu.memory_space<vmem>>
    %dma_start3A_1210 = arith.constant 0 : i32
    %dma_start3A_1211 = arith.constant 0 : i32
    %dma_start3A_1212 = tpu.memref_slice %arg5[%add3A_1204, %dma_start3A_1210, %dma_start3A_1211] : memref<768x128x128xf32, #tpu.memory_space<hbm>> -> memref<1x128x128xf32, #tpu.memory_space<hbm>>
    %dma_start3A_1213 = tpu.memref_squeeze %dma_start3A_1212 : memref<1x128x128xf32, #tpu.memory_space<hbm>> -> memref<128x128xf32, #tpu.memory_space<hbm>>
    %dma_start3A_1214 = arith.constant 0 : i32
    %dma_start3A_1215 = arith.constant 0 : i32
    %dma_start3A_1216 = tpu.memref_slice %arg5[%add3A_1204, %dma_start3A_1214, %dma_start3A_1215] : memref<768x128x128xf32, #tpu.memory_space<hbm>> -> memref<1x128x128xf32, #tpu.memory_space<hbm>>
    %dma_start3A_1217 = tpu.memref_squeeze %dma_start3A_1216 : memref<1x128x128xf32, #tpu.memory_space<hbm>> -> memref<128x128xf32, #tpu.memory_space<hbm>>
    %dma_start3A_1218 = arith.constant 0 : i32
    %dma_start3A_1219 = arith.constant 0 : i32
    %dma_start3A_1220 = tpu.memref_slice %arg7[%dma_start3A_1205, %dma_start3A_1218, %dma_start3A_1219] : memref<6x128x128xf32, #tpu.memory_space<vmem>> -> memref<1x128x128xf32, #tpu.memory_space<vmem>>
    %dma_start3A_1221 = tpu.memref_squeeze %dma_start3A_1220 : memref<1x128x128xf32, #tpu.memory_space<vmem>> -> memref<128x128xf32, #tpu.memory_space<vmem>>
    tpu.enqueue_dma source(%dma_start3A_1221 : memref<128x128xf32, #tpu.memory_space<vmem>>) target(%dma_start3A_1217 : memref<128x128xf32, #tpu.memory_space<hbm>>) target_semaphore(%arg9 : memref<!tpu.dma_semaphore, #tpu.memory_space<semaphore_mem>>)
    %dma_wait3A_1222 = arith.constant 19 : i32
    %dma_wait3A_1223 = arith.constant 1 : i32
    %dma_wait3A_1224 = arith.constant 0 : i32
    %dma_wait3A_1225 = arith.constant 0 : i32
    %dma_wait3A_1226 = tpu.memref_slice %arg7[%dma_wait3A_1223, %dma_wait3A_1224, %dma_wait3A_1225] : memref<6x128x128xf32, #tpu.memory_space<vmem>> -> memref<1x128x128xf32, #tpu.memory_space<vmem>>
    %dma_wait3A_1227 = tpu.memref_squeeze %dma_wait3A_1226 : memref<1x128x128xf32, #tpu.memory_space<vmem>> -> memref<128x128xf32, #tpu.memory_space<vmem>>
    %dma_wait3A_1228 = arith.constant 0 : i32
    %dma_wait3A_1229 = tpu.memref_slice %arg6[%dma_wait3A_1222, %dma_wait3A_1228] : memref<24x128xi32, #tpu.memory_space<vmem>> -> memref<1x128xi32, #tpu.memory_space<vmem>>
    %dma_wait3A_1230 = tpu.memref_squeeze %dma_wait3A_1229 : memref<1x128xi32, #tpu.memory_space<vmem>> -> memref<128xi32, #tpu.memory_space<vmem>>
    %dma_wait3A_1231 = arith.constant 0 : i32
    %dma_wait3A_1232 = arith.constant 0 : i32
    %dma_wait3A_1233 = tpu.memref_slice %arg2[%dma_wait3A_1231, %dma_wait3A_1232] : memref<262144x128xf32, #tpu.memory_space<hbm>> -> memref<262144x128xf32, #tpu.memory_space<hbm>>
    tpu.wait_indirect_dma semaphore(%arg8 : memref<!tpu.dma_semaphore, #tpu.memory_space<semaphore_mem>>) src(%dma_wait3A_1233 : memref<262144x128xf32, #tpu.memory_space<hbm>>) dst(%dma_wait3A_1227 : memref<128x128xf32, #tpu.memory_space<vmem>>)
    %mul3A_1234 = arith.constant 24 : i32
    %mul3A_1235 = arith.muli %add3A, %mul3A_1234 : i32
    %add3A_1236 = arith.constant 19 : i32
    %add3A_1237 = arith.addi %mul3A_1235, %add3A_1236 : i32
    %dma_start3A_1238 = arith.constant 1 : i32
    %dma_start3A_1239 = arith.constant 0 : i32
    %dma_start3A_1240 = arith.constant 0 : i32
    %dma_start3A_1241 = tpu.memref_slice %arg7[%dma_start3A_1238, %dma_start3A_1239, %dma_start3A_1240] : memref<6x128x128xf32, #tpu.memory_space<vmem>> -> memref<1x128x128xf32, #tpu.memory_space<vmem>>
    %dma_start3A_1242 = tpu.memref_squeeze %dma_start3A_1241 : memref<1x128x128xf32, #tpu.memory_space<vmem>> -> memref<128x128xf32, #tpu.memory_space<vmem>>
    %dma_start3A_1243 = arith.constant 0 : i32
    %dma_start3A_1244 = arith.constant 0 : i32
    %dma_start3A_1245 = tpu.memref_slice %arg5[%add3A_1237, %dma_start3A_1243, %dma_start3A_1244] : memref<768x128x128xf32, #tpu.memory_space<hbm>> -> memref<1x128x128xf32, #tpu.memory_space<hbm>>
    %dma_start3A_1246 = tpu.memref_squeeze %dma_start3A_1245 : memref<1x128x128xf32, #tpu.memory_space<hbm>> -> memref<128x128xf32, #tpu.memory_space<hbm>>
    %dma_start3A_1247 = arith.constant 0 : i32
    %dma_start3A_1248 = arith.constant 0 : i32
    %dma_start3A_1249 = tpu.memref_slice %arg5[%add3A_1237, %dma_start3A_1247, %dma_start3A_1248] : memref<768x128x128xf32, #tpu.memory_space<hbm>> -> memref<1x128x128xf32, #tpu.memory_space<hbm>>
    %dma_start3A_1250 = tpu.memref_squeeze %dma_start3A_1249 : memref<1x128x128xf32, #tpu.memory_space<hbm>> -> memref<128x128xf32, #tpu.memory_space<hbm>>
    %dma_start3A_1251 = arith.constant 0 : i32
    %dma_start3A_1252 = arith.constant 0 : i32
    %dma_start3A_1253 = tpu.memref_slice %arg7[%dma_start3A_1238, %dma_start3A_1251, %dma_start3A_1252] : memref<6x128x128xf32, #tpu.memory_space<vmem>> -> memref<1x128x128xf32, #tpu.memory_space<vmem>>
    %dma_start3A_1254 = tpu.memref_squeeze %dma_start3A_1253 : memref<1x128x128xf32, #tpu.memory_space<vmem>> -> memref<128x128xf32, #tpu.memory_space<vmem>>
    tpu.enqueue_dma source(%dma_start3A_1254 : memref<128x128xf32, #tpu.memory_space<vmem>>) target(%dma_start3A_1250 : memref<128x128xf32, #tpu.memory_space<hbm>>) target_semaphore(%arg9 : memref<!tpu.dma_semaphore, #tpu.memory_space<semaphore_mem>>)
    %dma_wait3A_1255 = arith.constant 20 : i32
    %dma_wait3A_1256 = arith.constant 2 : i32
    %dma_wait3A_1257 = arith.constant 0 : i32
    %dma_wait3A_1258 = arith.constant 0 : i32
    %dma_wait3A_1259 = tpu.memref_slice %arg7[%dma_wait3A_1256, %dma_wait3A_1257, %dma_wait3A_1258] : memref<6x128x128xf32, #tpu.memory_space<vmem>> -> memref<1x128x128xf32, #tpu.memory_space<vmem>>
    %dma_wait3A_1260 = tpu.memref_squeeze %dma_wait3A_1259 : memref<1x128x128xf32, #tpu.memory_space<vmem>> -> memref<128x128xf32, #tpu.memory_space<vmem>>
    %dma_wait3A_1261 = arith.constant 0 : i32
    %dma_wait3A_1262 = tpu.memref_slice %arg6[%dma_wait3A_1255, %dma_wait3A_1261] : memref<24x128xi32, #tpu.memory_space<vmem>> -> memref<1x128xi32, #tpu.memory_space<vmem>>
    %dma_wait3A_1263 = tpu.memref_squeeze %dma_wait3A_1262 : memref<1x128xi32, #tpu.memory_space<vmem>> -> memref<128xi32, #tpu.memory_space<vmem>>
    %dma_wait3A_1264 = arith.constant 0 : i32
    %dma_wait3A_1265 = arith.constant 0 : i32
    %dma_wait3A_1266 = tpu.memref_slice %arg3[%dma_wait3A_1264, %dma_wait3A_1265] : memref<32768x128xf32, #tpu.memory_space<hbm>> -> memref<32768x128xf32, #tpu.memory_space<hbm>>
    tpu.wait_indirect_dma semaphore(%arg8 : memref<!tpu.dma_semaphore, #tpu.memory_space<semaphore_mem>>) src(%dma_wait3A_1266 : memref<32768x128xf32, #tpu.memory_space<hbm>>) dst(%dma_wait3A_1260 : memref<128x128xf32, #tpu.memory_space<vmem>>)
    %mul3A_1267 = arith.constant 24 : i32
    %mul3A_1268 = arith.muli %add3A, %mul3A_1267 : i32
    %add3A_1269 = arith.constant 20 : i32
    %add3A_1270 = arith.addi %mul3A_1268, %add3A_1269 : i32
    %dma_start3A_1271 = arith.constant 2 : i32
    %dma_start3A_1272 = arith.constant 0 : i32
    %dma_start3A_1273 = arith.constant 0 : i32
    %dma_start3A_1274 = tpu.memref_slice %arg7[%dma_start3A_1271, %dma_start3A_1272, %dma_start3A_1273] : memref<6x128x128xf32, #tpu.memory_space<vmem>> -> memref<1x128x128xf32, #tpu.memory_space<vmem>>
    %dma_start3A_1275 = tpu.memref_squeeze %dma_start3A_1274 : memref<1x128x128xf32, #tpu.memory_space<vmem>> -> memref<128x128xf32, #tpu.memory_space<vmem>>
    %dma_start3A_1276 = arith.constant 0 : i32
    %dma_start3A_1277 = arith.constant 0 : i32
    %dma_start3A_1278 = tpu.memref_slice %arg5[%add3A_1270, %dma_start3A_1276, %dma_start3A_1277] : memref<768x128x128xf32, #tpu.memory_space<hbm>> -> memref<1x128x128xf32, #tpu.memory_space<hbm>>
    %dma_start3A_1279 = tpu.memref_squeeze %dma_start3A_1278 : memref<1x128x128xf32, #tpu.memory_space<hbm>> -> memref<128x128xf32, #tpu.memory_space<hbm>>
    %dma_start3A_1280 = arith.constant 0 : i32
    %dma_start3A_1281 = arith.constant 0 : i32
    %dma_start3A_1282 = tpu.memref_slice %arg5[%add3A_1270, %dma_start3A_1280, %dma_start3A_1281] : memref<768x128x128xf32, #tpu.memory_space<hbm>> -> memref<1x128x128xf32, #tpu.memory_space<hbm>>
    %dma_start3A_1283 = tpu.memref_squeeze %dma_start3A_1282 : memref<1x128x128xf32, #tpu.memory_space<hbm>> -> memref<128x128xf32, #tpu.memory_space<hbm>>
    %dma_start3A_1284 = arith.constant 0 : i32
    %dma_start3A_1285 = arith.constant 0 : i32
    %dma_start3A_1286 = tpu.memref_slice %arg7[%dma_start3A_1271, %dma_start3A_1284, %dma_start3A_1285] : memref<6x128x128xf32, #tpu.memory_space<vmem>> -> memref<1x128x128xf32, #tpu.memory_space<vmem>>
    %dma_start3A_1287 = tpu.memref_squeeze %dma_start3A_1286 : memref<1x128x128xf32, #tpu.memory_space<vmem>> -> memref<128x128xf32, #tpu.memory_space<vmem>>
    tpu.enqueue_dma source(%dma_start3A_1287 : memref<128x128xf32, #tpu.memory_space<vmem>>) target(%dma_start3A_1283 : memref<128x128xf32, #tpu.memory_space<hbm>>) target_semaphore(%arg9 : memref<!tpu.dma_semaphore, #tpu.memory_space<semaphore_mem>>)
    %dma_wait3A_1288 = arith.constant 21 : i32
    %dma_wait3A_1289 = arith.constant 3 : i32
    %dma_wait3A_1290 = arith.constant 0 : i32
    %dma_wait3A_1291 = arith.constant 0 : i32
    %dma_wait3A_1292 = tpu.memref_slice %arg7[%dma_wait3A_1289, %dma_wait3A_1290, %dma_wait3A_1291] : memref<6x128x128xf32, #tpu.memory_space<vmem>> -> memref<1x128x128xf32, #tpu.memory_space<vmem>>
    %dma_wait3A_1293 = tpu.memref_squeeze %dma_wait3A_1292 : memref<1x128x128xf32, #tpu.memory_space<vmem>> -> memref<128x128xf32, #tpu.memory_space<vmem>>
    %dma_wait3A_1294 = arith.constant 0 : i32
    %dma_wait3A_1295 = tpu.memref_slice %arg6[%dma_wait3A_1288, %dma_wait3A_1294] : memref<24x128xi32, #tpu.memory_space<vmem>> -> memref<1x128xi32, #tpu.memory_space<vmem>>
    %dma_wait3A_1296 = tpu.memref_squeeze %dma_wait3A_1295 : memref<1x128xi32, #tpu.memory_space<vmem>> -> memref<128xi32, #tpu.memory_space<vmem>>
    %dma_wait3A_1297 = arith.constant 0 : i32
    %dma_wait3A_1298 = arith.constant 0 : i32
    %dma_wait3A_1299 = tpu.memref_slice %arg3[%dma_wait3A_1297, %dma_wait3A_1298] : memref<32768x128xf32, #tpu.memory_space<hbm>> -> memref<32768x128xf32, #tpu.memory_space<hbm>>
    tpu.wait_indirect_dma semaphore(%arg8 : memref<!tpu.dma_semaphore, #tpu.memory_space<semaphore_mem>>) src(%dma_wait3A_1299 : memref<32768x128xf32, #tpu.memory_space<hbm>>) dst(%dma_wait3A_1293 : memref<128x128xf32, #tpu.memory_space<vmem>>)
    %mul3A_1300 = arith.constant 24 : i32
    %mul3A_1301 = arith.muli %add3A, %mul3A_1300 : i32
    %add3A_1302 = arith.constant 21 : i32
    %add3A_1303 = arith.addi %mul3A_1301, %add3A_1302 : i32
    %dma_start3A_1304 = arith.constant 3 : i32
    %dma_start3A_1305 = arith.constant 0 : i32
    %dma_start3A_1306 = arith.constant 0 : i32
    %dma_start3A_1307 = tpu.memref_slice %arg7[%dma_start3A_1304, %dma_start3A_1305, %dma_start3A_1306] : memref<6x128x128xf32, #tpu.memory_space<vmem>> -> memref<1x128x128xf32, #tpu.memory_space<vmem>>
    %dma_start3A_1308 = tpu.memref_squeeze %dma_start3A_1307 : memref<1x128x128xf32, #tpu.memory_space<vmem>> -> memref<128x128xf32, #tpu.memory_space<vmem>>
    %dma_start3A_1309 = arith.constant 0 : i32
    %dma_start3A_1310 = arith.constant 0 : i32
    %dma_start3A_1311 = tpu.memref_slice %arg5[%add3A_1303, %dma_start3A_1309, %dma_start3A_1310] : memref<768x128x128xf32, #tpu.memory_space<hbm>> -> memref<1x128x128xf32, #tpu.memory_space<hbm>>
    %dma_start3A_1312 = tpu.memref_squeeze %dma_start3A_1311 : memref<1x128x128xf32, #tpu.memory_space<hbm>> -> memref<128x128xf32, #tpu.memory_space<hbm>>
    %dma_start3A_1313 = arith.constant 0 : i32
    %dma_start3A_1314 = arith.constant 0 : i32
    %dma_start3A_1315 = tpu.memref_slice %arg5[%add3A_1303, %dma_start3A_1313, %dma_start3A_1314] : memref<768x128x128xf32, #tpu.memory_space<hbm>> -> memref<1x128x128xf32, #tpu.memory_space<hbm>>
    %dma_start3A_1316 = tpu.memref_squeeze %dma_start3A_1315 : memref<1x128x128xf32, #tpu.memory_space<hbm>> -> memref<128x128xf32, #tpu.memory_space<hbm>>
    %dma_start3A_1317 = arith.constant 0 : i32
    %dma_start3A_1318 = arith.constant 0 : i32
    %dma_start3A_1319 = tpu.memref_slice %arg7[%dma_start3A_1304, %dma_start3A_1317, %dma_start3A_1318] : memref<6x128x128xf32, #tpu.memory_space<vmem>> -> memref<1x128x128xf32, #tpu.memory_space<vmem>>
    %dma_start3A_1320 = tpu.memref_squeeze %dma_start3A_1319 : memref<1x128x128xf32, #tpu.memory_space<vmem>> -> memref<128x128xf32, #tpu.memory_space<vmem>>
    tpu.enqueue_dma source(%dma_start3A_1320 : memref<128x128xf32, #tpu.memory_space<vmem>>) target(%dma_start3A_1316 : memref<128x128xf32, #tpu.memory_space<hbm>>) target_semaphore(%arg9 : memref<!tpu.dma_semaphore, #tpu.memory_space<semaphore_mem>>)
    %dma_wait3A_1321 = arith.constant 22 : i32
    %dma_wait3A_1322 = arith.constant 4 : i32
    %dma_wait3A_1323 = arith.constant 0 : i32
    %dma_wait3A_1324 = arith.constant 0 : i32
    %dma_wait3A_1325 = tpu.memref_slice %arg7[%dma_wait3A_1322, %dma_wait3A_1323, %dma_wait3A_1324] : memref<6x128x128xf32, #tpu.memory_space<vmem>> -> memref<1x128x128xf32, #tpu.memory_space<vmem>>
    %dma_wait3A_1326 = tpu.memref_squeeze %dma_wait3A_1325 : memref<1x128x128xf32, #tpu.memory_space<vmem>> -> memref<128x128xf32, #tpu.memory_space<vmem>>
    %dma_wait3A_1327 = arith.constant 0 : i32
    %dma_wait3A_1328 = tpu.memref_slice %arg6[%dma_wait3A_1321, %dma_wait3A_1327] : memref<24x128xi32, #tpu.memory_space<vmem>> -> memref<1x128xi32, #tpu.memory_space<vmem>>
    %dma_wait3A_1329 = tpu.memref_squeeze %dma_wait3A_1328 : memref<1x128xi32, #tpu.memory_space<vmem>> -> memref<128xi32, #tpu.memory_space<vmem>>
    %dma_wait3A_1330 = arith.constant 0 : i32
    %dma_wait3A_1331 = arith.constant 0 : i32
    %dma_wait3A_1332 = tpu.memref_slice %arg3[%dma_wait3A_1330, %dma_wait3A_1331] : memref<32768x128xf32, #tpu.memory_space<hbm>> -> memref<32768x128xf32, #tpu.memory_space<hbm>>
    tpu.wait_indirect_dma semaphore(%arg8 : memref<!tpu.dma_semaphore, #tpu.memory_space<semaphore_mem>>) src(%dma_wait3A_1332 : memref<32768x128xf32, #tpu.memory_space<hbm>>) dst(%dma_wait3A_1326 : memref<128x128xf32, #tpu.memory_space<vmem>>)
    %mul3A_1333 = arith.constant 24 : i32
    %mul3A_1334 = arith.muli %add3A, %mul3A_1333 : i32
    %add3A_1335 = arith.constant 22 : i32
    %add3A_1336 = arith.addi %mul3A_1334, %add3A_1335 : i32
    %dma_start3A_1337 = arith.constant 4 : i32
    %dma_start3A_1338 = arith.constant 0 : i32
    %dma_start3A_1339 = arith.constant 0 : i32
    %dma_start3A_1340 = tpu.memref_slice %arg7[%dma_start3A_1337, %dma_start3A_1338, %dma_start3A_1339] : memref<6x128x128xf32, #tpu.memory_space<vmem>> -> memref<1x128x128xf32, #tpu.memory_space<vmem>>
    %dma_start3A_1341 = tpu.memref_squeeze %dma_start3A_1340 : memref<1x128x128xf32, #tpu.memory_space<vmem>> -> memref<128x128xf32, #tpu.memory_space<vmem>>
    %dma_start3A_1342 = arith.constant 0 : i32
    %dma_start3A_1343 = arith.constant 0 : i32
    %dma_start3A_1344 = tpu.memref_slice %arg5[%add3A_1336, %dma_start3A_1342, %dma_start3A_1343] : memref<768x128x128xf32, #tpu.memory_space<hbm>> -> memref<1x128x128xf32, #tpu.memory_space<hbm>>
    %dma_start3A_1345 = tpu.memref_squeeze %dma_start3A_1344 : memref<1x128x128xf32, #tpu.memory_space<hbm>> -> memref<128x128xf32, #tpu.memory_space<hbm>>
    %dma_start3A_1346 = arith.constant 0 : i32
    %dma_start3A_1347 = arith.constant 0 : i32
    %dma_start3A_1348 = tpu.memref_slice %arg5[%add3A_1336, %dma_start3A_1346, %dma_start3A_1347] : memref<768x128x128xf32, #tpu.memory_space<hbm>> -> memref<1x128x128xf32, #tpu.memory_space<hbm>>
    %dma_start3A_1349 = tpu.memref_squeeze %dma_start3A_1348 : memref<1x128x128xf32, #tpu.memory_space<hbm>> -> memref<128x128xf32, #tpu.memory_space<hbm>>
    %dma_start3A_1350 = arith.constant 0 : i32
    %dma_start3A_1351 = arith.constant 0 : i32
    %dma_start3A_1352 = tpu.memref_slice %arg7[%dma_start3A_1337, %dma_start3A_1350, %dma_start3A_1351] : memref<6x128x128xf32, #tpu.memory_space<vmem>> -> memref<1x128x128xf32, #tpu.memory_space<vmem>>
    %dma_start3A_1353 = tpu.memref_squeeze %dma_start3A_1352 : memref<1x128x128xf32, #tpu.memory_space<vmem>> -> memref<128x128xf32, #tpu.memory_space<vmem>>
    tpu.enqueue_dma source(%dma_start3A_1353 : memref<128x128xf32, #tpu.memory_space<vmem>>) target(%dma_start3A_1349 : memref<128x128xf32, #tpu.memory_space<hbm>>) target_semaphore(%arg9 : memref<!tpu.dma_semaphore, #tpu.memory_space<semaphore_mem>>)
    %dma_wait3A_1354 = arith.constant 23 : i32
    %dma_wait3A_1355 = arith.constant 5 : i32
    %dma_wait3A_1356 = arith.constant 0 : i32
    %dma_wait3A_1357 = arith.constant 0 : i32
    %dma_wait3A_1358 = tpu.memref_slice %arg7[%dma_wait3A_1355, %dma_wait3A_1356, %dma_wait3A_1357] : memref<6x128x128xf32, #tpu.memory_space<vmem>> -> memref<1x128x128xf32, #tpu.memory_space<vmem>>
    %dma_wait3A_1359 = tpu.memref_squeeze %dma_wait3A_1358 : memref<1x128x128xf32, #tpu.memory_space<vmem>> -> memref<128x128xf32, #tpu.memory_space<vmem>>
    %dma_wait3A_1360 = arith.constant 0 : i32
    %dma_wait3A_1361 = tpu.memref_slice %arg6[%dma_wait3A_1354, %dma_wait3A_1360] : memref<24x128xi32, #tpu.memory_space<vmem>> -> memref<1x128xi32, #tpu.memory_space<vmem>>
    %dma_wait3A_1362 = tpu.memref_squeeze %dma_wait3A_1361 : memref<1x128xi32, #tpu.memory_space<vmem>> -> memref<128xi32, #tpu.memory_space<vmem>>
    %dma_wait3A_1363 = arith.constant 0 : i32
    %dma_wait3A_1364 = arith.constant 0 : i32
    %dma_wait3A_1365 = tpu.memref_slice %arg3[%dma_wait3A_1363, %dma_wait3A_1364] : memref<32768x128xf32, #tpu.memory_space<hbm>> -> memref<32768x128xf32, #tpu.memory_space<hbm>>
    tpu.wait_indirect_dma semaphore(%arg8 : memref<!tpu.dma_semaphore, #tpu.memory_space<semaphore_mem>>) src(%dma_wait3A_1365 : memref<32768x128xf32, #tpu.memory_space<hbm>>) dst(%dma_wait3A_1359 : memref<128x128xf32, #tpu.memory_space<vmem>>)
    %mul3A_1366 = arith.constant 24 : i32
    %mul3A_1367 = arith.muli %add3A, %mul3A_1366 : i32
    %add3A_1368 = arith.constant 23 : i32
    %add3A_1369 = arith.addi %mul3A_1367, %add3A_1368 : i32
    %dma_start3A_1370 = arith.constant 5 : i32
    %dma_start3A_1371 = arith.constant 0 : i32
    %dma_start3A_1372 = arith.constant 0 : i32
    %dma_start3A_1373 = tpu.memref_slice %arg7[%dma_start3A_1370, %dma_start3A_1371, %dma_start3A_1372] : memref<6x128x128xf32, #tpu.memory_space<vmem>> -> memref<1x128x128xf32, #tpu.memory_space<vmem>>
    %dma_start3A_1374 = tpu.memref_squeeze %dma_start3A_1373 : memref<1x128x128xf32, #tpu.memory_space<vmem>> -> memref<128x128xf32, #tpu.memory_space<vmem>>
    %dma_start3A_1375 = arith.constant 0 : i32
    %dma_start3A_1376 = arith.constant 0 : i32
    %dma_start3A_1377 = tpu.memref_slice %arg5[%add3A_1369, %dma_start3A_1375, %dma_start3A_1376] : memref<768x128x128xf32, #tpu.memory_space<hbm>> -> memref<1x128x128xf32, #tpu.memory_space<hbm>>
    %dma_start3A_1378 = tpu.memref_squeeze %dma_start3A_1377 : memref<1x128x128xf32, #tpu.memory_space<hbm>> -> memref<128x128xf32, #tpu.memory_space<hbm>>
    %dma_start3A_1379 = arith.constant 0 : i32
    %dma_start3A_1380 = arith.constant 0 : i32
    %dma_start3A_1381 = tpu.memref_slice %arg5[%add3A_1369, %dma_start3A_1379, %dma_start3A_1380] : memref<768x128x128xf32, #tpu.memory_space<hbm>> -> memref<1x128x128xf32, #tpu.memory_space<hbm>>
    %dma_start3A_1382 = tpu.memref_squeeze %dma_start3A_1381 : memref<1x128x128xf32, #tpu.memory_space<hbm>> -> memref<128x128xf32, #tpu.memory_space<hbm>>
    %dma_start3A_1383 = arith.constant 0 : i32
    %dma_start3A_1384 = arith.constant 0 : i32
    %dma_start3A_1385 = tpu.memref_slice %arg7[%dma_start3A_1370, %dma_start3A_1383, %dma_start3A_1384] : memref<6x128x128xf32, #tpu.memory_space<vmem>> -> memref<1x128x128xf32, #tpu.memory_space<vmem>>
    %dma_start3A_1386 = tpu.memref_squeeze %dma_start3A_1385 : memref<1x128x128xf32, #tpu.memory_space<vmem>> -> memref<128x128xf32, #tpu.memory_space<vmem>>
    tpu.enqueue_dma source(%dma_start3A_1386 : memref<128x128xf32, #tpu.memory_space<vmem>>) target(%dma_start3A_1382 : memref<128x128xf32, #tpu.memory_space<hbm>>) target_semaphore(%arg9 : memref<!tpu.dma_semaphore, #tpu.memory_space<semaphore_mem>>)
    %dma_wait3A_1387 = arith.constant 0 : i32
    %dma_wait3A_1388 = arith.constant 0 : i32
    %dma_wait3A_1389 = arith.constant 0 : i32
    %dma_wait3A_1390 = tpu.memref_slice %arg7[%dma_wait3A_1387, %dma_wait3A_1388, %dma_wait3A_1389] : memref<6x128x128xf32, #tpu.memory_space<vmem>> -> memref<1x128x128xf32, #tpu.memory_space<vmem>>
    %dma_wait3A_1391 = tpu.memref_squeeze %dma_wait3A_1390 : memref<1x128x128xf32, #tpu.memory_space<vmem>> -> memref<128x128xf32, #tpu.memory_space<vmem>>
    %dma_wait3A_1392 = arith.constant 0 : i32
    %dma_wait3A_1393 = arith.constant 0 : i32
    %dma_wait3A_1394 = tpu.memref_slice %arg5[%add3A_1204, %dma_wait3A_1392, %dma_wait3A_1393] : memref<768x128x128xf32, #tpu.memory_space<hbm>> -> memref<1x128x128xf32, #tpu.memory_space<hbm>>
    %dma_wait3A_1395 = tpu.memref_squeeze %dma_wait3A_1394 : memref<1x128x128xf32, #tpu.memory_space<hbm>> -> memref<128x128xf32, #tpu.memory_space<hbm>>
    %dma_wait3A_1396 = arith.constant 0 : i32
    %dma_wait3A_1397 = arith.constant 0 : i32
    %dma_wait3A_1398 = tpu.memref_slice %arg5[%add3A_1204, %dma_wait3A_1396, %dma_wait3A_1397] : memref<768x128x128xf32, #tpu.memory_space<hbm>> -> memref<1x128x128xf32, #tpu.memory_space<hbm>>
    %dma_wait3A_1399 = tpu.memref_squeeze %dma_wait3A_1398 : memref<1x128x128xf32, #tpu.memory_space<hbm>> -> memref<128x128xf32, #tpu.memory_space<hbm>>
    %dma_wait3A_1400 = arith.constant 0 : i32
    %dma_wait3A_1401 = arith.constant 0 : i32
    %dma_wait3A_1402 = tpu.memref_slice %arg7[%dma_wait3A_1387, %dma_wait3A_1400, %dma_wait3A_1401] : memref<6x128x128xf32, #tpu.memory_space<vmem>> -> memref<1x128x128xf32, #tpu.memory_space<vmem>>
    %dma_wait3A_1403 = tpu.memref_squeeze %dma_wait3A_1402 : memref<1x128x128xf32, #tpu.memory_space<vmem>> -> memref<128x128xf32, #tpu.memory_space<vmem>>
    tpu.wait_dma2 semaphore(%arg9 : memref<!tpu.dma_semaphore, #tpu.memory_space<semaphore_mem>>) src(%dma_wait3A_1403 : memref<128x128xf32, #tpu.memory_space<vmem>>) dst(%dma_wait3A_1399 : memref<128x128xf32, #tpu.memory_space<hbm>>)
    %dma_wait3A_1404 = arith.constant 1 : i32
    %dma_wait3A_1405 = arith.constant 0 : i32
    %dma_wait3A_1406 = arith.constant 0 : i32
    %dma_wait3A_1407 = tpu.memref_slice %arg7[%dma_wait3A_1404, %dma_wait3A_1405, %dma_wait3A_1406] : memref<6x128x128xf32, #tpu.memory_space<vmem>> -> memref<1x128x128xf32, #tpu.memory_space<vmem>>
    %dma_wait3A_1408 = tpu.memref_squeeze %dma_wait3A_1407 : memref<1x128x128xf32, #tpu.memory_space<vmem>> -> memref<128x128xf32, #tpu.memory_space<vmem>>
    %dma_wait3A_1409 = arith.constant 0 : i32
    %dma_wait3A_1410 = arith.constant 0 : i32
    %dma_wait3A_1411 = tpu.memref_slice %arg5[%add3A_1237, %dma_wait3A_1409, %dma_wait3A_1410] : memref<768x128x128xf32, #tpu.memory_space<hbm>> -> memref<1x128x128xf32, #tpu.memory_space<hbm>>
    %dma_wait3A_1412 = tpu.memref_squeeze %dma_wait3A_1411 : memref<1x128x128xf32, #tpu.memory_space<hbm>> -> memref<128x128xf32, #tpu.memory_space<hbm>>
    %dma_wait3A_1413 = arith.constant 0 : i32
    %dma_wait3A_1414 = arith.constant 0 : i32
    %dma_wait3A_1415 = tpu.memref_slice %arg5[%add3A_1237, %dma_wait3A_1413, %dma_wait3A_1414] : memref<768x128x128xf32, #tpu.memory_space<hbm>> -> memref<1x128x128xf32, #tpu.memory_space<hbm>>
    %dma_wait3A_1416 = tpu.memref_squeeze %dma_wait3A_1415 : memref<1x128x128xf32, #tpu.memory_space<hbm>> -> memref<128x128xf32, #tpu.memory_space<hbm>>
    %dma_wait3A_1417 = arith.constant 0 : i32
    %dma_wait3A_1418 = arith.constant 0 : i32
    %dma_wait3A_1419 = tpu.memref_slice %arg7[%dma_wait3A_1404, %dma_wait3A_1417, %dma_wait3A_1418] : memref<6x128x128xf32, #tpu.memory_space<vmem>> -> memref<1x128x128xf32, #tpu.memory_space<vmem>>
    %dma_wait3A_1420 = tpu.memref_squeeze %dma_wait3A_1419 : memref<1x128x128xf32, #tpu.memory_space<vmem>> -> memref<128x128xf32, #tpu.memory_space<vmem>>
    tpu.wait_dma2 semaphore(%arg9 : memref<!tpu.dma_semaphore, #tpu.memory_space<semaphore_mem>>) src(%dma_wait3A_1420 : memref<128x128xf32, #tpu.memory_space<vmem>>) dst(%dma_wait3A_1416 : memref<128x128xf32, #tpu.memory_space<hbm>>)
    %dma_wait3A_1421 = arith.constant 2 : i32
    %dma_wait3A_1422 = arith.constant 0 : i32
    %dma_wait3A_1423 = arith.constant 0 : i32
    %dma_wait3A_1424 = tpu.memref_slice %arg7[%dma_wait3A_1421, %dma_wait3A_1422, %dma_wait3A_1423] : memref<6x128x128xf32, #tpu.memory_space<vmem>> -> memref<1x128x128xf32, #tpu.memory_space<vmem>>
    %dma_wait3A_1425 = tpu.memref_squeeze %dma_wait3A_1424 : memref<1x128x128xf32, #tpu.memory_space<vmem>> -> memref<128x128xf32, #tpu.memory_space<vmem>>
    %dma_wait3A_1426 = arith.constant 0 : i32
    %dma_wait3A_1427 = arith.constant 0 : i32
    %dma_wait3A_1428 = tpu.memref_slice %arg5[%add3A_1270, %dma_wait3A_1426, %dma_wait3A_1427] : memref<768x128x128xf32, #tpu.memory_space<hbm>> -> memref<1x128x128xf32, #tpu.memory_space<hbm>>
    %dma_wait3A_1429 = tpu.memref_squeeze %dma_wait3A_1428 : memref<1x128x128xf32, #tpu.memory_space<hbm>> -> memref<128x128xf32, #tpu.memory_space<hbm>>
    %dma_wait3A_1430 = arith.constant 0 : i32
    %dma_wait3A_1431 = arith.constant 0 : i32
    %dma_wait3A_1432 = tpu.memref_slice %arg5[%add3A_1270, %dma_wait3A_1430, %dma_wait3A_1431] : memref<768x128x128xf32, #tpu.memory_space<hbm>> -> memref<1x128x128xf32, #tpu.memory_space<hbm>>
    %dma_wait3A_1433 = tpu.memref_squeeze %dma_wait3A_1432 : memref<1x128x128xf32, #tpu.memory_space<hbm>> -> memref<128x128xf32, #tpu.memory_space<hbm>>
    %dma_wait3A_1434 = arith.constant 0 : i32
    %dma_wait3A_1435 = arith.constant 0 : i32
    %dma_wait3A_1436 = tpu.memref_slice %arg7[%dma_wait3A_1421, %dma_wait3A_1434, %dma_wait3A_1435] : memref<6x128x128xf32, #tpu.memory_space<vmem>> -> memref<1x128x128xf32, #tpu.memory_space<vmem>>
    %dma_wait3A_1437 = tpu.memref_squeeze %dma_wait3A_1436 : memref<1x128x128xf32, #tpu.memory_space<vmem>> -> memref<128x128xf32, #tpu.memory_space<vmem>>
    tpu.wait_dma2 semaphore(%arg9 : memref<!tpu.dma_semaphore, #tpu.memory_space<semaphore_mem>>) src(%dma_wait3A_1437 : memref<128x128xf32, #tpu.memory_space<vmem>>) dst(%dma_wait3A_1433 : memref<128x128xf32, #tpu.memory_space<hbm>>)
    %dma_wait3A_1438 = arith.constant 3 : i32
    %dma_wait3A_1439 = arith.constant 0 : i32
    %dma_wait3A_1440 = arith.constant 0 : i32
    %dma_wait3A_1441 = tpu.memref_slice %arg7[%dma_wait3A_1438, %dma_wait3A_1439, %dma_wait3A_1440] : memref<6x128x128xf32, #tpu.memory_space<vmem>> -> memref<1x128x128xf32, #tpu.memory_space<vmem>>
    %dma_wait3A_1442 = tpu.memref_squeeze %dma_wait3A_1441 : memref<1x128x128xf32, #tpu.memory_space<vmem>> -> memref<128x128xf32, #tpu.memory_space<vmem>>
    %dma_wait3A_1443 = arith.constant 0 : i32
    %dma_wait3A_1444 = arith.constant 0 : i32
    %dma_wait3A_1445 = tpu.memref_slice %arg5[%add3A_1303, %dma_wait3A_1443, %dma_wait3A_1444] : memref<768x128x128xf32, #tpu.memory_space<hbm>> -> memref<1x128x128xf32, #tpu.memory_space<hbm>>
    %dma_wait3A_1446 = tpu.memref_squeeze %dma_wait3A_1445 : memref<1x128x128xf32, #tpu.memory_space<hbm>> -> memref<128x128xf32, #tpu.memory_space<hbm>>
    %dma_wait3A_1447 = arith.constant 0 : i32
    %dma_wait3A_1448 = arith.constant 0 : i32
    %dma_wait3A_1449 = tpu.memref_slice %arg5[%add3A_1303, %dma_wait3A_1447, %dma_wait3A_1448] : memref<768x128x128xf32, #tpu.memory_space<hbm>> -> memref<1x128x128xf32, #tpu.memory_space<hbm>>
    %dma_wait3A_1450 = tpu.memref_squeeze %dma_wait3A_1449 : memref<1x128x128xf32, #tpu.memory_space<hbm>> -> memref<128x128xf32, #tpu.memory_space<hbm>>
    %dma_wait3A_1451 = arith.constant 0 : i32
    %dma_wait3A_1452 = arith.constant 0 : i32
    %dma_wait3A_1453 = tpu.memref_slice %arg7[%dma_wait3A_1438, %dma_wait3A_1451, %dma_wait3A_1452] : memref<6x128x128xf32, #tpu.memory_space<vmem>> -> memref<1x128x128xf32, #tpu.memory_space<vmem>>
    %dma_wait3A_1454 = tpu.memref_squeeze %dma_wait3A_1453 : memref<1x128x128xf32, #tpu.memory_space<vmem>> -> memref<128x128xf32, #tpu.memory_space<vmem>>
    tpu.wait_dma2 semaphore(%arg9 : memref<!tpu.dma_semaphore, #tpu.memory_space<semaphore_mem>>) src(%dma_wait3A_1454 : memref<128x128xf32, #tpu.memory_space<vmem>>) dst(%dma_wait3A_1450 : memref<128x128xf32, #tpu.memory_space<hbm>>)
    %dma_wait3A_1455 = arith.constant 4 : i32
    %dma_wait3A_1456 = arith.constant 0 : i32
    %dma_wait3A_1457 = arith.constant 0 : i32
    %dma_wait3A_1458 = tpu.memref_slice %arg7[%dma_wait3A_1455, %dma_wait3A_1456, %dma_wait3A_1457] : memref<6x128x128xf32, #tpu.memory_space<vmem>> -> memref<1x128x128xf32, #tpu.memory_space<vmem>>
    %dma_wait3A_1459 = tpu.memref_squeeze %dma_wait3A_1458 : memref<1x128x128xf32, #tpu.memory_space<vmem>> -> memref<128x128xf32, #tpu.memory_space<vmem>>
    %dma_wait3A_1460 = arith.constant 0 : i32
    %dma_wait3A_1461 = arith.constant 0 : i32
    %dma_wait3A_1462 = tpu.memref_slice %arg5[%add3A_1336, %dma_wait3A_1460, %dma_wait3A_1461] : memref<768x128x128xf32, #tpu.memory_space<hbm>> -> memref<1x128x128xf32, #tpu.memory_space<hbm>>
    %dma_wait3A_1463 = tpu.memref_squeeze %dma_wait3A_1462 : memref<1x128x128xf32, #tpu.memory_space<hbm>> -> memref<128x128xf32, #tpu.memory_space<hbm>>
    %dma_wait3A_1464 = arith.constant 0 : i32
    %dma_wait3A_1465 = arith.constant 0 : i32
    %dma_wait3A_1466 = tpu.memref_slice %arg5[%add3A_1336, %dma_wait3A_1464, %dma_wait3A_1465] : memref<768x128x128xf32, #tpu.memory_space<hbm>> -> memref<1x128x128xf32, #tpu.memory_space<hbm>>
    %dma_wait3A_1467 = tpu.memref_squeeze %dma_wait3A_1466 : memref<1x128x128xf32, #tpu.memory_space<hbm>> -> memref<128x128xf32, #tpu.memory_space<hbm>>
    %dma_wait3A_1468 = arith.constant 0 : i32
    %dma_wait3A_1469 = arith.constant 0 : i32
    %dma_wait3A_1470 = tpu.memref_slice %arg7[%dma_wait3A_1455, %dma_wait3A_1468, %dma_wait3A_1469] : memref<6x128x128xf32, #tpu.memory_space<vmem>> -> memref<1x128x128xf32, #tpu.memory_space<vmem>>
    %dma_wait3A_1471 = tpu.memref_squeeze %dma_wait3A_1470 : memref<1x128x128xf32, #tpu.memory_space<vmem>> -> memref<128x128xf32, #tpu.memory_space<vmem>>
    tpu.wait_dma2 semaphore(%arg9 : memref<!tpu.dma_semaphore, #tpu.memory_space<semaphore_mem>>) src(%dma_wait3A_1471 : memref<128x128xf32, #tpu.memory_space<vmem>>) dst(%dma_wait3A_1467 : memref<128x128xf32, #tpu.memory_space<hbm>>)
    %dma_wait3A_1472 = arith.constant 5 : i32
    %dma_wait3A_1473 = arith.constant 0 : i32
    %dma_wait3A_1474 = arith.constant 0 : i32
    %dma_wait3A_1475 = tpu.memref_slice %arg7[%dma_wait3A_1472, %dma_wait3A_1473, %dma_wait3A_1474] : memref<6x128x128xf32, #tpu.memory_space<vmem>> -> memref<1x128x128xf32, #tpu.memory_space<vmem>>
    %dma_wait3A_1476 = tpu.memref_squeeze %dma_wait3A_1475 : memref<1x128x128xf32, #tpu.memory_space<vmem>> -> memref<128x128xf32, #tpu.memory_space<vmem>>
    %dma_wait3A_1477 = arith.constant 0 : i32
    %dma_wait3A_1478 = arith.constant 0 : i32
    %dma_wait3A_1479 = tpu.memref_slice %arg5[%add3A_1369, %dma_wait3A_1477, %dma_wait3A_1478] : memref<768x128x128xf32, #tpu.memory_space<hbm>> -> memref<1x128x128xf32, #tpu.memory_space<hbm>>
    %dma_wait3A_1480 = tpu.memref_squeeze %dma_wait3A_1479 : memref<1x128x128xf32, #tpu.memory_space<hbm>> -> memref<128x128xf32, #tpu.memory_space<hbm>>
    %dma_wait3A_1481 = arith.constant 0 : i32
    %dma_wait3A_1482 = arith.constant 0 : i32
    %dma_wait3A_1483 = tpu.memref_slice %arg5[%add3A_1369, %dma_wait3A_1481, %dma_wait3A_1482] : memref<768x128x128xf32, #tpu.memory_space<hbm>> -> memref<1x128x128xf32, #tpu.memory_space<hbm>>
    %dma_wait3A_1484 = tpu.memref_squeeze %dma_wait3A_1483 : memref<1x128x128xf32, #tpu.memory_space<hbm>> -> memref<128x128xf32, #tpu.memory_space<hbm>>
    %dma_wait3A_1485 = arith.constant 0 : i32
    %dma_wait3A_1486 = arith.constant 0 : i32
    %dma_wait3A_1487 = tpu.memref_slice %arg7[%dma_wait3A_1472, %dma_wait3A_1485, %dma_wait3A_1486] : memref<6x128x128xf32, #tpu.memory_space<vmem>> -> memref<1x128x128xf32, #tpu.memory_space<vmem>>
    %dma_wait3A_1488 = tpu.memref_squeeze %dma_wait3A_1487 : memref<1x128x128xf32, #tpu.memory_space<vmem>> -> memref<128x128xf32, #tpu.memory_space<vmem>>
    tpu.wait_dma2 semaphore(%arg9 : memref<!tpu.dma_semaphore, #tpu.memory_space<semaphore_mem>>) src(%dma_wait3A_1488 : memref<128x128xf32, #tpu.memory_space<vmem>>) dst(%dma_wait3A_1484 : memref<128x128xf32, #tpu.memory_space<hbm>>)
    return
  }
}

module attributes {stable_mosaic.version = 14 : i64} {
  func.func @_tp_body(%arg0: i32, %arg1: memref<32x65536xf32, #tpu.memory_space<vmem>>, %arg2: memref<16384x128xf32, #tpu.memory_space<vmem>>) attributes {dimension_semantics = [#tpu.dimension_semantics<arbitrary>], iteration_bounds = array<i64: 16>, scalar_prefetch = 0 : i64, scratch_operands = 0 : i64, tpu.core_type = #tpu.core_type<tc>, window_params = [{transform_indices = @transform_0, window_bounds = array<i64: 32, 65536>}, {transform_indices = @transform_1, window_bounds = array<i64: 16384, 128>}]} {
    %get3A = arith.constant 0 : index
    %get3A_0 = arith.constant 0 : index
    %get3A_1 = vector.load %arg1[%get3A, %get3A_0] : memref<32x65536xf32, #tpu.memory_space<vmem>>, vector<32x65536xf32>
    %slice3A = vector.extract_strided_slice %get3A_1 {offsets = [0, 0], sizes = [32, 16384], strides = [1, 1]} : vector<32x65536xf32> to vector<32x16384xf32>
    %slice3A_2 = vector.extract_strided_slice %get3A_1 {offsets = [0, 16384], sizes = [32, 16384], strides = [1, 1]} : vector<32x65536xf32> to vector<32x16384xf32>
    %slice3A_3 = vector.extract_strided_slice %get3A_1 {offsets = [0, 32768], sizes = [32, 16384], strides = [1, 1]} : vector<32x65536xf32> to vector<32x16384xf32>
    %slice3A_4 = vector.extract_strided_slice %get3A_1 {offsets = [0, 49152], sizes = [32, 16384], strides = [1, 1]} : vector<32x65536xf32> to vector<32x16384xf32>
    %concatenate3A = tpu.concatenate %slice3A, %slice3A_2, %slice3A_3, %slice3A_4 in 0 : vector<32x16384xf32>, vector<32x16384xf32>, vector<32x16384xf32>, vector<32x16384xf32> -> vector<128x16384xf32>
    %transpose3A = tpu.transpose %concatenate3A, [1, 0] : vector<128x16384xf32> -> vector<16384x128xf32>
    %swap3A = arith.constant 0 : index
    %swap3A_5 = arith.constant 0 : index
    %swap3A_6 = vector.load %arg2[%swap3A, %swap3A_5] : memref<16384x128xf32, #tpu.memory_space<vmem>>, vector<16384x128xf32>
    tpu.vector_store %arg2[%swap3A, %swap3A_5], %transpose3A {strides = array<i32>} : memref<16384x128xf32, #tpu.memory_space<vmem>>, vector<16384x128xf32>,
    return
  }
  func.func @transform_0(%arg0: i32) -> (i32, i32) {
    %c0_i32 = arith.constant 0 : i32
    %c0_i32_0 = arith.constant 0 : i32
    return %c0_i32, %arg0 : i32, i32
  }
  func.func @transform_1(%arg0: i32) -> (i32, i32) {
    %c0_i32 = arith.constant 0 : i32
    %c0_i32_0 = arith.constant 0 : i32
    return %arg0, %c0_i32 : i32, i32
  }
}

module attributes {stable_mosaic.version = 14 : i64} {
  func.func @_tp_body(%arg0: i32, %arg1: memref<32x65536xf32, #tpu.memory_space<vmem>>, %arg2: memref<16384x128xf32, #tpu.memory_space<vmem>>) attributes {dimension_semantics = [#tpu.dimension_semantics<arbitrary>], iteration_bounds = array<i64: 2>, scalar_prefetch = 0 : i64, scratch_operands = 0 : i64, tpu.core_type = #tpu.core_type<tc>, window_params = [{transform_indices = @transform_0, window_bounds = array<i64: 32, 65536>}, {transform_indices = @transform_1, window_bounds = array<i64: 16384, 128>}]} {
    %get3A = arith.constant 0 : index
    %get3A_0 = arith.constant 0 : index
    %get3A_1 = vector.load %arg1[%get3A, %get3A_0] : memref<32x65536xf32, #tpu.memory_space<vmem>>, vector<32x65536xf32>
    %slice3A = vector.extract_strided_slice %get3A_1 {offsets = [0, 0], sizes = [32, 16384], strides = [1, 1]} : vector<32x65536xf32> to vector<32x16384xf32>
    %slice3A_2 = vector.extract_strided_slice %get3A_1 {offsets = [0, 16384], sizes = [32, 16384], strides = [1, 1]} : vector<32x65536xf32> to vector<32x16384xf32>
    %slice3A_3 = vector.extract_strided_slice %get3A_1 {offsets = [0, 32768], sizes = [32, 16384], strides = [1, 1]} : vector<32x65536xf32> to vector<32x16384xf32>
    %slice3A_4 = vector.extract_strided_slice %get3A_1 {offsets = [0, 49152], sizes = [32, 16384], strides = [1, 1]} : vector<32x65536xf32> to vector<32x16384xf32>
    %concatenate3A = tpu.concatenate %slice3A, %slice3A_2, %slice3A_3, %slice3A_4 in 0 : vector<32x16384xf32>, vector<32x16384xf32>, vector<32x16384xf32>, vector<32x16384xf32> -> vector<128x16384xf32>
    %transpose3A = tpu.transpose %concatenate3A, [1, 0] : vector<128x16384xf32> -> vector<16384x128xf32>
    %swap3A = arith.constant 0 : index
    %swap3A_5 = arith.constant 0 : index
    %swap3A_6 = vector.load %arg2[%swap3A, %swap3A_5] : memref<16384x128xf32, #tpu.memory_space<vmem>>, vector<16384x128xf32>
    tpu.vector_store %arg2[%swap3A, %swap3A_5], %transpose3A {strides = array<i32>} : memref<16384x128xf32, #tpu.memory_space<vmem>>, vector<16384x128xf32>,
    return
  }
  func.func @transform_0(%arg0: i32) -> (i32, i32) {
    %c0_i32 = arith.constant 0 : i32
    %c0_i32_0 = arith.constant 0 : i32
    return %c0_i32, %arg0 : i32, i32
  }
  func.func @transform_1(%arg0: i32) -> (i32, i32) {
    %c0_i32 = arith.constant 0 : i32
    %c0_i32_0 = arith.constant 0 : i32
    return %arg0, %c0_i32 : i32, i32
  }
}

module attributes {stable_mosaic.version = 14 : i64} {
  func.func @_tc_body(%arg0: i32, %arg1: memref<1x6x512x128xf32, #tpu.memory_space<vmem>>, %arg2: memref<1x6x512xi32, #tpu.memory_space<vmem>>, %arg3: memref<256x256xbf16, #tpu.memory_space<vmem>>, %arg4: memref<1x256xf32, #tpu.memory_space<vmem>>, %arg5: memref<256x8xbf16, #tpu.memory_space<vmem>>, %arg6: memref<256x8xbf16, #tpu.memory_space<vmem>>, %arg7: memref<1x1x512xf32, #tpu.memory_space<vmem>>) attributes {dimension_semantics = [#tpu.dimension_semantics<arbitrary>], iteration_bounds = array<i64: 32>, scalar_prefetch = 0 : i64, scratch_operands = 0 : i64, tpu.core_type = #tpu.core_type<tc>, window_params = [{transform_indices = @transform_0, window_bounds = array<i64: 1, 6, 512, 128>}, {transform_indices = @transform_1, window_bounds = array<i64: 1, 6, 512>}, {pipeline_mode = #tpu.pipeline_mode<synchronous>, transform_indices = @transform_2, window_bounds = array<i64: 256, 256>}, {pipeline_mode = #tpu.pipeline_mode<synchronous>, transform_indices = @transform_3, window_bounds = array<i64: 1, 256>}, {pipeline_mode = #tpu.pipeline_mode<synchronous>, transform_indices = @transform_4, window_bounds = array<i64: 256, 8>}, {pipeline_mode = #tpu.pipeline_mode<synchronous>, transform_indices = @transform_5, window_bounds = array<i64: 256, 8>}, {transform_indices = @transform_6, window_bounds = array<i64: 1, 1, 512>}]} {
    %get3A = arith.constant 0 : index
    %get3A_0 = arith.constant 0 : index
    %get3A_1 = arith.constant 0 : index
    %get3A_2 = arith.constant 0 : index
    %get3A_3 = vector.load %arg1[%get3A, %get3A_0, %get3A_1, %get3A_2] : memref<1x6x512x128xf32, #tpu.memory_space<vmem>>, vector<1x6x512x128xf32>
    %get3A_4 = vector.shape_cast %get3A_3 : vector<1x6x512x128xf32> to vector<6x512x128xf32>
    %get3A_5 = arith.constant 0 : index
    %get3A_6 = arith.constant 0 : index
    %get3A_7 = arith.constant 0 : index
    %get3A_8 = vector.load %arg2[%get3A_5, %get3A_6, %get3A_7] : memref<1x6x512xi32, #tpu.memory_space<vmem>>, vector<1x6x512xi32>
    %get3A_9 = vector.shape_cast %get3A_8 : vector<1x6x512xi32> to vector<6x512xi32>
    %iota3A = tpu.iota {dimensions = array<i32: 1>} : vector<512x128xi32>
    %jit3A = arith.constant 32 : i32
    %div3A = vector.broadcast %jit3A : i32 to vector<512x128xi32>
    %div3A_10 = arith.divsi %iota3A, %div3A : vector<512x128xi32>
    %sign3A = arith.constant 0 : i32
    %sign3A_11 = vector.broadcast %sign3A : i32 to vector<512x128xi32>
    %sign3A_12 = arith.cmpi sgt, %iota3A, %sign3A_11 : vector<512x128xi32>
    %sign3A_13 = arith.extui %sign3A_12 : vector<512x128xi1> to vector<512x128xi32>
    %sign3A_14 = arith.constant 0 : i32
    %sign3A_15 = vector.broadcast %sign3A_14 : i32 to vector<512x128xi32>
    %sign3A_16 = arith.cmpi slt, %iota3A, %sign3A_15 : vector<512x128xi32>
    %sign3A_17 = arith.extui %sign3A_16 : vector<512x128xi1> to vector<512x128xi32>
    %sign3A_18 = arith.subi %sign3A_13, %sign3A_17 : vector<512x128xi32>
    %sign3A_19 = arith.constant 0 : i32
    %sign3A_20 = arith.cmpi sgt, %jit3A, %sign3A_19 : i32
    %sign3A_21 = arith.extui %sign3A_20 : i1 to i32
    %sign3A_22 = arith.constant 0 : i32
    %sign3A_23 = arith.cmpi slt, %jit3A, %sign3A_22 : i32
    %sign3A_24 = arith.extui %sign3A_23 : i1 to i32
    %sign3A_25 = arith.subi %sign3A_21, %sign3A_24 : i32
    %ne3A = vector.broadcast %sign3A_25 : i32 to vector<512x128xi32>
    %ne3A_26 = arith.cmpi ne, %sign3A_18, %ne3A : vector<512x128xi32>
    %rem3A = vector.broadcast %jit3A : i32 to vector<512x128xi32>
    %rem3A_27 = arith.remsi %iota3A, %rem3A : vector<512x128xi32>
    %ne3A_28 = arith.constant 0 : i32
    %ne3A_29 = vector.broadcast %ne3A_28 : i32 to vector<512x128xi32>
    %ne3A_30 = arith.cmpi ne, %rem3A_27, %ne3A_29 : vector<512x128xi32>
    %and3A = arith.andi %ne3A_26, %ne3A_30 : vector<512x128xi1>
    %sub3A = arith.constant 1 : i32
    %sub3A_31 = vector.broadcast %sub3A : i32 to vector<512x128xi32>
    %sub3A_32 = arith.subi %div3A_10, %sub3A_31 : vector<512x128xi32>
    %select_n3A = arith.select %and3A, %sub3A_32, %div3A_10 : vector<512x128xi1>, vector<512x128xi32>
    %slice3A = vector.extract_strided_slice %get3A_9 {offsets = [0, 0], sizes = [1, 512], strides = [1, 1]} : vector<6x512xi32> to vector<1x512xi32>
    %squeeze3A = vector.shape_cast %slice3A : vector<1x512xi32> to vector<512xi32>
    %broadcast_in_dim3A = vector.shape_cast %squeeze3A : vector<512xi32> to vector<512x1xi32>
    %eq3A = vector.broadcast %broadcast_in_dim3A : vector<512x1xi32> to vector<512x128xi32>
    %eq3A_33 = arith.cmpi eq, %select_n3A, %eq3A : vector<512x128xi32>
    %slice3A_34 = vector.extract_strided_slice %get3A_4 {offsets = [0, 0, 0], sizes = [1, 512, 128], strides = [1, 1, 1]} : vector<6x512x128xf32> to vector<1x512x128xf32>
    %squeeze3A_35 = vector.shape_cast %slice3A_34 : vector<1x512x128xf32> to vector<512x128xf32>
    %jit3A_36 = arith.constant 0.000000e+00 : f32
    %broadcast_in_dim3A_37 = vector.broadcast %jit3A_36 : f32 to vector<512x128xf32>
    %select_n3A_38 = arith.select %eq3A_33, %squeeze3A_35, %broadcast_in_dim3A_37 : vector<512x128xi1>, vector<512x128xf32>
    %slice3A_39 = vector.extract_strided_slice %select_n3A_38 {offsets = [0, 0], sizes = [512, 32], strides = [1, 1]} : vector<512x128xf32> to vector<512x32xf32>
    %slice3A_40 = vector.extract_strided_slice %select_n3A_38 {offsets = [0, 32], sizes = [512, 32], strides = [1, 1]} : vector<512x128xf32> to vector<512x32xf32>
    %add3A = arith.addf %slice3A_39, %slice3A_40 : vector<512x32xf32>
    %slice3A_41 = vector.extract_strided_slice %select_n3A_38 {offsets = [0, 64], sizes = [512, 32], strides = [1, 1]} : vector<512x128xf32> to vector<512x32xf32>
    %slice3A_42 = vector.extract_strided_slice %select_n3A_38 {offsets = [0, 96], sizes = [512, 32], strides = [1, 1]} : vector<512x128xf32> to vector<512x32xf32>
    %add3A_43 = arith.addf %slice3A_41, %slice3A_42 : vector<512x32xf32>
    %add3A_44 = arith.addf %add3A, %add3A_43 : vector<512x32xf32>
    %slice3A_45 = vector.extract_strided_slice %get3A_9 {offsets = [1, 0], sizes = [1, 512], strides = [1, 1]} : vector<6x512xi32> to vector<1x512xi32>
    %squeeze3A_46 = vector.shape_cast %slice3A_45 : vector<1x512xi32> to vector<512xi32>
    %broadcast_in_dim3A_47 = vector.shape_cast %squeeze3A_46 : vector<512xi32> to vector<512x1xi32>
    %eq3A_48 = vector.broadcast %broadcast_in_dim3A_47 : vector<512x1xi32> to vector<512x128xi32>
    %eq3A_49 = arith.cmpi eq, %select_n3A, %eq3A_48 : vector<512x128xi32>
    %slice3A_50 = vector.extract_strided_slice %get3A_4 {offsets = [1, 0, 0], sizes = [1, 512, 128], strides = [1, 1, 1]} : vector<6x512x128xf32> to vector<1x512x128xf32>
    %squeeze3A_51 = vector.shape_cast %slice3A_50 : vector<1x512x128xf32> to vector<512x128xf32>
    %jit3A_52 = arith.constant 0.000000e+00 : f32
    %broadcast_in_dim3A_53 = vector.broadcast %jit3A_52 : f32 to vector<512x128xf32>
    %select_n3A_54 = arith.select %eq3A_49, %squeeze3A_51, %broadcast_in_dim3A_53 : vector<512x128xi1>, vector<512x128xf32>
    %slice3A_55 = vector.extract_strided_slice %select_n3A_54 {offsets = [0, 0], sizes = [512, 32], strides = [1, 1]} : vector<512x128xf32> to vector<512x32xf32>
    %slice3A_56 = vector.extract_strided_slice %select_n3A_54 {offsets = [0, 32], sizes = [512, 32], strides = [1, 1]} : vector<512x128xf32> to vector<512x32xf32>
    %add3A_57 = arith.addf %slice3A_55, %slice3A_56 : vector<512x32xf32>
    %slice3A_58 = vector.extract_strided_slice %select_n3A_54 {offsets = [0, 64], sizes = [512, 32], strides = [1, 1]} : vector<512x128xf32> to vector<512x32xf32>
    %slice3A_59 = vector.extract_strided_slice %select_n3A_54 {offsets = [0, 96], sizes = [512, 32], strides = [1, 1]} : vector<512x128xf32> to vector<512x32xf32>
    %add3A_60 = arith.addf %slice3A_58, %slice3A_59 : vector<512x32xf32>
    %add3A_61 = arith.addf %add3A_57, %add3A_60 : vector<512x32xf32>
    %slice3A_62 = vector.extract_strided_slice %get3A_9 {offsets = [2, 0], sizes = [1, 512], strides = [1, 1]} : vector<6x512xi32> to vector<1x512xi32>
    %squeeze3A_63 = vector.shape_cast %slice3A_62 : vector<1x512xi32> to vector<512xi32>
    %broadcast_in_dim3A_64 = vector.shape_cast %squeeze3A_63 : vector<512xi32> to vector<512x1xi32>
    %eq3A_65 = vector.broadcast %broadcast_in_dim3A_64 : vector<512x1xi32> to vector<512x128xi32>
    %eq3A_66 = arith.cmpi eq, %select_n3A, %eq3A_65 : vector<512x128xi32>
    %slice3A_67 = vector.extract_strided_slice %get3A_4 {offsets = [2, 0, 0], sizes = [1, 512, 128], strides = [1, 1, 1]} : vector<6x512x128xf32> to vector<1x512x128xf32>
    %squeeze3A_68 = vector.shape_cast %slice3A_67 : vector<1x512x128xf32> to vector<512x128xf32>
    %jit3A_69 = arith.constant 0.000000e+00 : f32
    %broadcast_in_dim3A_70 = vector.broadcast %jit3A_69 : f32 to vector<512x128xf32>
    %select_n3A_71 = arith.select %eq3A_66, %squeeze3A_68, %broadcast_in_dim3A_70 : vector<512x128xi1>, vector<512x128xf32>
    %slice3A_72 = vector.extract_strided_slice %select_n3A_71 {offsets = [0, 0], sizes = [512, 32], strides = [1, 1]} : vector<512x128xf32> to vector<512x32xf32>
    %slice3A_73 = vector.extract_strided_slice %select_n3A_71 {offsets = [0, 32], sizes = [512, 32], strides = [1, 1]} : vector<512x128xf32> to vector<512x32xf32>
    %add3A_74 = arith.addf %slice3A_72, %slice3A_73 : vector<512x32xf32>
    %slice3A_75 = vector.extract_strided_slice %select_n3A_71 {offsets = [0, 64], sizes = [512, 32], strides = [1, 1]} : vector<512x128xf32> to vector<512x32xf32>
    %slice3A_76 = vector.extract_strided_slice %select_n3A_71 {offsets = [0, 96], sizes = [512, 32], strides = [1, 1]} : vector<512x128xf32> to vector<512x32xf32>
    %add3A_77 = arith.addf %slice3A_75, %slice3A_76 : vector<512x32xf32>
    %add3A_78 = arith.addf %add3A_74, %add3A_77 : vector<512x32xf32>
    %slice3A_79 = vector.extract_strided_slice %get3A_9 {offsets = [3, 0], sizes = [1, 512], strides = [1, 1]} : vector<6x512xi32> to vector<1x512xi32>
    %squeeze3A_80 = vector.shape_cast %slice3A_79 : vector<1x512xi32> to vector<512xi32>
    %broadcast_in_dim3A_81 = vector.shape_cast %squeeze3A_80 : vector<512xi32> to vector<512x1xi32>
    %eq3A_82 = vector.broadcast %broadcast_in_dim3A_81 : vector<512x1xi32> to vector<512x128xi32>
    %eq3A_83 = arith.cmpi eq, %select_n3A, %eq3A_82 : vector<512x128xi32>
    %slice3A_84 = vector.extract_strided_slice %get3A_4 {offsets = [3, 0, 0], sizes = [1, 512, 128], strides = [1, 1, 1]} : vector<6x512x128xf32> to vector<1x512x128xf32>
    %squeeze3A_85 = vector.shape_cast %slice3A_84 : vector<1x512x128xf32> to vector<512x128xf32>
    %jit3A_86 = arith.constant 0.000000e+00 : f32
    %broadcast_in_dim3A_87 = vector.broadcast %jit3A_86 : f32 to vector<512x128xf32>
    %select_n3A_88 = arith.select %eq3A_83, %squeeze3A_85, %broadcast_in_dim3A_87 : vector<512x128xi1>, vector<512x128xf32>
    %slice3A_89 = vector.extract_strided_slice %select_n3A_88 {offsets = [0, 0], sizes = [512, 32], strides = [1, 1]} : vector<512x128xf32> to vector<512x32xf32>
    %slice3A_90 = vector.extract_strided_slice %select_n3A_88 {offsets = [0, 32], sizes = [512, 32], strides = [1, 1]} : vector<512x128xf32> to vector<512x32xf32>
    %add3A_91 = arith.addf %slice3A_89, %slice3A_90 : vector<512x32xf32>
    %slice3A_92 = vector.extract_strided_slice %select_n3A_88 {offsets = [0, 64], sizes = [512, 32], strides = [1, 1]} : vector<512x128xf32> to vector<512x32xf32>
    %slice3A_93 = vector.extract_strided_slice %select_n3A_88 {offsets = [0, 96], sizes = [512, 32], strides = [1, 1]} : vector<512x128xf32> to vector<512x32xf32>
    %add3A_94 = arith.addf %slice3A_92, %slice3A_93 : vector<512x32xf32>
    %add3A_95 = arith.addf %add3A_91, %add3A_94 : vector<512x32xf32>
    %slice3A_96 = vector.extract_strided_slice %get3A_9 {offsets = [4, 0], sizes = [1, 512], strides = [1, 1]} : vector<6x512xi32> to vector<1x512xi32>
    %squeeze3A_97 = vector.shape_cast %slice3A_96 : vector<1x512xi32> to vector<512xi32>
    %broadcast_in_dim3A_98 = vector.shape_cast %squeeze3A_97 : vector<512xi32> to vector<512x1xi32>
    %eq3A_99 = vector.broadcast %broadcast_in_dim3A_98 : vector<512x1xi32> to vector<512x128xi32>
    %eq3A_100 = arith.cmpi eq, %select_n3A, %eq3A_99 : vector<512x128xi32>
    %slice3A_101 = vector.extract_strided_slice %get3A_4 {offsets = [4, 0, 0], sizes = [1, 512, 128], strides = [1, 1, 1]} : vector<6x512x128xf32> to vector<1x512x128xf32>
    %squeeze3A_102 = vector.shape_cast %slice3A_101 : vector<1x512x128xf32> to vector<512x128xf32>
    %jit3A_103 = arith.constant 0.000000e+00 : f32
    %broadcast_in_dim3A_104 = vector.broadcast %jit3A_103 : f32 to vector<512x128xf32>
    %select_n3A_105 = arith.select %eq3A_100, %squeeze3A_102, %broadcast_in_dim3A_104 : vector<512x128xi1>, vector<512x128xf32>
    %slice3A_106 = vector.extract_strided_slice %select_n3A_105 {offsets = [0, 0], sizes = [512, 32], strides = [1, 1]} : vector<512x128xf32> to vector<512x32xf32>
    %slice3A_107 = vector.extract_strided_slice %select_n3A_105 {offsets = [0, 32], sizes = [512, 32], strides = [1, 1]} : vector<512x128xf32> to vector<512x32xf32>
    %add3A_108 = arith.addf %slice3A_106, %slice3A_107 : vector<512x32xf32>
    %slice3A_109 = vector.extract_strided_slice %select_n3A_105 {offsets = [0, 64], sizes = [512, 32], strides = [1, 1]} : vector<512x128xf32> to vector<512x32xf32>
    %slice3A_110 = vector.extract_strided_slice %select_n3A_105 {offsets = [0, 96], sizes = [512, 32], strides = [1, 1]} : vector<512x128xf32> to vector<512x32xf32>
    %add3A_111 = arith.addf %slice3A_109, %slice3A_110 : vector<512x32xf32>
    %add3A_112 = arith.addf %add3A_108, %add3A_111 : vector<512x32xf32>
    %slice3A_113 = vector.extract_strided_slice %get3A_9 {offsets = [5, 0], sizes = [1, 512], strides = [1, 1]} : vector<6x512xi32> to vector<1x512xi32>
    %squeeze3A_114 = vector.shape_cast %slice3A_113 : vector<1x512xi32> to vector<512xi32>
    %broadcast_in_dim3A_115 = vector.shape_cast %squeeze3A_114 : vector<512xi32> to vector<512x1xi32>
    %eq3A_116 = vector.broadcast %broadcast_in_dim3A_115 : vector<512x1xi32> to vector<512x128xi32>
    %eq3A_117 = arith.cmpi eq, %select_n3A, %eq3A_116 : vector<512x128xi32>
    %slice3A_118 = vector.extract_strided_slice %get3A_4 {offsets = [5, 0, 0], sizes = [1, 512, 128], strides = [1, 1, 1]} : vector<6x512x128xf32> to vector<1x512x128xf32>
    %squeeze3A_119 = vector.shape_cast %slice3A_118 : vector<1x512x128xf32> to vector<512x128xf32>
    %jit3A_120 = arith.constant 0.000000e+00 : f32
    %broadcast_in_dim3A_121 = vector.broadcast %jit3A_120 : f32 to vector<512x128xf32>
    %select_n3A_122 = arith.select %eq3A_117, %squeeze3A_119, %broadcast_in_dim3A_121 : vector<512x128xi1>, vector<512x128xf32>
    %slice3A_123 = vector.extract_strided_slice %select_n3A_122 {offsets = [0, 0], sizes = [512, 32], strides = [1, 1]} : vector<512x128xf32> to vector<512x32xf32>
    %slice3A_124 = vector.extract_strided_slice %select_n3A_122 {offsets = [0, 32], sizes = [512, 32], strides = [1, 1]} : vector<512x128xf32> to vector<512x32xf32>
    %add3A_125 = arith.addf %slice3A_123, %slice3A_124 : vector<512x32xf32>
    %slice3A_126 = vector.extract_strided_slice %select_n3A_122 {offsets = [0, 64], sizes = [512, 32], strides = [1, 1]} : vector<512x128xf32> to vector<512x32xf32>
    %slice3A_127 = vector.extract_strided_slice %select_n3A_122 {offsets = [0, 96], sizes = [512, 32], strides = [1, 1]} : vector<512x128xf32> to vector<512x32xf32>
    %add3A_128 = arith.addf %slice3A_126, %slice3A_127 : vector<512x32xf32>
    %add3A_129 = arith.addf %add3A_125, %add3A_128 : vector<512x32xf32>
    %mul3A = arith.mulf %add3A_44, %add3A_129 : vector<512x32xf32>
    %mul3A_130 = arith.mulf %add3A_44, %add3A_61 : vector<512x32xf32>
    %mul3A_131 = arith.mulf %add3A_44, %add3A_78 : vector<512x32xf32>
    %mul3A_132 = arith.mulf %add3A_44, %add3A_95 : vector<512x32xf32>
    %mul3A_133 = arith.mulf %add3A_44, %add3A_112 : vector<512x32xf32>
    %mul3A_134 = arith.mulf %add3A_129, %add3A_61 : vector<512x32xf32>
    %mul3A_135 = arith.mulf %add3A_129, %add3A_78 : vector<512x32xf32>
    %mul3A_136 = arith.mulf %add3A_129, %add3A_95 : vector<512x32xf32>
    %mul3A_137 = arith.mulf %add3A_129, %add3A_112 : vector<512x32xf32>
    %mul3A_138 = arith.mulf %add3A_61, %add3A_78 : vector<512x32xf32>
    %mul3A_139 = arith.mulf %add3A_61, %add3A_95 : vector<512x32xf32>
    %mul3A_140 = arith.mulf %add3A_61, %add3A_112 : vector<512x32xf32>
    %mul3A_141 = arith.mulf %add3A_78, %add3A_95 : vector<512x32xf32>
    %mul3A_142 = arith.mulf %add3A_78, %add3A_112 : vector<512x32xf32>
    %mul3A_143 = arith.mulf %add3A_95, %add3A_112 : vector<512x32xf32>
    %concatenate3A = tpu.concatenate %mul3A, %mul3A_130, %mul3A_131, %mul3A_132, %mul3A_133, %mul3A_134, %mul3A_135, %mul3A_136 in 1 : vector<512x32xf32>, vector<512x32xf32>, vector<512x32xf32>, vector<512x32xf32>, vector<512x32xf32>, vector<512x32xf32>, vector<512x32xf32>, vector<512x32xf32> -> vector<512x256xf32>
    %convert_element_type3A = arith.truncf %concatenate3A : vector<512x256xf32> to vector<512x256xbf16>
    %broadcast_in_dim3A_144 = arith.constant 0.000000e+00 : f32
    %broadcast_in_dim3A_145 = vector.broadcast %broadcast_in_dim3A_144 : f32 to vector<512x32xf32>
    %concatenate3A_146 = tpu.concatenate %mul3A_137, %mul3A_138, %mul3A_139, %mul3A_140, %mul3A_141, %mul3A_142, %mul3A_143, %broadcast_in_dim3A_145 in 1 : vector<512x32xf32>, vector<512x32xf32>, vector<512x32xf32>, vector<512x32xf32>, vector<512x32xf32>, vector<512x32xf32>, vector<512x32xf32>, vector<512x32xf32> -> vector<512x256xf32>
    %convert_element_type3A_147 = arith.truncf %concatenate3A_146 : vector<512x256xf32> to vector<512x256xbf16>
    %get3A_148 = arith.constant 0 : index
    %get3A_149 = arith.constant 0 : index
    %get3A_150 = vector.load %arg3[%get3A_148, %get3A_149] : memref<256x256xbf16, #tpu.memory_space<vmem>>, vector<256x256xbf16>
    %get3A_151 = arith.constant 0 : index
    %get3A_152 = arith.constant 0 : index
    %get3A_153 = vector.load %arg4[%get3A_151, %get3A_152] : memref<1x256xf32, #tpu.memory_space<vmem>>, vector<1x256xf32>
    %dot_general3A = arith.constant dense<0.000000e+00> : vector<512x256xf32>
    %dot_general3A_154 = tpu.matmul %convert_element_type3A, %get3A_150, %dot_general3A {dimension_numbers = #tpu.dot_dimension_numbers<[1], [0], [0], [1], [0, 0, 1, 1], [], []>, transpose_lhs_hint = false} : vector<512x256xbf16>, vector<256x256xbf16>, vector<512x256xf32> -> vector<512x256xf32>
    %add3A_155 = vector.broadcast %get3A_153 : vector<1x256xf32> to vector<512x256xf32>
    %add3A_156 = arith.addf %dot_general3A_154, %add3A_155 : vector<512x256xf32>
    %max3A = arith.constant 0.000000e+00 : f32
    %max3A_157 = vector.broadcast %max3A : f32 to vector<512x256xf32>
    %max3A_158 = arith.maximumf %add3A_156, %max3A_157 : vector<512x256xf32>
    %dot_general3A_159 = arith.constant dense<0.000000e+00> : vector<512x256xf32>
    %dot_general3A_160 = tpu.matmul %convert_element_type3A_147, %get3A_150, %dot_general3A_159 {dimension_numbers = #tpu.dot_dimension_numbers<[1], [0], [0], [1], [0, 0, 1, 1], [], []>, transpose_lhs_hint = false} : vector<512x256xbf16>, vector<256x256xbf16>, vector<512x256xf32> -> vector<512x256xf32>
    %add3A_161 = vector.broadcast %get3A_153 : vector<1x256xf32> to vector<512x256xf32>
    %add3A_162 = arith.addf %dot_general3A_160, %add3A_161 : vector<512x256xf32>
    %max3A_163 = arith.constant 0.000000e+00 : f32
    %max3A_164 = vector.broadcast %max3A_163 : f32 to vector<512x256xf32>
    %max3A_165 = arith.maximumf %add3A_162, %max3A_164 : vector<512x256xf32>
    %get3A_166 = arith.constant 0 : index
    %get3A_167 = arith.constant 0 : index
    %get3A_168 = vector.load %arg5[%get3A_166, %get3A_167] : memref<256x8xbf16, #tpu.memory_space<vmem>>, vector<256x8xbf16>
    %get3A_169 = arith.constant 0 : index
    %get3A_170 = arith.constant 0 : index
    %get3A_171 = vector.load %arg6[%get3A_169, %get3A_170] : memref<256x8xbf16, #tpu.memory_space<vmem>>, vector<256x8xbf16>
    %convert_element_type3A_172 = arith.truncf %max3A_158 : vector<512x256xf32> to vector<512x256xbf16>
    %dot_general3A_173 = arith.constant dense<0.000000e+00> : vector<512x8xf32>
    %dot_general3A_174 = tpu.matmul %convert_element_type3A_172, %get3A_168, %dot_general3A_173 {dimension_numbers = #tpu.dot_dimension_numbers<[1], [0], [0], [1], [0, 0, 1, 1], [], []>, transpose_lhs_hint = false} : vector<512x256xbf16>, vector<256x8xbf16>, vector<512x8xf32> -> vector<512x8xf32>
    %convert_element_type3A_175 = arith.truncf %max3A_165 : vector<512x256xf32> to vector<512x256xbf16>
    %dot_general3A_176 = arith.constant dense<0.000000e+00> : vector<512x8xf32>
    %dot_general3A_177 = tpu.matmul %convert_element_type3A_175, %get3A_168, %dot_general3A_176 {dimension_numbers = #tpu.dot_dimension_numbers<[1], [0], [0], [1], [0, 0, 1, 1], [], []>, transpose_lhs_hint = false} : vector<512x256xbf16>, vector<256x8xbf16>, vector<512x8xf32> -> vector<512x8xf32>
    %dot_general3A_178 = arith.constant dense<0.000000e+00> : vector<512x8xf32>
    %dot_general3A_179 = tpu.matmul %convert_element_type3A, %get3A_171, %dot_general3A_178 {dimension_numbers = #tpu.dot_dimension_numbers<[1], [0], [0], [1], [0, 0, 1, 1], [], []>, transpose_lhs_hint = false} : vector<512x256xbf16>, vector<256x8xbf16>, vector<512x8xf32> -> vector<512x8xf32>
    %dot_general3A_180 = arith.constant dense<0.000000e+00> : vector<512x8xf32>
    %dot_general3A_181 = tpu.matmul %convert_element_type3A_147, %get3A_171, %dot_general3A_180 {dimension_numbers = #tpu.dot_dimension_numbers<[1], [0], [0], [1], [0, 0, 1, 1], [], []>, transpose_lhs_hint = false} : vector<512x256xbf16>, vector<256x8xbf16>, vector<512x8xf32> -> vector<512x8xf32>
    %concatenate3A_182 = tpu.concatenate %dot_general3A_174, %dot_general3A_177 in 1 : vector<512x8xf32>, vector<512x8xf32> -> vector<512x16xf32>
    %concatenate3A_183 = tpu.concatenate %dot_general3A_179, %dot_general3A_181 in 1 : vector<512x8xf32>, vector<512x8xf32> -> vector<512x16xf32>
    %iota3A_184 = tpu.iota {dimensions = array<i32: 1>} : vector<512x16xi32>
    %ge3A = arith.constant 15 : i32
    %ge3A_185 = vector.broadcast %ge3A : i32 to vector<512x16xi32>
    %ge3A_186 = arith.cmpi sge, %iota3A_184, %ge3A_185 : vector<512x16xi32>
    %jit3A_187 = arith.constant -1.000000e+30 : f32
    %broadcast_in_dim3A_188 = vector.broadcast %jit3A_187 : f32 to vector<512x16xf32>
    %select_n3A_189 = arith.select %ge3A_186, %broadcast_in_dim3A_188, %concatenate3A_182 : vector<512x16xi1>, vector<512x16xf32>
    %reduce_max3A = arith.constant dense<0xFF800000> : vector<512xf32>
    %reduce_max3A_190 = vector.multi_reduction <maximumf>, %select_n3A_189, %reduce_max3A [1] : vector<512x16xf32> to vector<512xf32>
    %broadcast_in_dim3A_191 = vector.shape_cast %reduce_max3A_190 : vector<512xf32> to vector<512x1xf32>
    %sub3A_192 = vector.broadcast %broadcast_in_dim3A_191 : vector<512x1xf32> to vector<512x16xf32>
    %sub3A_193 = arith.subf %select_n3A_189, %sub3A_192 : vector<512x16xf32>
    %exp3A = math.exp %sub3A_193 : vector<512x16xf32>
    %mul3A_194 = arith.mulf %exp3A, %concatenate3A_183 : vector<512x16xf32>
    %reduce_sum3A = arith.constant dense<0.000000e+00> : vector<512xf32>
    %reduce_sum3A_195 = vector.multi_reduction <add>, %mul3A_194, %reduce_sum3A [1] : vector<512x16xf32> to vector<512xf32>
    %reduce_sum3A_196 = arith.constant dense<0.000000e+00> : vector<512xf32>
    %reduce_sum3A_197 = vector.multi_reduction <add>, %exp3A, %reduce_sum3A_196 [1] : vector<512x16xf32> to vector<512xf32>
    %div3A_198 = arith.divf %reduce_sum3A_195, %reduce_sum3A_197 : vector<512xf32>
    %broadcast_in_dim3A_199 = vector.shape_cast %div3A_198 : vector<512xf32> to vector<1x1x512xf32>
    %swap3A = arith.constant 0 : index
    %swap3A_200 = arith.constant 0 : index
    %swap3A_201 = arith.constant 0 : index
    %swap3A_202 = vector.load %arg7[%swap3A, %swap3A_200, %swap3A_201] : memref<1x1x512xf32, #tpu.memory_space<vmem>>, vector<1x1x512xf32>
    tpu.vector_store %arg7[%swap3A, %swap3A_200, %swap3A_201], %broadcast_in_dim3A_199 {strides = array<i32>} : memref<1x1x512xf32, #tpu.memory_space<vmem>>, vector<1x1x512xf32>,
    return
  }
  func.func @transform_0(%arg0: i32) -> (i32, i32, i32, i32) {
    %c0_i32 = arith.constant 0 : i32
    %c0_i32_0 = arith.constant 0 : i32
    %c0_i32_1 = arith.constant 0 : i32
    %c0_i32_2 = arith.constant 0 : i32
    return %arg0, %c0_i32, %c0_i32_0, %c0_i32_1 : i32, i32, i32, i32
  }
  func.func @transform_1(%arg0: i32) -> (i32, i32, i32) {
    %c0_i32 = arith.constant 0 : i32
    %c0_i32_0 = arith.constant 0 : i32
    %c0_i32_1 = arith.constant 0 : i32
    return %arg0, %c0_i32, %c0_i32_0 : i32, i32, i32
  }
  func.func @transform_2(%arg0: i32) -> (i32, i32) {
    %c0_i32 = arith.constant 0 : i32
    %c0_i32_0 = arith.constant 0 : i32
    %c0_i32_1 = arith.constant 0 : i32
    return %c0_i32, %c0_i32_0 : i32, i32
  }
  func.func @transform_3(%arg0: i32) -> (i32, i32) {
    %c0_i32 = arith.constant 0 : i32
    %c0_i32_0 = arith.constant 0 : i32
    %c0_i32_1 = arith.constant 0 : i32
    return %c0_i32, %c0_i32_0 : i32, i32
  }
  func.func @transform_4(%arg0: i32) -> (i32, i32) {
    %c0_i32 = arith.constant 0 : i32
    %c0_i32_0 = arith.constant 0 : i32
    %c0_i32_1 = arith.constant 0 : i32
    return %c0_i32, %c0_i32_0 : i32, i32
  }
  func.func @transform_5(%arg0: i32) -> (i32, i32) {
    %c0_i32 = arith.constant 0 : i32
    %c0_i32_0 = arith.constant 0 : i32
    %c0_i32_1 = arith.constant 0 : i32
    return %c0_i32, %c0_i32_0 : i32, i32
  }
  func.func @transform_6(%arg0: i32) -> (i32, i32, i32) {
    %c0_i32 = arith.constant 0 : i32
    %c0_i32_0 = arith.constant 0 : i32
    %c0_i32_1 = arith.constant 0 : i32
    return %arg0, %c0_i32, %c0_i32_0 : i32, i32, i32
  }
}

</mosaic_0001>

<sc_bundles>
// kernel: kernel.6.cloned.1.call-start
scs
__scs_entry_jumppad:
0x0: {  	(pc) =	sbr.rel $0x88, $3  }
0x1: {  	(tag) =	ssettag $0x0;
	lr =	simm.s32 $0x1  }
0x2: {  	[smem:$0x3F98] =	sst lr;
	_ =	strace $0xD0000000  }
0x3: {  	_ = 	snop  }
0x4: {  	_ = 	snop  }
0x5: {  	_ = 	snop  }
0x6: {  	_ = 	snop  }
0x7: {  	_ = 	snop  }
__scs_overlays_trampoline_lowered:
0x8: {  	[smem:$0x3FA7] =	sst s0  }
0x9: {  	[smem:$0x3FA8] =	sst s1  }
0xa: {  	[smem:$0x3FA9] =	sst s2  }
0xb: {  	[smem:$0x3FAA] =	sst s3  }
0xc: {  	[smem:$0x3FAB] =	sst s4  }
0xd: {  	[smem:$0x3FAC] =	sst s5  }
0xe: {  	[smem:$0x3FAD] =	sst s6  }
0xf: {  	[smem:$0x3FAE] =	sst s7  }
0x10: {  	[smem:$0x3FAF] =	sst s8  }
0x11: {  	[smem:$0x3FB0] =	sst s9;
	s0 =	simm.s32 @!p0 $0x0  }
0x12: {  	s1 =	sld [smem:$0x3F96];
	s0 =	simm.s32 @p0 $0x1  }
0x13: {  	[smem:$0x3FB1] =	sst s0;
	s0 =	simm.s32 @!p1 $0x0  }
0x14: {  	s2 =	sld [smem:$0x3F95];
	s0 =	simm.s32 @p1 $0x1  }
0x15: {  	[smem:$0x3FB2] =	sst s0;
	s0 =	simm.s32 @!p2 $0x0  }
0x16: {  	s3 =	sld [smem:$0x3FDB];
	s0 =	simm.s32 @p2 $0x1  }
0x17: {  	s4 =	simm.s32 $0x1BF5;
	[smem:$0x3FB4] =	sst s0  }
0x18: {  	s0 =	sld [smem:$0x3F97];
	_ =	swait.ge [sflag:s4], $0x0  }
0x19: {  	s7 =	sld [smem:$0x3F98]  }
0x1a: {  	s8 =	sadd.s32 $0xFFFFE003, lr  }
0x1b: {  	s9 =	sadd.s32 $0xFFFFFEF7, lr;
	s5 =	simm.s32 $0xFFFFFFFF;
	p2 =	slt.u32 s8, $0xFFFFF086  }
0x1c: {  	p1 =	slt.u32 s9, $0xF7A;
	s5 =	simm.s32 @!p2 $0x0  }
0x1d: {  	s5 =	simm.s32 @p1 $0x1;
	p0 =	seq.s32 s7, s2  }
0x1e: {  	s7 =	smul.u32 @!p0 $0xF7A, s2;
	p2 =	seq.s32 @!p0 s5, $0x0  }
0x1f: {  	s9 =	smul.u32 $0xF7A, s1;
	s8 =	simm.s32 @!p0 $0x1BF5;
	p2 =	por !p2, p0  }
0x20: {  	[sflag:s8] =	ssyncset.s32 @!p0 $0xFFFFF086;
	s6 =	sadd.s32 @!p0 s3, s7;
	s7 =	simm.s32 @!p0 $0x108  }
0x21: {  	s3 =	sadd.s32 s3, s9;
	s6 =	sadd.s32 @!p0 $0x88, s6;
	s7 =	simm.s32 @p2 $0x1082  }
0x22: {  	[simem:s7], [sflag:s8] =	dma.local @!p0 [hbm:s6], $0xF7A  }
0x23: {  	s9 =	sor.u32 $0xD0000000, s2;
	s6 =	simm.s32 $0x108;
	_ =	swait.ge @!p0 [sflag:s8], $0x0  }
0x24: {  	s3 =	sadd.s32 $0x88, s3;
	s6 =	simm.s32 @!p1 $0x1082;
	[sflag:s4] =	ssyncset.s32 $0xFFFFF086  }
0x25: {  	[simem:s6], [sflag:s4] =	dma.local [hbm:s3], $0xF7A  }
0x26: {  	[smem:$0x3F98] =	sst s1;
	(tag) =	ssettag s2;
	_ =	strace s9  }
0x27: {  	s1 =	sld [smem:$0x3FA8]  }
0x28: {  	s2 =	sld [smem:$0x3FA9]  }
0x29: {  	s4 =	sld [smem:$0x3FAB]  }
0x2a: {  	p0 =	seq.s32 s5, $0x0;
	s5 =	sld [smem:$0x3FAC]  }
0x2b: {  	s6 =	sld [smem:$0x3FAD]  }
0x2c: {  	s7 =	sld [smem:$0x3FAE]  }
0x2d: {  	s3 =	simm.s32 $0x108;
	s8 =	sld [smem:$0x3FAF]  }
0x2e: {  	s3 =	simm.s32 @!p0 $0x1082;
	s9 =	sld [smem:$0x3FB0]  }
0x2f: {  	lr =	sadd.s32 s0, s3;
	s0 =	sld [smem:$0x3FA7]  }
0x30: {  	s3 =	sld [smem:$0x3FAA]  }
0x31: {  	[smem:$0x3FB3] =	sst s10  }
0x32: {  	s10 =	sld [smem:$0x3FB1];
	_ =	sdelay $0x3  }
0x33: {  	p0 =	seq.s32 s10, $0x1;
	s10 =	sld [smem:$0x3FB3];
	_ =	sdelay $0x3  }
0x34: {  	[smem:$0x3FB3] =	sst s10  }
0x35: {  	s10 =	sld [smem:$0x3FB2];
	_ =	sdelay $0x3  }
0x36: {  	p1 =	seq.s32 s10, $0x1;
	s10 =	sld [smem:$0x3FB3];
	_ =	sdelay $0x3  }
0x37: {  	[smem:$0x3FB3] =	sst s10  }
0x38: {  	s10 =	sld [smem:$0x3FB4]  }
0x39: {  	_ = 	snop;
	(pc) =	sbr.ind lr, $3  }
0x3a: {  	_ = 	snop  }
0x3b: {  	_ = 	snop  }
0x3c: {  	p2 =	seq.s32 s10, $0x1;
	s10 =	sld [smem:$0x3FB3]  }
0x3d: {  	_ =	shalt  }
0x3e: {  	_ =	shalt  }
0x3f: {  	_ =	shalt  }
0x40: {  	_ =	shalt  }
0x41: {  	_ =	shalt  }
0x42: {  	_ =	shalt  }
0x43: {  	_ =	shalt  }
0x44: {  	_ =	shalt  }
0x45: {  	_ =	shalt  }
0x46: {  	_ =	shalt  }
0x47: {  	_ =	shalt  }
0x48: {  	_ =	shalt  }
0x49: {  	_ =	shalt  }
0x4a: {  	_ =	shalt  }
0x4b: {  	_ =	shalt  }
0x4c: {  	_ =	shalt  }
0x4d: {  	_ =	shalt  }
0x4e: {  	_ =	shalt  }
0x4f: {  	_ =	shalt  }
0x50: {  	_ =	shalt  }
0x51: {  	_ =	shalt  }
0x52: {  	_ =	shalt  }
0x53: {  	_ =	shalt  }
0x54: {  	_ =	shalt  }
0x55: {  	_ =	shalt  }
0x56: {  	_ =	shalt  }
0x57: {  	_ =	shalt  }
0x58: {  	_ =	shalt  }
0x59: {  	_ =	shalt  }
0x5a: {  	_ =	shalt  }
0x5b: {  	_ =	shalt  }
0x5c: {  	_ =	shalt  }
0x5d: {  	_ =	shalt  }
0x5e: {  	_ =	shalt  }
0x5f: {  	_ =	shalt  }
0x60: {  	_ =	shalt  }
0x61: {  	_ =	shalt  }
0x62: {  	_ =	shalt  }
0x63: {  	_ =	shalt  }
0x64: {  	_ =	shalt  }
0x65: {  	_ =	shalt  }
0x66: {  	_ =	shalt  }
0x67: {  	_ =	shalt  }
0x68: {  	_ =	shalt  }
0x69: {  	_ =	shalt  }
0x6a: {  	_ =	shalt  }
0x6b: {  	_ =	shalt  }
0x6c: {  	_ =	shalt  }
0x6d: {  	_ =	shalt  }
0x6e: {  	_ =	shalt  }
0x6f: {  	_ =	shalt  }
0x70: {  	_ =	shalt  }
0x71: {  	_ =	shalt  }
0x72: {  	_ =	shalt  }
0x73: {  	_ =	shalt  }
0x74: {  	_ =	shalt  }
0x75: {  	_ =	shalt  }
0x76: {  	_ =	shalt  }
0x77: {  	_ =	shalt  }
0x78: {  	_ =	shalt  }
0x79: {  	_ =	shalt  }
0x7a: {  	_ =	shalt  }
0x7b: {  	_ =	shalt  }
0x7c: {  	_ =	shalt  }
0x7d: {  	_ =	shalt  }
0x7e: {  	_ =	shalt  }
0x7f: {  	_ =	shalt  }
0x80: {  	_ =	shalt  }
0x81: {  	_ =	shalt  }
0x82: {  	_ =	shalt  }
0x83: {  	_ =	shalt  }
0x84: {  	_ =	shalt  }
0x85: {  	_ =	shalt  }
0x86: {  	_ =	shalt  }
0x87: {  	_ =	shalt  }
.Lfunc_end0:
.L_simem_size_0:
called_computation_lowered:
.L_overlay_start_0:
0x88: {  	s2 =	sld [smem:$0x3FD9]  }
0x89: {  	s3 =	sld [smem:$0x3FFE];
	_ =	sdelay $0x1  }
0x8a: {  	s1 =	srdreg.scid  }
0x8b: {  	s0 =	sand.u32 $0x1, s1  }
0x8c: {  	s16 =	sshll.u32 s0, $0xA;
	s2 =	sadd.s32 s3, s2  }
0x8d: {  	s2 =	sadd.s32 s2, s16  }
0x8e: {  	[smem:$0x3FBF] =	sst s2  }
0x8f: {  	_ = 	snop  }
0x90: {  	(tm) =	ssettm $0x1  }
0x91: {  	s17 =	sld [smem:$0x3FFB];
	_ =	sdelay $0x3  }
0x92: {  	_ =	strace s17  }
0x93: {  	s2 =	sld [smem:$0x3FFC];
	_ =	sdelay $0x3  }
0x94: {  	_ =	strace s2  }
0x95: {  	s2 =	sld [smem:$0x3FFD];
	_ =	sdelay $0x3  }
0x96: {  	_ =	strace s2  }
0x97: {  	_ =	strace $0x8FFFFFFF  }
0x98: {  	s18 =	sld [smem:$0x3FDB];
	_ =	sdelay $0x1  }
0x99: {  	s19 =	simm.s32 $_scs_section_size  }
0x9a: {  	s4 =	simm.s32 $_size__tile_overlayer_lowered;
	s5 =	simm.s32 $_tile_overlayer_lowered  }
0x9b: {  	s22 =	simm.s32 $0x1BFF;
	s21 =	sshll.u32 s5, $0x1;
	s2 =	sadd.s32 s19, s18  }
0x9c: {  	s6 =	simm.s32 $0x0;
	s20 =	sshll.u32 s4, $0x1;
	s4 =	sadd.s32 s21, s2  }
0x9d: {  	[timem:s6], [sflag:s22] =	dma.local [hbm:s4], s20  }
0x9e: {  	_ =	swait.ge [sflag:s22], s20  }
0x9f: {  	s3 =	ssub.s32 $0x0, s20;
	[sflag:s22] =	ssyncset.done $0x0  }
0xa0: {  	[sflag:s22] =	ssyncadd.s32 s3;
	_ =	sdelay $0x1  }
0xa1: {  	s23 =	simm.s32 $0x1B8B  }
0xa2: {  	_ =	swait.ge [sflag:s23], $0x1  }
0xa3: {  	[sflag:s23] =	ssyncset.done $0x0  }
0xa4: {  	s25 =	simm.s32 $0x1B8E;
	s24 =	sld [smem:$0x3FFE];
	[sflag:s23] =	ssyncadd.s32 $0xFFFFFFFF  }
0xa5: {  	s26 =	simm.s32 $execute0_lowered;
	[smem:$0x3FD2] =	sst s25  }
0xa6: {  	s4 =	sshll.u32 s26, $0x1;
	_ =	strace $0x80000046;
	[dreg:$0x1] =	wrdreg $0xFFFFFFFF  }
0xa7: {  	s28 =	simm.s32 $_size_execute0_lowered;
	s2 =	sadd.s32 s2, s4;
	[dreg:$0x0] =	wrdreg $0x0  }
0xa8: {  	s4 =	sshll.u32 s28, $0x1;
	[dreg:$0x2] =	wrdreg s2  }
0xa9: {  	[dreg:$0x3] =	wrdreg s4  }
0xaa: {  	[dreg:$0x4] =	wrdreg $0xC0  }
0xab: {  	_ =	task [dreg:s6], $0x5FFFF  }
0xac: {  	[dreg:$0x1] =	wrdreg $0xFFFFFFFF  }
0xad: {  	[dreg:$0x0] =	wrdreg $0x60  }
0xae: {  	[dreg:$0x2] =	wrdreg s24  }
0xaf: {  	[dreg:$0x3] =	wrdreg $0x9  }
0xb0: {  	_ =	task.clear_ibuf [dreg:s6], $0x4FFFF;
	_ =	strace $0x90000046  }
0xb1: {  	s29 =	simm.s32 $0x9;
	_ =	strace $0x80000048  }
0xb2: {  	_ =	swait.ge [sflag:s29], $0x1  }
0xb3: {  	[sflag:s29] =	ssyncadd.s32 $0xFFFFFFFF  }
0xb4: {  	_ =	strace $0x90000048  }
0xb5: {  	_ =	sfence  }
0xb6: {  	s30 =	sld [smem:$0x0];
	_ =	sdelay $0x2  }
0xb7: {  	s31 =	sshll.u32 s1, $0xD;
	s1 =	sshrl.u32 s1, $0x2  }
0xb8: {  	s3 =	sand.u32 $0x4000, s31;
	s1 =	sadd.s32 s1, s30  }
0xb9: {  	s0 =	sor.u32 s3, s0;
	s1 =	sshll.u32 s1, $0x11  }
0xba: {  	s0 =	sor.u32 s1, s0  }
0xbb: {  	s0 =	sadd.s32 $0x8F2B, s0  }
0xbc: {  	[sflag:s0] =	ssyncadd.remote.s32 $0x1  }
0xbd: {  	_ =	sfence.sel $0xFFFF  }
0xbe: {  	[dreg:$0x0] =	wrdreg $0xFFFFFFFF;
	(pc) =	sbr.abs _section_cstart, $3  }
0xbf: {  	[dreg:$0x1] =	wrdreg $0xFFFFFFFF  }
0xc0: {  	_ =	task.clear_ibuf [dreg:s6], $0x2FFFF;
	_ =	strace $0x9FFFFFFF  }
0xc1: {  	(tm) =	ssettm $0x7FFFFFFF  }
tec
execute0_lowered:
.L_overlay_start_1:
0x0: {  	(tag) =	ssettag $0x1  }
0x1: {  	s0 =	srdreg.scid;
	s14 =	stileid.u32  }
0x2: {  	s0 =	sand.u32 $0x1, s0;
	s1 =	sshll.u32 s14, $0x1  }
0x3: {  	s1 =	sor.u32 s0, s1  }
0x4: {  	s4 =	smul.u32 $0x180, s1  }
0x5: {  	s3 =	rddreg [dreg:$0x0];
	s5 =	smul.u32 $0xC000, s1  }
0x6: {  	s2 =	simm.s32 $0x0;
	s6 =	sadd.s32 $0x488A00, s3;
	s4 =	sadd.s32 s4, s3  }
0x7: {  	[smem:$0x7FF] =	sst s2;
	s23 =	sadd.s32 s6, s5;
	s4 =	sadd.s32 $0x485A00, s4  }
0x8: {  	_ =	strace $0x80000047;
	s15 =	sadd.s32 $0x800, s23;
	[dreg:$0x2] =	wrdreg s4  }
0x9: {  	s16 =	sadd.s32 $0x1000, s23;
	[dreg:$0x3] =	wrdreg s15  }
0xa: {  	s17 =	sadd.s32 $0x1800, s23;
	[dreg:$0x4] =	wrdreg s16  }
0xb: {  	s1 =	smul.u32 $0x60000, s1;
	s18 =	sadd.s32 $0x2000, s23;
	[dreg:$0x5] =	wrdreg s17  }
0xc: {  	s19 =	sadd.s32 $0x2800, s23;
	[dreg:$0x6] =	wrdreg s18  }
0xd: {  	s1 =	sshrl.u32 s1, $0x3;
	s20 =	sadd.s32 $0x3000, s23;
	[dreg:$0x7] =	wrdreg s19  }
0xe: {  	s21 =	sadd.s32 $0x3800, s23;
	s1 =	sadd.s32 s6, s1;
	[dreg:$0x8] =	wrdreg s20  }
0xf: {  	[dreg:$0x9] =	wrdreg s21;
	s22 =	sadd.s32 $0x4000, s1  }
0x10: {  	s24 =	sadd.s32 $0x4800, s1;
	[dreg:$0xa] =	wrdreg s22  }
0x11: {  	s25 =	sadd.s32 $0x5000, s1;
	[dreg:$0xb] =	wrdreg s24  }
0x12: {  	s26 =	sadd.s32 $0x5800, s1;
	[dreg:$0xc] =	wrdreg s25  }
0x13: {  	s5 =	sadd.s32 $0x6000, s1;
	[dreg:$0xd] =	wrdreg s26  }
0x14: {  	s31 =	simm.s32 $0x3;
	s6 =	sadd.s32 $0x6800, s1;
	[dreg:$0xe] =	wrdreg s5  }
0x15: {  	s30 =	simm.s32 $0x500;
	s7 =	sadd.s32 $0x7000, s1;
	[dreg:$0xf] =	wrdreg s6  }
0x16: {  	s29 =	simm.s32 $0x580;
	s8 =	sadd.s32 $0x7800, s1;
	[dreg:$0x10] =	wrdreg s7  }
0x17: {  	s28 =	simm.s32 $0x600;
	s9 =	sadd.s32 $0x8000, s1;
	[dreg:$0x11] =	wrdreg s8  }
0x18: {  	p0 =	por $0x0, $0x0;
	s10 =	sadd.s32 $0x8800, s1;
	[dreg:$0x12] =	wrdreg s9  }
0x19: {  	s13 =	sadd.s32 $0x1A00, s3;
	s11 =	sadd.s32 $0x9000, s1;
	[dreg:$0x13] =	wrdreg s10  }
0x1a: {  	s0 =	ssub.s32 $0x2, s0;
	s12 =	sadd.s32 $0x9800, s1;
	[dreg:$0x14] =	wrdreg s11  }
0x1b: {  	s4 =	sadd.s32 $0x401A00, s3;
	s15 =	sadd.s32 $0xA000, s1;
	[dreg:$0x15] =	wrdreg s12  }
0x1c: {  	s16 =	sadd.s32 $0xA800, s1;
	s17 =	sshrl.u32 s0, $0x1;
	[dreg:$0x16] =	wrdreg s15  }
0x1d: {  	s18 =	sadd.s32 $0xB000, s1;
	s1 =	sadd.s32 $0xB800, s1;
	[dreg:$0x17] =	wrdreg s16  }
0x1e: {  	s19 =	simm.s32 $0x100;
	s20 =	simm.s32 $0x180;
	[dreg:$0x18] =	wrdreg s18  }
0x1f: {  	s21 =	simm.s32 $0x200;
	s3 =	simm.s32 $0x2;
	[dreg:$0x19] =	wrdreg s1  }
0x20: {  	s0 =	ssub.s32 s0, s17;
	s12 =	simm.s32 $0x80;
	[dreg:$0x1a] =	wrdreg s19  }
0x21: {  	s11 =	simm.s32 $0xC00;
	s10 =	simm.s32 $0x4C00;
	[dreg:$0x1b] =	wrdreg s20  }
0x22: {  	s9 =	simm.s32 $0x8C00;
	s7 =	simm.s32 $0xCC00;
	[dreg:$0x1c] =	wrdreg s21  }
0x23: {  	s22 =	simm.s32 $0x280;
	s6 =	simm.s32 $0x10C00;
	s24 =	simm.s32 $0x300  }
0x24: {  	s5 =	simm.s32 $0x14C00;
	s25 =	simm.s32 $0x380;
	s8 =	simm.s32 $0x1  }
0x25: {  	s26 =	simm.s32 $0x400;
	s21 =	simm.s32 $0x880;
	s0 =	smax.u32 s0, $0x1  }
0x26: {  	s20 =	simm.s32 $0x900;
	[dreg:$0x1d] =	wrdreg s22;
	p1 =	sne.s32 s0, $0x1  }
.Ltmp0:
0x27: {  	s19 =	simm.s32 $0x980;
	[dreg:$0x1e] =	wrdreg s24;
	(pc) =	sbr.rel @!p1 .LBB2_1-.Ltmp0, $4  }
0x28: {  	s18 =	simm.s32 $0xA00;
	s17 =	simm.s32 $0xA80;
	[dreg:$0x1f] =	wrdreg s25  }
0x29: {  	s16 =	simm.s32 $0xB00;
	s15 =	simm.s32 $0xB80;
	[smem:$0x7FD] =	sst s26  }
0x2a: {  	s26 =	simm.s32 $0x680;
	s25 =	simm.s32 $0x700;
	s24 =	simm.s32 $0x780  }
0x2b: {  	s22 =	simm.s32 $0x800;
	s1 =	sadd.s32 $0xFFFFFFFF, s0;
	s0 =	rddreg [dreg:$0x2]  }
0x2c: {  	[tilespmem:s2], [sflag:$0x3] =	stream.linear.gather [hbm4b:s0+s2], $0xC00, $0x38;
	[tilespmem:$0x18C00] =	vst v63  }
0x2d: {  	_ =	swait.ge [sflag:s31], $0xC00  }
0x2e: {  	[sflag:s31] =	ssyncset.done $0x0  }
0x2f: {  	[sflag:s31] =	ssyncadd.s32 $0xFFFFF400  }
0x30: {  	[tilespmem:s11], [sflag:$0x1] =	stream.indirect.gather [hbm4b:s13+s12], $0x80, s2, s12, $0xb8;
	[tilespmem:$0x18C00] =	vst v63  }
0x31: {  	_ = 	snop  }
0x32: {  	[tilespmem:s10], [sflag:$0x1] =	stream.indirect.gather [hbm4b:s13+s12], $0x80, s12, s12, $0xb8;
	[tilespmem:$0x18C00] =	vst v63  }
0x33: {  	s0 =	rddreg [dreg:$0x1a]  }
0x34: {  	[tilespmem:s9], [sflag:$0x1] =	stream.indirect.gather [hbm4b:s13+s12], $0x80, s0, s12, $0xb8;
	[tilespmem:$0x18C00] =	vst v63  }
0x35: {  	s14 =	smov.u32 s1;
	s1 =	rddreg [dreg:$0x1b]  }
0x36: {  	[tilespmem:s7], [sflag:$0x1] =	stream.indirect.gather [hbm4b:s13+s12], $0x80, s1, s12, $0xb8;
	[tilespmem:$0x18C00] =	vst v63  }
0x37: {  	s0 =	rddreg [dreg:$0x1c]  }
0x38: {  	[tilespmem:s6], [sflag:$0x1] =	stream.indirect.gather [hbm4b:s13+s12], $0x80, s0, s12, $0xb8;
	[tilespmem:$0x18C00] =	vst v63  }
0x39: {  	s1 =	rddreg [dreg:$0x1d]  }
0x3a: {  	[tilespmem:s5], [sflag:$0x1] =	stream.indirect.gather [hbm4b:s13+s12], $0x80, s1, s12, $0xb8;
	[tilespmem:$0x18C00] =	vst v63  }
0x3b: {  	_ =	swait.ge [sflag:s8], $0x4000  }
0x3c: {  	[sflag:s8] =	ssyncset.done $0x0  }
0x3d: {  	[sflag:s8] =	ssyncadd.s32 $0xFFFFC000  }
0x3e: {  	[hbm4b:s23+s2] =	stream.linear.scatter [tilespmem:s11], [sflag:$0x2], $0x4000, $0x38;
	[tilespmem:$0x18C00] =	vst v63  }
0x3f: {  	_ =	swait.ge [sflag:s3], $0x4000  }
0x40: {  	[sflag:s3] =	ssyncset.done $0x0  }
0x41: {  	s1 =	rddreg [dreg:$0x1e];
	[sflag:s3] =	ssyncadd.s32 $0xFFFFC000  }
0x42: {  	[tilespmem:s11], [sflag:$0x1] =	stream.indirect.gather [hbm4b:s13+s12], $0x80, s1, s12, $0xb8;
	[tilespmem:$0x18C00] =	vst v63  }
0x43: {  	_ =	swait.ge [sflag:s8], $0x4000  }
0x44: {  	[sflag:s8] =	ssyncset.done $0x0  }
0x45: {  	s1 =	rddreg [dreg:$0x3];
	[sflag:s8] =	ssyncadd.s32 $0xFFFFC000  }
0x46: {  	[hbm4b:s1+s2] =	stream.linear.scatter [tilespmem:s10], [sflag:$0x2], $0x4000, $0x38;
	[tilespmem:$0x18C00] =	vst v63  }
0x47: {  	_ =	swait.ge [sflag:s3], $0x4000  }
0x48: {  	[sflag:s3] =	ssyncset.done $0x0  }
0x49: {  	s1 =	rddreg [dreg:$0x1f];
	[sflag:s3] =	ssyncadd.s32 $0xFFFFC000  }
0x4a: {  	[tilespmem:s10], [sflag:$0x1] =	stream.indirect.gather [hbm4b:s13+s12], $0x80, s1, s12, $0xb8;
	[tilespmem:$0x18C00] =	vst v63  }
0x4b: {  	_ =	swait.ge [sflag:s8], $0x4000  }
0x4c: {  	[sflag:s8] =	ssyncset.done $0x0  }
0x4d: {  	s1 =	rddreg [dreg:$0x4];
	[sflag:s8] =	ssyncadd.s32 $0xFFFFC000  }
0x4e: {  	[hbm4b:s1+s2] =	stream.linear.scatter [tilespmem:s9], [sflag:$0x2], $0x4000, $0x38;
	[tilespmem:$0x18C00] =	vst v63  }
0x4f: {  	_ =	swait.ge [sflag:s3], $0x4000  }
0x50: {  	s1 =	sld [smem:$0x7FD]  }
0x51: {  	[sflag:s3] =	ssyncset.done $0x0  }
0x52: {  	[sflag:s3] =	ssyncadd.s32 $0xFFFFC000  }
0x53: {  	[tilespmem:s9], [sflag:$0x1] =	stream.indirect.gather [hbm4b:s13+s12], $0x80, s1, s12, $0xb8;
	[tilespmem:$0x18C00] =	vst v63  }
0x54: {  	_ =	swait.ge [sflag:s8], $0x4000  }
0x55: {  	[sflag:s8] =	ssyncset.done $0x0  }
0x56: {  	s1 =	rddreg [dreg:$0x5];
	[sflag:s8] =	ssyncadd.s32 $0xFFFFC000  }
0x57: {  	[hbm4b:s1+s2] =	stream.linear.scatter [tilespmem:s7], [sflag:$0x2], $0x4000, $0x38;
	[tilespmem:$0x18C00] =	vst v63  }
0x58: {  	_ =	swait.ge [sflag:s3], $0x4000  }
0x59: {  	[sflag:s3] =	ssyncset.done $0x0  }
0x5a: {  	s1 =	simm.s32 $0x480;
	[sflag:s3] =	ssyncadd.s32 $0xFFFFC000  }
0x5b: {  	[tilespmem:s7], [sflag:$0x1] =	stream.indirect.gather [hbm4b:s13+s12], $0x80, s1, s12, $0xb8;
	[tilespmem:$0x18C00] =	vst v63  }
0x5c: {  	_ =	swait.ge [sflag:s8], $0x4000  }
0x5d: {  	[sflag:s8] =	ssyncset.done $0x0  }
0x5e: {  	s1 =	rddreg [dreg:$0x6];
	[sflag:s8] =	ssyncadd.s32 $0xFFFFC000  }
0x5f: {  	[hbm4b:s1+s2] =	stream.linear.scatter [tilespmem:s6], [sflag:$0x2], $0x4000, $0x38;
	[tilespmem:$0x18C00] =	vst v63  }
0x60: {  	_ =	swait.ge [sflag:s3], $0x4000  }
0x61: {  	[sflag:s3] =	ssyncset.done $0x0  }
0x62: {  	[sflag:s3] =	ssyncadd.s32 $0xFFFFC000  }
0x63: {  	[tilespmem:s6], [sflag:$0x1] =	stream.indirect.gather [hbm4b:s13+s12], $0x80, s30, s12, $0xb8;
	[tilespmem:$0x18C00] =	vst v63  }
0x64: {  	_ =	swait.ge [sflag:s8], $0x4000  }
0x65: {  	[sflag:s8] =	ssyncset.done $0x0  }
0x66: {  	s1 =	rddreg [dreg:$0x7];
	[sflag:s8] =	ssyncadd.s32 $0xFFFFC000  }
0x67: {  	[hbm4b:s1+s2] =	stream.linear.scatter [tilespmem:s5], [sflag:$0x2], $0x4000, $0x38;
	[tilespmem:$0x18C00] =	vst v63  }
0x68: {  	_ =	swait.ge [sflag:s3], $0x4000  }
0x69: {  	[sflag:s3] =	ssyncset.done $0x0  }
0x6a: {  	[sflag:s3] =	ssyncadd.s32 $0xFFFFC000  }
0x6b: {  	[tilespmem:s5], [sflag:$0x1] =	stream.indirect.gather [hbm4b:s13+s12], $0x80, s29, s12, $0xb8;
	[tilespmem:$0x18C00] =	vst v63  }
0x6c: {  	_ =	swait.ge [sflag:s8], $0x4000  }
0x6d: {  	[sflag:s8] =	ssyncset.done $0x0  }
0x6e: {  	s1 =	rddreg [dreg:$0x8];
	[sflag:s8] =	ssyncadd.s32 $0xFFFFC000  }
0x6f: {  	[hbm4b:s1+s2] =	stream.linear.scatter [tilespmem:s11], [sflag:$0x2], $0x4000, $0x38;
	[tilespmem:$0x18C00] =	vst v63  }
0x70: {  	_ =	swait.ge [sflag:s3], $0x4000  }
0x71: {  	[sflag:s3] =	ssyncset.done $0x0  }
0x72: {  	[sflag:s3] =	ssyncadd.s32 $0xFFFFC000  }
0x73: {  	[tilespmem:s11], [sflag:$0x1] =	stream.indirect.gather [hbm4b:s13+s12], $0x80, s28, s12, $0xb8;
	[tilespmem:$0x18C00] =	vst v63  }
0x74: {  	_ =	swait.ge [sflag:s8], $0x4000  }
0x75: {  	[sflag:s8] =	ssyncset.done $0x0  }
0x76: {  	s1 =	rddreg [dreg:$0x9];
	[sflag:s8] =	ssyncadd.s32 $0xFFFFC000  }
0x77: {  	[hbm4b:s1+s2] =	stream.linear.scatter [tilespmem:s10], [sflag:$0x2], $0x4000, $0x38;
	[tilespmem:$0x18C00] =	vst v63  }
0x78: {  	_ =	swait.ge [sflag:s3], $0x4000  }
0x79: {  	[sflag:s3] =	ssyncset.done $0x0  }
0x7a: {  	[sflag:s3] =	ssyncadd.s32 $0xFFFFC000  }
0x7b: {  	[tilespmem:s10], [sflag:$0x1] =	stream.indirect.gather [hbm4b:s13+s12], $0x80, s26, s12, $0xb8;
	[tilespmem:$0x18C00] =	vst v63  }
0x7c: {  	_ =	swait.ge [sflag:s8], $0x4000  }
0x7d: {  	[sflag:s8] =	ssyncset.done $0x0  }
0x7e: {  	s1 =	rddreg [dreg:$0xa];
	[sflag:s8] =	ssyncadd.s32 $0xFFFFC000  }
0x7f: {  	[hbm4b:s1+s2] =	stream.linear.scatter [tilespmem:s9], [sflag:$0x2], $0x4000, $0x38;
	[tilespmem:$0x18C00] =	vst v63  }
0x80: {  	_ =	swait.ge [sflag:s3], $0x4000  }
0x81: {  	[sflag:s3] =	ssyncset.done $0x0  }
0x82: {  	[sflag:s3] =	ssyncadd.s32 $0xFFFFC000  }
0x83: {  	[tilespmem:s9], [sflag:$0x1] =	stream.indirect.gather [hbm4b:s13+s12], $0x80, s25, s12, $0xb8;
	[tilespmem:$0x18C00] =	vst v63  }
0x84: {  	_ =	swait.ge [sflag:s8], $0x4000  }
0x85: {  	[sflag:s8] =	ssyncset.done $0x0  }
0x86: {  	s1 =	rddreg [dreg:$0xb];
	[sflag:s8] =	ssyncadd.s32 $0xFFFFC000  }
0x87: {  	[hbm4b:s1+s2] =	stream.linear.scatter [tilespmem:s7], [sflag:$0x2], $0x4000, $0x38;
	[tilespmem:$0x18C00] =	vst v63  }
0x88: {  	_ =	swait.ge [sflag:s3], $0x4000  }
0x89: {  	[sflag:s3] =	ssyncset.done $0x0  }
0x8a: {  	[sflag:s3] =	ssyncadd.s32 $0xFFFFC000  }
0x8b: {  	[tilespmem:s7], [sflag:$0x1] =	stream.indirect.gather [hbm4b:s13+s12], $0x80, s24, s12, $0xb8;
	[tilespmem:$0x18C00] =	vst v63  }
0x8c: {  	_ =	swait.ge [sflag:s8], $0x4000  }
0x8d: {  	[sflag:s8] =	ssyncset.done $0x0  }
0x8e: {  	s1 =	rddreg [dreg:$0xc];
	[sflag:s8] =	ssyncadd.s32 $0xFFFFC000  }
0x8f: {  	[hbm4b:s1+s2] =	stream.linear.scatter [tilespmem:s6], [sflag:$0x2], $0x4000, $0x38;
	[tilespmem:$0x18C00] =	vst v63  }
0x90: {  	_ =	swait.ge [sflag:s3], $0x4000  }
0x91: {  	[sflag:s3] =	ssyncset.done $0x0  }
0x92: {  	[sflag:s3] =	ssyncadd.s32 $0xFFFFC000  }
0x93: {  	[tilespmem:s6], [sflag:$0x1] =	stream.indirect.gather [hbm4b:s13+s12], $0x80, s22, s12, $0xb8;
	[tilespmem:$0x18C00] =	vst v63  }
0x94: {  	_ =	swait.ge [sflag:s8], $0x4000  }
0x95: {  	[sflag:s8] =	ssyncset.done $0x0  }
0x96: {  	s1 =	rddreg [dreg:$0xd];
	[sflag:s8] =	ssyncadd.s32 $0xFFFFC000  }
0x97: {  	[hbm4b:s1+s2] =	stream.linear.scatter [tilespmem:s5], [sflag:$0x2], $0x4000, $0x38;
	[tilespmem:$0x18C00] =	vst v63  }
0x98: {  	_ =	swait.ge [sflag:s3], $0x4000  }
0x99: {  	[sflag:s3] =	ssyncset.done $0x0  }
0x9a: {  	[sflag:s3] =	ssyncadd.s32 $0xFFFFC000  }
0x9b: {  	[tilespmem:s5], [sflag:$0x1] =	stream.indirect.gather [hbm4b:s13+s12], $0x80, s21, s12, $0xb8;
	[tilespmem:$0x18C00] =	vst v63  }
0x9c: {  	_ =	swait.ge [sflag:s8], $0x4000  }
0x9d: {  	[sflag:s8] =	ssyncset.done $0x0  }
0x9e: {  	s1 =	rddreg [dreg:$0xe];
	[sflag:s8] =	ssyncadd.s32 $0xFFFFC000  }
0x9f: {  	[hbm4b:s1+s2] =	stream.linear.scatter [tilespmem:s11], [sflag:$0x2], $0x4000, $0x38;
	[tilespmem:$0x18C00] =	vst v63  }
0xa0: {  	_ =	swait.ge [sflag:s3], $0x4000  }
0xa1: {  	[sflag:s3] =	ssyncset.done $0x0  }
0xa2: {  	[sflag:s3] =	ssyncadd.s32 $0xFFFFC000  }
0xa3: {  	[tilespmem:s11], [sflag:$0x1] =	stream.indirect.gather [hbm4b:s13+s12], $0x80, s20, s12, $0xb8;
	[tilespmem:$0x18C00] =	vst v63  }
0xa4: {  	_ =	swait.ge [sflag:s8], $0x4000  }
0xa5: {  	[sflag:s8] =	ssyncset.done $0x0  }
0xa6: {  	s1 =	rddreg [dreg:$0xf];
	[sflag:s8] =	ssyncadd.s32 $0xFFFFC000  }
0xa7: {  	[hbm4b:s1+s2] =	stream.linear.scatter [tilespmem:s10], [sflag:$0x2], $0x4000, $0x38;
	[tilespmem:$0x18C00] =	vst v63  }
0xa8: {  	_ =	swait.ge [sflag:s3], $0x4000  }
0xa9: {  	[sflag:s3] =	ssyncset.done $0x0  }
0xaa: {  	[sflag:s3] =	ssyncadd.s32 $0xFFFFC000  }
0xab: {  	[tilespmem:s10], [sflag:$0x1] =	stream.indirect.gather [hbm4b:s13+s12], $0x80, s19, s12, $0xb8;
	[tilespmem:$0x18C00] =	vst v63  }
0xac: {  	_ =	swait.ge [sflag:s8], $0x4000  }
0xad: {  	[sflag:s8] =	ssyncset.done $0x0  }
0xae: {  	s1 =	rddreg [dreg:$0x10];
	[sflag:s8] =	ssyncadd.s32 $0xFFFFC000  }
0xaf: {  	[hbm4b:s1+s2] =	stream.linear.scatter [tilespmem:s9], [sflag:$0x2], $0x4000, $0x38;
	[tilespmem:$0x18C00] =	vst v63  }
0xb0: {  	_ =	swait.ge [sflag:s3], $0x4000  }
0xb1: {  	[sflag:s3] =	ssyncset.done $0x0  }
0xb2: {  	[sflag:s3] =	ssyncadd.s32 $0xFFFFC000  }
0xb3: {  	[tilespmem:s9], [sflag:$0x1] =	stream.indirect.gather [hbm4b:s4+s12], $0x80, s18, s12, $0xb8;
	[tilespmem:$0x18C00] =	vst v63  }
0xb4: {  	_ =	swait.ge [sflag:s8], $0x4000  }
0xb5: {  	[sflag:s8] =	ssyncset.done $0x0  }
0xb6: {  	s1 =	rddreg [dreg:$0x11];
	[sflag:s8] =	ssyncadd.s32 $0xFFFFC000  }
0xb7: {  	[hbm4b:s1+s2] =	stream.linear.scatter [tilespmem:s7], [sflag:$0x2], $0x4000, $0x38;
	[tilespmem:$0x18C00] =	vst v63  }
0xb8: {  	_ =	swait.ge [sflag:s3], $0x4000  }
0xb9: {  	[sflag:s3] =	ssyncset.done $0x0  }
0xba: {  	[sflag:s3] =	ssyncadd.s32 $0xFFFFC000  }
0xbb: {  	[tilespmem:s7], [sflag:$0x1] =	stream.indirect.gather [hbm4b:s4+s12], $0x80, s17, s12, $0xb8;
	[tilespmem:$0x18C00] =	vst v63  }
0xbc: {  	_ =	swait.ge [sflag:s8], $0x4000  }
0xbd: {  	[sflag:s8] =	ssyncset.done $0x0  }
0xbe: {  	s1 =	rddreg [dreg:$0x12];
	[sflag:s8] =	ssyncadd.s32 $0xFFFFC000  }
0xbf: {  	[hbm4b:s1+s2] =	stream.linear.scatter [tilespmem:s6], [sflag:$0x2], $0x4000, $0x38;
	[tilespmem:$0x18C00] =	vst v63  }
0xc0: {  	_ =	swait.ge [sflag:s3], $0x4000  }
0xc1: {  	[sflag:s3] =	ssyncset.done $0x0  }
0xc2: {  	[sflag:s3] =	ssyncadd.s32 $0xFFFFC000  }
0xc3: {  	[tilespmem:s6], [sflag:$0x1] =	stream.indirect.gather [hbm4b:s4+s12], $0x80, s16, s12, $0xb8;
	[tilespmem:$0x18C00] =	vst v63  }
0xc4: {  	_ =	swait.ge [sflag:s8], $0x4000  }
0xc5: {  	[sflag:s8] =	ssyncset.done $0x0  }
0xc6: {  	s1 =	rddreg [dreg:$0x13];
	[sflag:s8] =	ssyncadd.s32 $0xFFFFC000  }
0xc7: {  	[hbm4b:s1+s2] =	stream.linear.scatter [tilespmem:s5], [sflag:$0x2], $0x4000, $0x38;
	[tilespmem:$0x18C00] =	vst v63  }
0xc8: {  	_ =	swait.ge [sflag:s3], $0x4000  }
0xc9: {  	[sflag:s3] =	ssyncset.done $0x0  }
0xca: {  	[sflag:s3] =	ssyncadd.s32 $0xFFFFC000  }
0xcb: {  	[tilespmem:s5], [sflag:$0x1] =	stream.indirect.gather [hbm4b:s4+s12], $0x80, s15, s12, $0xb8;
	[tilespmem:$0x18C00] =	vst v63  }
0xcc: {  	_ =	swait.ge [sflag:s8], $0x4000  }
0xcd: {  	[sflag:s8] =	ssyncset.done $0x0  }
0xce: {  	s1 =	rddreg [dreg:$0x14];
	[sflag:s8] =	ssyncadd.s32 $0xFFFFC000  }
0xcf: {  	[hbm4b:s1+s2] =	stream.linear.scatter [tilespmem:s11], [sflag:$0x2], $0x4000, $0x38;
	[tilespmem:$0x18C00] =	vst v63  }
0xd0: {  	_ =	swait.ge [sflag:s8], $0x4000  }
0xd1: {  	[sflag:s8] =	ssyncset.done $0x0  }
0xd2: {  	s1 =	rddreg [dreg:$0x15];
	[sflag:s8] =	ssyncadd.s32 $0xFFFFC000  }
0xd3: {  	[hbm4b:s1+s2] =	stream.linear.scatter [tilespmem:s10], [sflag:$0x2], $0x4000, $0x38;
	[tilespmem:$0x18C00] =	vst v63  }
0xd4: {  	_ =	swait.ge [sflag:s8], $0x4000  }
0xd5: {  	[sflag:s8] =	ssyncset.done $0x0  }
0xd6: {  	s1 =	rddreg [dreg:$0x16];
	[sflag:s8] =	ssyncadd.s32 $0xFFFFC000  }
0xd7: {  	[hbm4b:s1+s2] =	stream.linear.scatter [tilespmem:s9], [sflag:$0x2], $0x4000, $0x38;
	[tilespmem:$0x18C00] =	vst v63  }
0xd8: {  	_ =	swait.ge [sflag:s8], $0x4000  }
0xd9: {  	[sflag:s8] =	ssyncset.done $0x0  }
0xda: {  	s1 =	rddreg [dreg:$0x17];
	[sflag:s8] =	ssyncadd.s32 $0xFFFFC000  }
0xdb: {  	[hbm4b:s1+s2] =	stream.linear.scatter [tilespmem:s7], [sflag:$0x2], $0x4000, $0x38;
	[tilespmem:$0x18C00] =	vst v63  }
0xdc: {  	_ =	swait.ge [sflag:s8], $0x4000  }
0xdd: {  	[sflag:s8] =	ssyncset.done $0x0  }
0xde: {  	s1 =	rddreg [dreg:$0x18];
	[sflag:s8] =	ssyncadd.s32 $0xFFFFC000  }
0xdf: {  	[hbm4b:s1+s2] =	stream.linear.scatter [tilespmem:s6], [sflag:$0x2], $0x4000, $0x38;
	[tilespmem:$0x18C00] =	vst v63  }
0xe0: {  	_ =	swait.ge [sflag:s8], $0x4000  }
0xe1: {  	[sflag:s8] =	ssyncset.done $0x0  }
0xe2: {  	s1 =	rddreg [dreg:$0x19];
	[sflag:s8] =	ssyncadd.s32 $0xFFFFC000  }
0xe3: {  	[hbm4b:s1+s2] =	stream.linear.scatter [tilespmem:s5], [sflag:$0x2], $0x4000, $0x38;
	[tilespmem:$0x18C00] =	vst v63  }
0xe4: {  	_ =	swait.ge [sflag:s3], $0x4000  }
0xe5: {  	[sflag:s3] =	ssyncset.done $0x0  }
0xe6: {  	[sflag:s3] =	ssyncadd.s32 $0xFFFFC000  }
0xe7: {  	_ =	swait.ge [sflag:s3], $0x4000  }
0xe8: {  	[sflag:s3] =	ssyncset.done $0x0  }
0xe9: {  	[sflag:s3] =	ssyncadd.s32 $0xFFFFC000  }
0xea: {  	_ =	swait.ge [sflag:s3], $0x4000  }
0xeb: {  	[sflag:s3] =	ssyncset.done $0x0  }
0xec: {  	[sflag:s3] =	ssyncadd.s32 $0xFFFFC000  }
0xed: {  	_ =	swait.ge [sflag:s3], $0x4000  }
0xee: {  	[sflag:s3] =	ssyncset.done $0x0  }
0xef: {  	p1 =	sne.s32 s14, $0x1;
	[sflag:s3] =	ssyncadd.s32 $0xFFFFC000  }
.Ltmp1:
0xf0: {  	_ =	swait.ge [sflag:s3], $0x4000;
	(pc) =	sbr.rel @!p1 .LBB2_3-.Ltmp1, $4  }
0xf1: {  	[sflag:s3] =	ssyncset.done $0x0  }
0xf2: {  	[sflag:s3] =	ssyncadd.s32 $0xFFFFC000  }
0xf3: {  	p0 =	por $0x1, $0x1;
	_ =	swait.ge [sflag:s3], $0x4000  }
0xf4: {  	s1 =	sadd.s32 $0xFFFFFFFF, s14;
	s0 =	rddreg [dreg:$0x2];
	[sflag:s3] =	ssyncset.done $0x0  }
.LBB2_4:
0xf5: {  	[sflag:s3] =	ssyncadd.s32 $0xFFFFC000  }
0xf6: {  	[tilespmem:s2], [sflag:$0x3] =	stream.linear.gather [hbm4b:s0+s2], $0xC00, $0x38;
	[tilespmem:$0x18C00] =	vst v63  }
0xf7: {  	_ =	swait.ge [sflag:s31], $0xC00  }
0xf8: {  	[sflag:s31] =	ssyncset.done $0x0  }
0xf9: {  	[sflag:s31] =	ssyncadd.s32 $0xFFFFF400  }
0xfa: {  	[tilespmem:s11], [sflag:$0x1] =	stream.indirect.gather [hbm4b:s13+s12], $0x80, s2, s12, $0xb8;
	[tilespmem:$0x18C00] =	vst v63  }
0xfb: {  	_ = 	snop  }
0xfc: {  	[tilespmem:s10], [sflag:$0x1] =	stream.indirect.gather [hbm4b:s13+s12], $0x80, s12, s12, $0xb8;
	[tilespmem:$0x18C00] =	vst v63  }
0xfd: {  	s0 =	rddreg [dreg:$0x1a]  }
0xfe: {  	[tilespmem:s9], [sflag:$0x1] =	stream.indirect.gather [hbm4b:s13+s12], $0x80, s0, s12, $0xb8;
	[tilespmem:$0x18C00] =	vst v63  }
0xff: {  	s14 =	rddreg [dreg:$0x1b]  }
0x100: {  	[tilespmem:s7], [sflag:$0x1] =	stream.indirect.gather [hbm4b:s13+s12], $0x80, s14, s12, $0xb8;
	[tilespmem:$0x18C00] =	vst v63  }
0x101: {  	s0 =	rddreg [dreg:$0x1c]  }
0x102: {  	[tilespmem:s6], [sflag:$0x1] =	stream.indirect.gather [hbm4b:s13+s12], $0x80, s0, s12, $0xb8;
	[tilespmem:$0x18C00] =	vst v63  }
0x103: {  	s14 =	rddreg [dreg:$0x1d]  }
0x104: {  	[tilespmem:s5], [sflag:$0x1] =	stream.indirect.gather [hbm4b:s13+s12], $0x80, s14, s12, $0xb8;
	[tilespmem:$0x18C00] =	vst v63  }
0x105: {  	_ =	swait.ge [sflag:s8], $0x4000  }
0x106: {  	[sflag:s8] =	ssyncset.done $0x0  }
0x107: {  	[sflag:s8] =	ssyncadd.s32 $0xFFFFC000  }
0x108: {  	[hbm4b:s23+s2] =	stream.linear.scatter [tilespmem:s11], [sflag:$0x2], $0x4000, $0x38;
	[tilespmem:$0x18C00] =	vst v63  }
0x109: {  	_ =	swait.ge [sflag:s3], $0x4000  }
0x10a: {  	[sflag:s3] =	ssyncset.done $0x0  }
0x10b: {  	s14 =	rddreg [dreg:$0x1e];
	[sflag:s3] =	ssyncadd.s32 $0xFFFFC000  }
0x10c: {  	[tilespmem:s11], [sflag:$0x1] =	stream.indirect.gather [hbm4b:s13+s12], $0x80, s14, s12, $0xb8;
	[tilespmem:$0x18C00] =	vst v63  }
0x10d: {  	_ =	swait.ge [sflag:s8], $0x4000  }
0x10e: {  	[sflag:s8] =	ssyncset.done $0x0  }
0x10f: {  	s14 =	rddreg [dreg:$0x3];
	[sflag:s8] =	ssyncadd.s32 $0xFFFFC000  }
0x110: {  	[hbm4b:s14+s2] =	stream.linear.scatter [tilespmem:s10], [sflag:$0x2], $0x4000, $0x38;
	[tilespmem:$0x18C00] =	vst v63  }
0x111: {  	_ =	swait.ge [sflag:s3], $0x4000  }
0x112: {  	[sflag:s3] =	ssyncset.done $0x0  }
0x113: {  	s14 =	rddreg [dreg:$0x1f];
	[sflag:s3] =	ssyncadd.s32 $0xFFFFC000  }
0x114: {  	[tilespmem:s10], [sflag:$0x1] =	stream.indirect.gather [hbm4b:s13+s12], $0x80, s14, s12, $0xb8;
	[tilespmem:$0x18C00] =	vst v63  }
0x115: {  	_ =	swait.ge [sflag:s8], $0x4000  }
0x116: {  	[sflag:s8] =	ssyncset.done $0x0  }
0x117: {  	s14 =	rddreg [dreg:$0x4];
	[sflag:s8] =	ssyncadd.s32 $0xFFFFC000  }
0x118: {  	[hbm4b:s14+s2] =	stream.linear.scatter [tilespmem:s9], [sflag:$0x2], $0x4000, $0x38;
	[tilespmem:$0x18C00] =	vst v63  }
0x119: {  	_ =	swait.ge [sflag:s3], $0x4000  }
0x11a: {  	s14 =	sld [smem:$0x7FD]  }
0x11b: {  	[sflag:s3] =	ssyncset.done $0x0  }
0x11c: {  	[sflag:s3] =	ssyncadd.s32 $0xFFFFC000  }
0x11d: {  	[tilespmem:s9], [sflag:$0x1] =	stream.indirect.gather [hbm4b:s13+s12], $0x80, s14, s12, $0xb8;
	[tilespmem:$0x18C00] =	vst v63  }
0x11e: {  	_ =	swait.ge [sflag:s8], $0x4000  }
0x11f: {  	[sflag:s8] =	ssyncset.done $0x0  }
0x120: {  	s14 =	rddreg [dreg:$0x5];
	[sflag:s8] =	ssyncadd.s32 $0xFFFFC000  }
0x121: {  	[hbm4b:s14+s2] =	stream.linear.scatter [tilespmem:s7], [sflag:$0x2], $0x4000, $0x38;
	[tilespmem:$0x18C00] =	vst v63  }
0x122: {  	_ =	swait.ge [sflag:s3], $0x4000  }
0x123: {  	[sflag:s3] =	ssyncset.done $0x0  }
0x124: {  	s14 =	simm.s32 $0x480;
	[sflag:s3] =	ssyncadd.s32 $0xFFFFC000  }
0x125: {  	[tilespmem:s7], [sflag:$0x1] =	stream.indirect.gather [hbm4b:s13+s12], $0x80, s14, s12, $0xb8;
	[tilespmem:$0x18C00] =	vst v63  }
0x126: {  	_ =	swait.ge [sflag:s8], $0x4000  }
0x127: {  	[sflag:s8] =	ssyncset.done $0x0  }
0x128: {  	s14 =	rddreg [dreg:$0x6];
	[sflag:s8] =	ssyncadd.s32 $0xFFFFC000  }
0x129: {  	[hbm4b:s14+s2] =	stream.linear.scatter [tilespmem:s6], [sflag:$0x2], $0x4000, $0x38;
	[tilespmem:$0x18C00] =	vst v63  }
0x12a: {  	_ =	swait.ge [sflag:s3], $0x4000  }
0x12b: {  	[sflag:s3] =	ssyncset.done $0x0  }
0x12c: {  	[sflag:s3] =	ssyncadd.s32 $0xFFFFC000  }
0x12d: {  	[tilespmem:s6], [sflag:$0x1] =	stream.indirect.gather [hbm4b:s13+s12], $0x80, s30, s12, $0xb8;
	[tilespmem:$0x18C00] =	vst v63  }
0x12e: {  	_ =	swait.ge [sflag:s8], $0x4000  }
0x12f: {  	[sflag:s8] =	ssyncset.done $0x0  }
0x130: {  	s14 =	rddreg [dreg:$0x7];
	[sflag:s8] =	ssyncadd.s32 $0xFFFFC000  }
0x131: {  	[hbm4b:s14+s2] =	stream.linear.scatter [tilespmem:s5], [sflag:$0x2], $0x4000, $0x38;
	[tilespmem:$0x18C00] =	vst v63  }
0x132: {  	_ =	swait.ge [sflag:s3], $0x4000  }
0x133: {  	[sflag:s3] =	ssyncset.done $0x0  }
0x134: {  	[sflag:s3] =	ssyncadd.s32 $0xFFFFC000  }
0x135: {  	[tilespmem:s5], [sflag:$0x1] =	stream.indirect.gather [hbm4b:s13+s12], $0x80, s29, s12, $0xb8;
	[tilespmem:$0x18C00] =	vst v63  }
0x136: {  	_ =	swait.ge [sflag:s8], $0x4000  }
0x137: {  	[sflag:s8] =	ssyncset.done $0x0  }
0x138: {  	s14 =	rddreg [dreg:$0x8];
	[sflag:s8] =	ssyncadd.s32 $0xFFFFC000  }
0x139: {  	[hbm4b:s14+s2] =	stream.linear.scatter [tilespmem:s11], [sflag:$0x2], $0x4000, $0x38;
	[tilespmem:$0x18C00] =	vst v63  }
0x13a: {  	_ =	swait.ge [sflag:s3], $0x4000  }
0x13b: {  	[sflag:s3] =	ssyncset.done $0x0  }
0x13c: {  	[sflag:s3] =	ssyncadd.s32 $0xFFFFC000  }
0x13d: {  	[tilespmem:s11], [sflag:$0x1] =	stream.indirect.gather [hbm4b:s13+s12], $0x80, s28, s12, $0xb8;
	[tilespmem:$0x18C00] =	vst v63  }
0x13e: {  	_ =	swait.ge [sflag:s8], $0x4000  }
0x13f: {  	[sflag:s8] =	ssyncset.done $0x0  }
0x140: {  	s14 =	rddreg [dreg:$0x9];
	[sflag:s8] =	ssyncadd.s32 $0xFFFFC000  }
0x141: {  	[hbm4b:s14+s2] =	stream.linear.scatter [tilespmem:s10], [sflag:$0x2], $0x4000, $0x38;
	[tilespmem:$0x18C00] =	vst v63  }
0x142: {  	_ =	swait.ge [sflag:s3], $0x4000  }
0x143: {  	[sflag:s3] =	ssyncset.done $0x0  }
0x144: {  	[sflag:s3] =	ssyncadd.s32 $0xFFFFC000  }
0x145: {  	[tilespmem:s10], [sflag:$0x1] =	stream.indirect.gather [hbm4b:s13+s12], $0x80, s26, s12, $0xb8;
	[tilespmem:$0x18C00] =	vst v63  }
0x146: {  	_ =	swait.ge [sflag:s8], $0x4000  }
0x147: {  	[sflag:s8] =	ssyncset.done $0x0  }
0x148: {  	s14 =	rddreg [dreg:$0xa];
	[sflag:s8] =	ssyncadd.s32 $0xFFFFC000  }
0x149: {  	[hbm4b:s14+s2] =	stream.linear.scatter [tilespmem:s9], [sflag:$0x2], $0x4000, $0x38;
	[tilespmem:$0x18C00] =	vst v63  }
0x14a: {  	_ =	swait.ge [sflag:s3], $0x4000  }
0x14b: {  	[sflag:s3] =	ssyncset.done $0x0  }
0x14c: {  	[sflag:s3] =	ssyncadd.s32 $0xFFFFC000  }
0x14d: {  	[tilespmem:s9], [sflag:$0x1] =	stream.indirect.gather [hbm4b:s13+s12], $0x80, s25, s12, $0xb8;
	[tilespmem:$0x18C00] =	vst v63  }
0x14e: {  	_ =	swait.ge [sflag:s8], $0x4000  }
0x14f: {  	[sflag:s8] =	ssyncset.done $0x0  }
0x150: {  	s14 =	rddreg [dreg:$0xb];
	[sflag:s8] =	ssyncadd.s32 $0xFFFFC000  }
0x151: {  	[hbm4b:s14+s2] =	stream.linear.scatter [tilespmem:s7], [sflag:$0x2], $0x4000, $0x38;
	[tilespmem:$0x18C00] =	vst v63  }
0x152: {  	_ =	swait.ge [sflag:s3], $0x4000  }
0x153: {  	[sflag:s3] =	ssyncset.done $0x0  }
0x154: {  	[sflag:s3] =	ssyncadd.s32 $0xFFFFC000  }
0x155: {  	[tilespmem:s7], [sflag:$0x1] =	stream.indirect.gather [hbm4b:s13+s12], $0x80, s24, s12, $0xb8;
	[tilespmem:$0x18C00] =	vst v63  }
0x156: {  	_ =	swait.ge [sflag:s8], $0x4000  }
0x157: {  	[sflag:s8] =	ssyncset.done $0x0  }
0x158: {  	s14 =	rddreg [dreg:$0xc];
	[sflag:s8] =	ssyncadd.s32 $0xFFFFC000  }
0x159: {  	[hbm4b:s14+s2] =	stream.linear.scatter [tilespmem:s6], [sflag:$0x2], $0x4000, $0x38;
	[tilespmem:$0x18C00] =	vst v63  }
0x15a: {  	_ =	swait.ge [sflag:s3], $0x4000  }
0x15b: {  	[sflag:s3] =	ssyncset.done $0x0  }
0x15c: {  	[sflag:s3] =	ssyncadd.s32 $0xFFFFC000  }
0x15d: {  	[tilespmem:s6], [sflag:$0x1] =	stream.indirect.gather [hbm4b:s13+s12], $0x80, s22, s12, $0xb8;
	[tilespmem:$0x18C00] =	vst v63  }
0x15e: {  	_ =	swait.ge [sflag:s8], $0x4000  }
0x15f: {  	[sflag:s8] =	ssyncset.done $0x0  }
0x160: {  	s14 =	rddreg [dreg:$0xd];
	[sflag:s8] =	ssyncadd.s32 $0xFFFFC000  }
0x161: {  	[hbm4b:s14+s2] =	stream.linear.scatter [tilespmem:s5], [sflag:$0x2], $0x4000, $0x38;
	[tilespmem:$0x18C00] =	vst v63  }
0x162: {  	_ =	swait.ge [sflag:s3], $0x4000  }
0x163: {  	[sflag:s3] =	ssyncset.done $0x0  }
0x164: {  	[sflag:s3] =	ssyncadd.s32 $0xFFFFC000  }
0x165: {  	[tilespmem:s5], [sflag:$0x1] =	stream.indirect.gather [hbm4b:s13+s12], $0x80, s21, s12, $0xb8;
	[tilespmem:$0x18C00] =	vst v63  }
0x166: {  	_ =	swait.ge [sflag:s8], $0x4000  }
0x167: {  	[sflag:s8] =	ssyncset.done $0x0  }
0x168: {  	s14 =	rddreg [dreg:$0xe];
	[sflag:s8] =	ssyncadd.s32 $0xFFFFC000  }
0x169: {  	[hbm4b:s14+s2] =	stream.linear.scatter [tilespmem:s11], [sflag:$0x2], $0x4000, $0x38;
	[tilespmem:$0x18C00] =	vst v63  }
0x16a: {  	_ =	swait.ge [sflag:s3], $0x4000  }
0x16b: {  	[sflag:s3] =	ssyncset.done $0x0  }
0x16c: {  	[sflag:s3] =	ssyncadd.s32 $0xFFFFC000  }
0x16d: {  	[tilespmem:s11], [sflag:$0x1] =	stream.indirect.gather [hbm4b:s13+s12], $0x80, s20, s12, $0xb8;
	[tilespmem:$0x18C00] =	vst v63  }
0x16e: {  	_ =	swait.ge [sflag:s8], $0x4000  }
0x16f: {  	[sflag:s8] =	ssyncset.done $0x0  }
0x170: {  	s14 =	rddreg [dreg:$0xf];
	[sflag:s8] =	ssyncadd.s32 $0xFFFFC000  }
0x171: {  	[hbm4b:s14+s2] =	stream.linear.scatter [tilespmem:s10], [sflag:$0x2], $0x4000, $0x38;
	[tilespmem:$0x18C00] =	vst v63  }
0x172: {  	_ =	swait.ge [sflag:s3], $0x4000  }
0x173: {  	[sflag:s3] =	ssyncset.done $0x0  }
0x174: {  	[sflag:s3] =	ssyncadd.s32 $0xFFFFC000  }
0x175: {  	[tilespmem:s10], [sflag:$0x1] =	stream.indirect.gather [hbm4b:s13+s12], $0x80, s19, s12, $0xb8;
	[tilespmem:$0x18C00] =	vst v63  }
0x176: {  	_ =	swait.ge [sflag:s8], $0x4000  }
0x177: {  	[sflag:s8] =	ssyncset.done $0x0  }
0x178: {  	s14 =	rddreg [dreg:$0x10];
	[sflag:s8] =	ssyncadd.s32 $0xFFFFC000  }
0x179: {  	[hbm4b:s14+s2] =	stream.linear.scatter [tilespmem:s9], [sflag:$0x2], $0x4000, $0x38;
	[tilespmem:$0x18C00] =	vst v63  }
0x17a: {  	_ =	swait.ge [sflag:s3], $0x4000  }
0x17b: {  	[sflag:s3] =	ssyncset.done $0x0  }
0x17c: {  	[sflag:s3] =	ssyncadd.s32 $0xFFFFC000  }
0x17d: {  	[tilespmem:s9], [sflag:$0x1] =	stream.indirect.gather [hbm4b:s4+s12], $0x80, s18, s12, $0xb8;
	[tilespmem:$0x18C00] =	vst v63  }
0x17e: {  	_ =	swait.ge [sflag:s8], $0x4000  }
0x17f: {  	[sflag:s8] =	ssyncset.done $0x0  }
0x180: {  	s14 =	rddreg [dreg:$0x11];
	[sflag:s8] =	ssyncadd.s32 $0xFFFFC000  }
0x181: {  	[hbm4b:s14+s2] =	stream.linear.scatter [tilespmem:s7], [sflag:$0x2], $0x4000, $0x38;
	[tilespmem:$0x18C00] =	vst v63  }
0x182: {  	_ =	swait.ge [sflag:s3], $0x4000  }
0x183: {  	[sflag:s3] =	ssyncset.done $0x0  }
0x184: {  	[sflag:s3] =	ssyncadd.s32 $0xFFFFC000  }
0x185: {  	[tilespmem:s7], [sflag:$0x1] =	stream.indirect.gather [hbm4b:s4+s12], $0x80, s17, s12, $0xb8;
	[tilespmem:$0x18C00] =	vst v63  }
0x186: {  	_ =	swait.ge [sflag:s8], $0x4000  }
0x187: {  	[sflag:s8] =	ssyncset.done $0x0  }
0x188: {  	s14 =	rddreg [dreg:$0x12];
	[sflag:s8] =	ssyncadd.s32 $0xFFFFC000  }
0x189: {  	[hbm4b:s14+s2] =	stream.linear.scatter [tilespmem:s6], [sflag:$0x2], $0x4000, $0x38;
	[tilespmem:$0x18C00] =	vst v63  }
0x18a: {  	_ =	swait.ge [sflag:s3], $0x4000  }
0x18b: {  	[sflag:s3] =	ssyncset.done $0x0  }
0x18c: {  	[sflag:s3] =	ssyncadd.s32 $0xFFFFC000  }
0x18d: {  	[tilespmem:s6], [sflag:$0x1] =	stream.indirect.gather [hbm4b:s4+s12], $0x80, s16, s12, $0xb8;
	[tilespmem:$0x18C00] =	vst v63  }
0x18e: {  	_ =	swait.ge [sflag:s8], $0x4000  }
0x18f: {  	[sflag:s8] =	ssyncset.done $0x0  }
0x190: {  	s14 =	rddreg [dreg:$0x13];
	[sflag:s8] =	ssyncadd.s32 $0xFFFFC000  }
0x191: {  	[hbm4b:s14+s2] =	stream.linear.scatter [tilespmem:s5], [sflag:$0x2], $0x4000, $0x38;
	[tilespmem:$0x18C00] =	vst v63  }
0x192: {  	_ =	swait.ge [sflag:s3], $0x4000  }
0x193: {  	[sflag:s3] =	ssyncset.done $0x0  }
0x194: {  	[sflag:s3] =	ssyncadd.s32 $0xFFFFC000  }
0x195: {  	[tilespmem:s5], [sflag:$0x1] =	stream.indirect.gather [hbm4b:s4+s12], $0x80, s15, s12, $0xb8;
	[tilespmem:$0x18C00] =	vst v63  }
0x196: {  	_ =	swait.ge [sflag:s8], $0x4000  }
0x197: {  	[sflag:s8] =	ssyncset.done $0x0  }
0x198: {  	s14 =	rddreg [dreg:$0x14];
	[sflag:s8] =	ssyncadd.s32 $0xFFFFC000  }
0x199: {  	[hbm4b:s14+s2] =	stream.linear.scatter [tilespmem:s11], [sflag:$0x2], $0x4000, $0x38;
	[tilespmem:$0x18C00] =	vst v63  }
0x19a: {  	_ =	swait.ge [sflag:s8], $0x4000  }
0x19b: {  	[sflag:s8] =	ssyncset.done $0x0  }
0x19c: {  	s14 =	rddreg [dreg:$0x15];
	[sflag:s8] =	ssyncadd.s32 $0xFFFFC000  }
0x19d: {  	[hbm4b:s14+s2] =	stream.linear.scatter [tilespmem:s10], [sflag:$0x2], $0x4000, $0x38;
	[tilespmem:$0x18C00] =	vst v63  }
0x19e: {  	_ =	swait.ge [sflag:s8], $0x4000  }
0x19f: {  	[sflag:s8] =	ssyncset.done $0x0  }
0x1a0: {  	s14 =	rddreg [dreg:$0x16];
	[sflag:s8] =	ssyncadd.s32 $0xFFFFC000  }
0x1a1: {  	[hbm4b:s14+s2] =	stream.linear.scatter [tilespmem:s9], [sflag:$0x2], $0x4000, $0x38;
	[tilespmem:$0x18C00] =	vst v63  }
0x1a2: {  	_ =	swait.ge [sflag:s8], $0x4000  }
0x1a3: {  	[sflag:s8] =	ssyncset.done $0x0  }
0x1a4: {  	s14 =	rddreg [dreg:$0x17];
	[sflag:s8] =	ssyncadd.s32 $0xFFFFC000  }
0x1a5: {  	[hbm4b:s14+s2] =	stream.linear.scatter [tilespmem:s7], [sflag:$0x2], $0x4000, $0x38;
	[tilespmem:$0x18C00] =	vst v63  }
0x1a6: {  	_ =	swait.ge [sflag:s8], $0x4000  }
0x1a7: {  	[sflag:s8] =	ssyncset.done $0x0  }
0x1a8: {  	s14 =	rddreg [dreg:$0x18];
	[sflag:s8] =	ssyncadd.s32 $0xFFFFC000  }
0x1a9: {  	[hbm4b:s14+s2] =	stream.linear.scatter [tilespmem:s6], [sflag:$0x2], $0x4000, $0x38;
	[tilespmem:$0x18C00] =	vst v63  }
0x1aa: {  	_ =	swait.ge [sflag:s8], $0x4000  }
0x1ab: {  	[sflag:s8] =	ssyncset.done $0x0  }
0x1ac: {  	s14 =	rddreg [dreg:$0x19];
	[sflag:s8] =	ssyncadd.s32 $0xFFFFC000  }
0x1ad: {  	[hbm4b:s14+s2] =	stream.linear.scatter [tilespmem:s5], [sflag:$0x2], $0x4000, $0x38;
	[tilespmem:$0x18C00] =	vst v63  }
0x1ae: {  	_ =	swait.ge [sflag:s3], $0x4000  }
0x1af: {  	[sflag:s3] =	ssyncset.done $0x0  }
0x1b0: {  	[sflag:s3] =	ssyncadd.s32 $0xFFFFC000  }
0x1b1: {  	_ =	swait.ge [sflag:s3], $0x4000  }
0x1b2: {  	[sflag:s3] =	ssyncset.done $0x0  }
0x1b3: {  	[sflag:s3] =	ssyncadd.s32 $0xFFFFC000  }
0x1b4: {  	_ =	swait.ge [sflag:s3], $0x4000  }
0x1b5: {  	[sflag:s3] =	ssyncset.done $0x0  }
0x1b6: {  	[sflag:s3] =	ssyncadd.s32 $0xFFFFC000  }
0x1b7: {  	_ =	swait.ge [sflag:s3], $0x4000  }
0x1b8: {  	[sflag:s3] =	ssyncset.done $0x0  }
0x1b9: {  	p1 =	sne.s32 s1, $0x1;
	[sflag:s3] =	ssyncadd.s32 $0xFFFFC000  }
.Ltmp2:
0x1ba: {  	_ =	swait.ge [sflag:s3], $0x4000;
	(pc) =	sbr.rel @p1 .LBB2_4-.Ltmp2, $4  }
0x1bb: {  	[sflag:s3] =	ssyncset.done $0x0  }
0x1bc: {  	[sflag:s3] =	ssyncadd.s32 $0xFFFFC000  }
0x1bd: {  	_ =	swait.ge [sflag:s3], $0x4000  }
0x1be: {  	s1 =	sadd.s32 $0xFFFFFFFF, s1;
	s0 =	rddreg [dreg:$0x2];
	[sflag:s3] =	ssyncset.done $0x0  }
0x1bf: {  	s15 =	simm.s32 $0x480;
	s30 =	simm.s32 $0x500;
	s29 =	simm.s32 $0x580  }
0x1c0: {  	s28 =	simm.s32 $0x600;
	s26 =	simm.s32 $0x680;
	s25 =	simm.s32 $0x700  }
0x1c1: {  	s24 =	simm.s32 $0x780;
	s22 =	simm.s32 $0x800;
	s21 =	simm.s32 $0x880  }
0x1c2: {  	s20 =	simm.s32 $0x900;
	s19 =	simm.s32 $0x980;
	s18 =	simm.s32 $0xA00  }
0x1c3: {  	s17 =	simm.s32 $0xA80;
	s16 =	simm.s32 $0xB00;
	s14 =	stileid.u32  }
.LBB2_6:
0x1c4: {  	[sflag:s3] =	ssyncadd.s32 @p0 $0xFFFFC000  }
0x1c5: {  	[tilespmem:s2], [sflag:$0x3] =	stream.linear.gather [hbm4b:s0+s2], $0xC00, $0x38;
	[tilespmem:$0x18C00] =	vst v63  }
0x1c6: {  	_ =	swait.ge [sflag:s31], $0xC00  }
0x1c7: {  	[sflag:s31] =	ssyncset.done $0x0  }
0x1c8: {  	[sflag:s31] =	ssyncadd.s32 $0xFFFFF400  }
0x1c9: {  	[tilespmem:s11], [sflag:$0x1] =	stream.indirect.gather [hbm4b:s13+s12], $0x80, s2, s12, $0xb8;
	[tilespmem:$0x18C00] =	vst v63  }
0x1ca: {  	_ = 	snop  }
0x1cb: {  	[tilespmem:s10], [sflag:$0x1] =	stream.indirect.gather [hbm4b:s13+s12], $0x80, s12, s12, $0xb8;
	[tilespmem:$0x18C00] =	vst v63  }
0x1cc: {  	s31 =	rddreg [dreg:$0x1a]  }
0x1cd: {  	[tilespmem:s9], [sflag:$0x1] =	stream.indirect.gather [hbm4b:s13+s12], $0x80, s31, s12, $0xb8;
	[tilespmem:$0x18C00] =	vst v63  }
0x1ce: {  	s1 =	rddreg [dreg:$0x1b]  }
0x1cf: {  	[tilespmem:s7], [sflag:$0x1] =	stream.indirect.gather [hbm4b:s13+s12], $0x80, s1, s12, $0xb8;
	[tilespmem:$0x18C00] =	vst v63  }
0x1d0: {  	s0 =	rddreg [dreg:$0x1c]  }
0x1d1: {  	[tilespmem:s6], [sflag:$0x1] =	stream.indirect.gather [hbm4b:s13+s12], $0x80, s0, s12, $0xb8;
	[tilespmem:$0x18C00] =	vst v63  }
0x1d2: {  	s31 =	rddreg [dreg:$0x1d]  }
0x1d3: {  	[tilespmem:s5], [sflag:$0x1] =	stream.indirect.gather [hbm4b:s13+s12], $0x80, s31, s12, $0xb8;
	[tilespmem:$0x18C00] =	vst v63  }
0x1d4: {  	_ =	swait.ge [sflag:s8], $0x4000  }
0x1d5: {  	[sflag:s8] =	ssyncset.done $0x0  }
0x1d6: {  	[sflag:s8] =	ssyncadd.s32 $0xFFFFC000  }
0x1d7: {  	[hbm4b:s23+s2] =	stream.linear.scatter [tilespmem:s11], [sflag:$0x2], $0x4000, $0x38;
	[tilespmem:$0x18C00] =	vst v63  }
0x1d8: {  	_ =	swait.ge [sflag:s3], $0x4000  }
0x1d9: {  	[sflag:s3] =	ssyncset.done $0x0  }
0x1da: {  	s31 =	rddreg [dreg:$0x1e];
	[sflag:s3] =	ssyncadd.s32 $0xFFFFC000  }
0x1db: {  	[tilespmem:s11], [sflag:$0x1] =	stream.indirect.gather [hbm4b:s13+s12], $0x80, s31, s12, $0xb8;
	[tilespmem:$0x18C00] =	vst v63  }
0x1dc: {  	_ =	swait.ge [sflag:s8], $0x4000  }
0x1dd: {  	[sflag:s8] =	ssyncset.done $0x0  }
0x1de: {  	s1 =	rddreg [dreg:$0x3];
	[sflag:s8] =	ssyncadd.s32 $0xFFFFC000  }
0x1df: {  	[hbm4b:s1+s2] =	stream.linear.scatter [tilespmem:s10], [sflag:$0x2], $0x4000, $0x38;
	[tilespmem:$0x18C00] =	vst v63  }
0x1e0: {  	_ =	swait.ge [sflag:s3], $0x4000  }
0x1e1: {  	[sflag:s3] =	ssyncset.done $0x0  }
0x1e2: {  	s23 =	rddreg [dreg:$0x1f];
	[sflag:s3] =	ssyncadd.s32 $0xFFFFC000  }
0x1e3: {  	[tilespmem:s10], [sflag:$0x1] =	stream.indirect.gather [hbm4b:s13+s12], $0x80, s23, s12, $0xb8;
	[tilespmem:$0x18C00] =	vst v63  }
0x1e4: {  	_ =	swait.ge [sflag:s8], $0x4000  }
0x1e5: {  	[sflag:s8] =	ssyncset.done $0x0  }
0x1e6: {  	s31 =	rddreg [dreg:$0x4];
	[sflag:s8] =	ssyncadd.s32 $0xFFFFC000  }
0x1e7: {  	[hbm4b:s31+s2] =	stream.linear.scatter [tilespmem:s9], [sflag:$0x2], $0x4000, $0x38;
	[tilespmem:$0x18C00] =	vst v63  }
0x1e8: {  	_ =	swait.ge [sflag:s3], $0x4000  }
0x1e9: {  	s1 =	sld [smem:$0x7FD]  }
0x1ea: {  	[sflag:s3] =	ssyncset.done $0x0  }
0x1eb: {  	[sflag:s3] =	ssyncadd.s32 $0xFFFFC000  }
0x1ec: {  	[tilespmem:s9], [sflag:$0x1] =	stream.indirect.gather [hbm4b:s13+s12], $0x80, s1, s12, $0xb8;
	[tilespmem:$0x18C00] =	vst v63  }
0x1ed: {  	_ =	swait.ge [sflag:s8], $0x4000  }
0x1ee: {  	[sflag:s8] =	ssyncset.done $0x0  }
0x1ef: {  	s23 =	rddreg [dreg:$0x5];
	[sflag:s8] =	ssyncadd.s32 $0xFFFFC000  }
0x1f0: {  	[hbm4b:s23+s2] =	stream.linear.scatter [tilespmem:s7], [sflag:$0x2], $0x4000, $0x38;
	[tilespmem:$0x18C00] =	vst v63  }
0x1f1: {  	_ =	swait.ge [sflag:s3], $0x4000  }
0x1f2: {  	[sflag:s3] =	ssyncset.done $0x0  }
0x1f3: {  	[sflag:s3] =	ssyncadd.s32 $0xFFFFC000  }
0x1f4: {  	[tilespmem:s7], [sflag:$0x1] =	stream.indirect.gather [hbm4b:s13+s12], $0x80, s15, s12, $0xb8;
	[tilespmem:$0x18C00] =	vst v63  }
0x1f5: {  	_ =	swait.ge [sflag:s8], $0x4000  }
0x1f6: {  	[sflag:s8] =	ssyncset.done $0x0  }
0x1f7: {  	s31 =	rddreg [dreg:$0x6];
	[sflag:s8] =	ssyncadd.s32 $0xFFFFC000  }
0x1f8: {  	[hbm4b:s31+s2] =	stream.linear.scatter [tilespmem:s6], [sflag:$0x2], $0x4000, $0x38;
	[tilespmem:$0x18C00] =	vst v63  }
0x1f9: {  	_ =	swait.ge [sflag:s3], $0x4000  }
0x1fa: {  	[sflag:s3] =	ssyncset.done $0x0  }
0x1fb: {  	[sflag:s3] =	ssyncadd.s32 $0xFFFFC000  }
0x1fc: {  	[tilespmem:s6], [sflag:$0x1] =	stream.indirect.gather [hbm4b:s13+s12], $0x80, s30, s12, $0xb8;
	[tilespmem:$0x18C00] =	vst v63  }
0x1fd: {  	_ =	swait.ge [sflag:s8], $0x4000  }
0x1fe: {  	[sflag:s8] =	ssyncset.done $0x0  }
0x1ff: {  	s1 =	rddreg [dreg:$0x7];
	[sflag:s8] =	ssyncadd.s32 $0xFFFFC000  }
0x200: {  	[hbm4b:s1+s2] =	stream.linear.scatter [tilespmem:s5], [sflag:$0x2], $0x4000, $0x38;
	[tilespmem:$0x18C00] =	vst v63  }
0x201: {  	_ =	swait.ge [sflag:s3], $0x4000  }
0x202: {  	[sflag:s3] =	ssyncset.done $0x0  }
0x203: {  	[sflag:s3] =	ssyncadd.s32 $0xFFFFC000  }
0x204: {  	[tilespmem:s5], [sflag:$0x1] =	stream.indirect.gather [hbm4b:s13+s12], $0x80, s29, s12, $0xb8;
	[tilespmem:$0x18C00] =	vst v63  }
0x205: {  	_ =	swait.ge [sflag:s8], $0x4000  }
0x206: {  	[sflag:s8] =	ssyncset.done $0x0  }
0x207: {  	s15 =	rddreg [dreg:$0x8];
	[sflag:s8] =	ssyncadd.s32 $0xFFFFC000  }
0x208: {  	[hbm4b:s15+s2] =	stream.linear.scatter [tilespmem:s11], [sflag:$0x2], $0x4000, $0x38;
	[tilespmem:$0x18C00] =	vst v63  }
0x209: {  	_ =	swait.ge [sflag:s3], $0x4000  }
0x20a: {  	[sflag:s3] =	ssyncset.done $0x0  }
0x20b: {  	[sflag:s3] =	ssyncadd.s32 $0xFFFFC000  }
0x20c: {  	[tilespmem:s11], [sflag:$0x1] =	stream.indirect.gather [hbm4b:s13+s12], $0x80, s28, s12, $0xb8;
	[tilespmem:$0x18C00] =	vst v63  }
0x20d: {  	_ =	swait.ge [sflag:s8], $0x4000  }
0x20e: {  	[sflag:s8] =	ssyncset.done $0x0  }
0x20f: {  	s23 =	rddreg [dreg:$0x9];
	[sflag:s8] =	ssyncadd.s32 $0xFFFFC000  }
0x210: {  	[hbm4b:s23+s2] =	stream.linear.scatter [tilespmem:s10], [sflag:$0x2], $0x4000, $0x38;
	[tilespmem:$0x18C00] =	vst v63  }
0x211: {  	_ =	swait.ge [sflag:s3], $0x4000  }
0x212: {  	[sflag:s3] =	ssyncset.done $0x0  }
0x213: {  	[sflag:s3] =	ssyncadd.s32 $0xFFFFC000  }
0x214: {  	[tilespmem:s10], [sflag:$0x1] =	stream.indirect.gather [hbm4b:s13+s12], $0x80, s26, s12, $0xb8;
	[tilespmem:$0x18C00] =	vst v63  }
0x215: {  	_ =	swait.ge [sflag:s8], $0x4000  }
0x216: {  	[sflag:s8] =	ssyncset.done $0x0  }
0x217: {  	s28 =	rddreg [dreg:$0xa];
	[sflag:s8] =	ssyncadd.s32 $0xFFFFC000  }
0x218: {  	[hbm4b:s28+s2] =	stream.linear.scatter [tilespmem:s9], [sflag:$0x2], $0x4000, $0x38;
	[tilespmem:$0x18C00] =	vst v63  }
0x219: {  	_ =	swait.ge [sflag:s3], $0x4000  }
0x21a: {  	[sflag:s3] =	ssyncset.done $0x0  }
0x21b: {  	[sflag:s3] =	ssyncadd.s32 $0xFFFFC000  }
0x21c: {  	[tilespmem:s9], [sflag:$0x1] =	stream.indirect.gather [hbm4b:s13+s12], $0x80, s25, s12, $0xb8;
	[tilespmem:$0x18C00] =	vst v63  }
0x21d: {  	_ =	swait.ge [sflag:s8], $0x4000  }
0x21e: {  	[sflag:s8] =	ssyncset.done $0x0  }
0x21f: {  	s29 =	rddreg [dreg:$0xb];
	[sflag:s8] =	ssyncadd.s32 $0xFFFFC000  }
0x220: {  	[hbm4b:s29+s2] =	stream.linear.scatter [tilespmem:s7], [sflag:$0x2], $0x4000, $0x38;
	[tilespmem:$0x18C00] =	vst v63  }
0x221: {  	_ =	swait.ge [sflag:s3], $0x4000  }
0x222: {  	[sflag:s3] =	ssyncset.done $0x0  }
0x223: {  	[sflag:s3] =	ssyncadd.s32 $0xFFFFC000  }
0x224: {  	[tilespmem:s7], [sflag:$0x1] =	stream.indirect.gather [hbm4b:s13+s12], $0x80, s24, s12, $0xb8;
	[tilespmem:$0x18C00] =	vst v63  }
0x225: {  	_ =	swait.ge [sflag:s8], $0x4000  }
0x226: {  	[sflag:s8] =	ssyncset.done $0x0  }
0x227: {  	s30 =	rddreg [dreg:$0xc];
	[sflag:s8] =	ssyncadd.s32 $0xFFFFC000  }
0x228: {  	[hbm4b:s30+s2] =	stream.linear.scatter [tilespmem:s6], [sflag:$0x2], $0x4000, $0x38;
	[tilespmem:$0x18C00] =	vst v63  }
0x229: {  	_ =	swait.ge [sflag:s3], $0x4000  }
0x22a: {  	[sflag:s3] =	ssyncset.done $0x0  }
0x22b: {  	[sflag:s3] =	ssyncadd.s32 $0xFFFFC000  }
0x22c: {  	[tilespmem:s6], [sflag:$0x1] =	stream.indirect.gather [hbm4b:s13+s12], $0x80, s22, s12, $0xb8;
	[tilespmem:$0x18C00] =	vst v63  }
0x22d: {  	_ =	swait.ge [sflag:s8], $0x4000  }
0x22e: {  	[sflag:s8] =	ssyncset.done $0x0  }
0x22f: {  	s31 =	rddreg [dreg:$0xd];
	[sflag:s8] =	ssyncadd.s32 $0xFFFFC000  }
0x230: {  	[hbm4b:s31+s2] =	stream.linear.scatter [tilespmem:s5], [sflag:$0x2], $0x4000, $0x38;
	[tilespmem:$0x18C00] =	vst v63  }
0x231: {  	_ =	swait.ge [sflag:s3], $0x4000  }
0x232: {  	[sflag:s3] =	ssyncset.done $0x0  }
0x233: {  	[sflag:s3] =	ssyncadd.s32 $0xFFFFC000  }
0x234: {  	[tilespmem:s5], [sflag:$0x1] =	stream.indirect.gather [hbm4b:s13+s12], $0x80, s21, s12, $0xb8;
	[tilespmem:$0x18C00] =	vst v63  }
0x235: {  	_ =	swait.ge [sflag:s8], $0x4000  }
0x236: {  	[sflag:s8] =	ssyncset.done $0x0  }
0x237: {  	s1 =	rddreg [dreg:$0xe];
	[sflag:s8] =	ssyncadd.s32 $0xFFFFC000  }
0x238: {  	[hbm4b:s1+s2] =	stream.linear.scatter [tilespmem:s11], [sflag:$0x2], $0x4000, $0x38;
	[tilespmem:$0x18C00] =	vst v63  }
0x239: {  	_ =	swait.ge [sflag:s3], $0x4000  }
0x23a: {  	[sflag:s3] =	ssyncset.done $0x0  }
0x23b: {  	[sflag:s3] =	ssyncadd.s32 $0xFFFFC000  }
0x23c: {  	[tilespmem:s11], [sflag:$0x1] =	stream.indirect.gather [hbm4b:s13+s12], $0x80, s20, s12, $0xb8;
	[tilespmem:$0x18C00] =	vst v63  }
0x23d: {  	_ =	swait.ge [sflag:s8], $0x4000  }
0x23e: {  	[sflag:s8] =	ssyncset.done $0x0  }
0x23f: {  	s15 =	rddreg [dreg:$0xf];
	[sflag:s8] =	ssyncadd.s32 $0xFFFFC000  }
0x240: {  	[hbm4b:s15+s2] =	stream.linear.scatter [tilespmem:s10], [sflag:$0x2], $0x4000, $0x38;
	[tilespmem:$0x18C00] =	vst v63  }
0x241: {  	_ =	swait.ge [sflag:s3], $0x4000  }
0x242: {  	[sflag:s3] =	ssyncset.done $0x0  }
0x243: {  	[sflag:s3] =	ssyncadd.s32 $0xFFFFC000  }
0x244: {  	[tilespmem:s10], [sflag:$0x1] =	stream.indirect.gather [hbm4b:s13+s12], $0x80, s19, s12, $0xb8;
	[tilespmem:$0x18C00] =	vst v63  }
0x245: {  	_ =	swait.ge [sflag:s8], $0x4000  }
0x246: {  	[sflag:s8] =	ssyncset.done $0x0  }
0x247: {  	s20 =	rddreg [dreg:$0x10];
	[sflag:s8] =	ssyncadd.s32 $0xFFFFC000  }
0x248: {  	[hbm4b:s20+s2] =	stream.linear.scatter [tilespmem:s9], [sflag:$0x2], $0x4000, $0x38;
	[tilespmem:$0x18C00] =	vst v63  }
0x249: {  	_ =	swait.ge [sflag:s3], $0x4000  }
0x24a: {  	[sflag:s3] =	ssyncset.done $0x0  }
0x24b: {  	[sflag:s3] =	ssyncadd.s32 $0xFFFFC000  }
0x24c: {  	[tilespmem:s9], [sflag:$0x1] =	stream.indirect.gather [hbm4b:s4+s12], $0x80, s18, s12, $0xb8;
	[tilespmem:$0x18C00] =	vst v63  }
0x24d: {  	_ =	swait.ge [sflag:s8], $0x4000  }
0x24e: {  	[sflag:s8] =	ssyncset.done $0x0  }
0x24f: {  	s21 =	rddreg [dreg:$0x11];
	[sflag:s8] =	ssyncadd.s32 $0xFFFFC000  }
0x250: {  	[hbm4b:s21+s2] =	stream.linear.scatter [tilespmem:s7], [sflag:$0x2], $0x4000, $0x38;
	[tilespmem:$0x18C00] =	vst v63  }
0x251: {  	_ =	swait.ge [sflag:s3], $0x4000  }
0x252: {  	[sflag:s3] =	ssyncset.done $0x0  }
0x253: {  	[sflag:s3] =	ssyncadd.s32 $0xFFFFC000  }
0x254: {  	[tilespmem:s7], [sflag:$0x1] =	stream.indirect.gather [hbm4b:s4+s12], $0x80, s17, s12, $0xb8;
	[tilespmem:$0x18C00] =	vst v63  }
0x255: {  	_ =	swait.ge [sflag:s8], $0x4000  }
0x256: {  	[sflag:s8] =	ssyncset.done $0x0  }
0x257: {  	s22 =	rddreg [dreg:$0x12];
	[sflag:s8] =	ssyncadd.s32 $0xFFFFC000  }
0x258: {  	[hbm4b:s22+s2] =	stream.linear.scatter [tilespmem:s6], [sflag:$0x2], $0x4000, $0x38;
	[tilespmem:$0x18C00] =	vst v63  }
0x259: {  	_ =	swait.ge [sflag:s3], $0x4000  }
0x25a: {  	[sflag:s3] =	ssyncset.done $0x0  }
0x25b: {  	[sflag:s3] =	ssyncadd.s32 $0xFFFFC000  }
0x25c: {  	[tilespmem:s6], [sflag:$0x1] =	stream.indirect.gather [hbm4b:s4+s12], $0x80, s16, s12, $0xb8;
	[tilespmem:$0x18C00] =	vst v63  }
0x25d: {  	_ =	swait.ge [sflag:s8], $0x4000  }
0x25e: {  	[sflag:s8] =	ssyncset.done $0x0  }
0x25f: {  	s23 =	rddreg [dreg:$0x13];
	[sflag:s8] =	ssyncadd.s32 $0xFFFFC000  }
0x260: {  	[hbm4b:s23+s2] =	stream.linear.scatter [tilespmem:s5], [sflag:$0x2], $0x4000, $0x38;
	[tilespmem:$0x18C00] =	vst v63  }
0x261: {  	_ =	swait.ge [sflag:s3], $0x4000  }
0x262: {  	[sflag:s3] =	ssyncset.done $0x0  }
0x263: {  	s24 =	simm.s32 $0xB80;
	[sflag:s3] =	ssyncadd.s32 $0xFFFFC000  }
0x264: {  	[tilespmem:s5], [sflag:$0x1] =	stream.indirect.gather [hbm4b:s4+s12], $0x80, s24, s12, $0xb8;
	[tilespmem:$0x18C00] =	vst v63  }
0x265: {  	_ =	swait.ge [sflag:s8], $0x4000  }
0x266: {  	[sflag:s8] =	ssyncset.done $0x0  }
0x267: {  	s25 =	rddreg [dreg:$0x14];
	[sflag:s8] =	ssyncadd.s32 $0xFFFFC000  }
0x268: {  	[hbm4b:s25+s2] =	stream.linear.scatter [tilespmem:s11], [sflag:$0x2], $0x4000, $0x38;
	[tilespmem:$0x18C00] =	vst v63  }
0x269: {  	_ =	swait.ge [sflag:s8], $0x4000  }
0x26a: {  	[sflag:s8] =	ssyncset.done $0x0  }
0x26b: {  	s26 =	rddreg [dreg:$0x15];
	[sflag:s8] =	ssyncadd.s32 $0xFFFFC000  }
0x26c: {  	[hbm4b:s26+s2] =	stream.linear.scatter [tilespmem:s10], [sflag:$0x2], $0x4000, $0x38;
	[tilespmem:$0x18C00] =	vst v63  }
0x26d: {  	_ =	swait.ge [sflag:s8], $0x4000  }
0x26e: {  	[sflag:s8] =	ssyncset.done $0x0  }
0x26f: {  	s28 =	rddreg [dreg:$0x16];
	[sflag:s8] =	ssyncadd.s32 $0xFFFFC000  }
0x270: {  	[hbm4b:s28+s2] =	stream.linear.scatter [tilespmem:s9], [sflag:$0x2], $0x4000, $0x38;
	[tilespmem:$0x18C00] =	vst v63  }
0x271: {  	_ =	swait.ge [sflag:s8], $0x4000  }
0x272: {  	[sflag:s8] =	ssyncset.done $0x0  }
0x273: {  	s29 =	rddreg [dreg:$0x17];
	[sflag:s8] =	ssyncadd.s32 $0xFFFFC000  }
0x274: {  	[hbm4b:s29+s2] =	stream.linear.scatter [tilespmem:s7], [sflag:$0x2], $0x4000, $0x38;
	[tilespmem:$0x18C00] =	vst v63  }
0x275: {  	_ =	swait.ge [sflag:s8], $0x4000  }
0x276: {  	[sflag:s8] =	ssyncset.done $0x0  }
0x277: {  	s30 =	rddreg [dreg:$0x18];
	[sflag:s8] =	ssyncadd.s32 $0xFFFFC000  }
0x278: {  	[hbm4b:s30+s2] =	stream.linear.scatter [tilespmem:s6], [sflag:$0x2], $0x4000, $0x38;
	[tilespmem:$0x18C00] =	vst v63  }
0x279: {  	_ =	swait.ge [sflag:s8], $0x4000  }
0x27a: {  	[sflag:s8] =	ssyncset.done $0x0  }
0x27b: {  	s31 =	rddreg [dreg:$0x19];
	[sflag:s8] =	ssyncadd.s32 $0xFFFFC000  }
0x27c: {  	[hbm4b:s31+s2] =	stream.linear.scatter [tilespmem:s5], [sflag:$0x2], $0x4000, $0x38;
	[tilespmem:$0x18C00] =	vst v63  }
0x27d: {  	_ =	swait.ge [sflag:s3], $0x4000  }
0x27e: {  	[sflag:s3] =	ssyncset.done $0x0  }
0x27f: {  	[sflag:s3] =	ssyncadd.s32 $0xFFFFC000  }
0x280: {  	_ =	swait.ge [sflag:s3], $0x4000  }
0x281: {  	[sflag:s3] =	ssyncset.done $0x0  }
0x282: {  	[sflag:s3] =	ssyncadd.s32 $0xFFFFC000  }
0x283: {  	_ =	swait.ge [sflag:s3], $0x4000  }
0x284: {  	[sflag:s3] =	ssyncset.done $0x0  }
0x285: {  	[sflag:s3] =	ssyncadd.s32 $0xFFFFC000  }
0x286: {  	_ =	swait.ge [sflag:s3], $0x4000  }
0x287: {  	[sflag:s3] =	ssyncset.done $0x0  }
0x288: {  	[sflag:s3] =	ssyncadd.s32 $0xFFFFC000  }
0x289: {  	_ =	swait.ge [sflag:s3], $0x4000  }
0x28a: {  	[sflag:s3] =	ssyncset.done $0x0  }
0x28b: {  	[sflag:s3] =	ssyncadd.s32 $0xFFFFC000  }
0x28c: {  	_ =	swait.ge [sflag:s3], $0x4000  }
0x28d: {  	[sflag:s3] =	ssyncset.done $0x0  }
0x28e: {  	[sflag:s3] =	ssyncadd.s32 $0xFFFFC000  }
0x28f: {  	_ =	sfence.sel $0x180000  }
0x290: {  	[bflag:$0x0] =	sbarrier.arrive $0xFFFF  }
0x291: {  	_ =	strace $0x90000047  }
0x292: {  	[bflag:$0x2] =	sbarrier.arrive $0xFFFF  }
0x293: {  	p0 =	sne.s32 s14, $0x0;
	s0 =	rddreg [dreg:$0x1]  }
0x294: {  	s0 =	sadd.s32 @!p0 $0x100000, s0  }
0x295: {  	[sflag:s0] =	ssyncadd.tile.s32 @!p0 $0x1;
	_ =	shalt  }
.LBB2_1:
.Ltmp3:
0x296: {  	s15 =	simm.s32 $0x480;
	s30 =	simm.s32 $0x500;
	(pc) =	sbr.rel .LBB2_6-.Ltmp3, $4  }
0x297: {  	s29 =	simm.s32 $0x580;
	s28 =	simm.s32 $0x600;
	s26 =	simm.s32 $0x680  }
0x298: {  	s25 =	simm.s32 $0x700;
	s24 =	simm.s32 $0x780;
	s22 =	simm.s32 $0x800  }
0x299: {  	s21 =	simm.s32 $0x880;
	s20 =	simm.s32 $0x900;
	s19 =	simm.s32 $0x980  }
0x29a: {  	s18 =	simm.s32 $0xA00;
	s17 =	simm.s32 $0xA80;
	s16 =	simm.s32 $0xB00  }
.LBB2_3:
0x29b: {  	s15 =	simm.s32 $0x480  }
.Ltmp4:
0x29c: {  	s30 =	simm.s32 $0x500;
	s29 =	simm.s32 $0x580;
	(pc) =	sbr.rel .LBB2_6-.Ltmp4, $4  }
0x29d: {  	s28 =	simm.s32 $0x600;
	s26 =	simm.s32 $0x680;
	s25 =	simm.s32 $0x700  }
0x29e: {  	s24 =	simm.s32 $0x780;
	s22 =	simm.s32 $0x800;
	s21 =	simm.s32 $0x880  }
0x29f: {  	s20 =	simm.s32 $0x900;
	s19 =	simm.s32 $0x980;
	s18 =	simm.s32 $0xA00  }
0x2a0: {  	s17 =	simm.s32 $0xA80;
	s16 =	simm.s32 $0xB00;
	s14 =	stileid.u32  }
.Lfunc_end2:
_tile_overlayer_lowered:
.L_overlay_start_2:
0x2a1: {  	(tag) =	ssettag $0x2  }
0x2a2: {  	s0 =	rddreg [dreg:$0x0];
	s2 =	stileid.u32  }
0x2a3: {  	s1 =	rddreg [dreg:$0x1];
	p0 =	sne.s32 s2, $0x0  }
0x2a4: {  	s3 =	rddreg [dreg:$0x2];
	[bflag:$0x3] =	sbarrier.arrive $0xFFFF;
	s2 =	simm.s32 @!p0 $0x1C03  }
0x2a5: {  	[timem:s3], [sflag:s2] =	dma.local @!p0 [hbm:s0], s1  }
0x2a6: {  	s0 =	simm.s32 @!p0 $0x3  }
0x2a7: {  	_ =	swait.ge @!p0 [sflag:s0], s1  }
0x2a8: {  	s1 =	ssub.s32 @!p0 $0x0, s1;
	[sflag:s0] =	ssyncset.done @!p0 $0x0  }
0x2a9: {  	[sflag:s0] =	ssyncadd.s32 @!p0 s1  }
0x2aa: {  	[bflag:$0x3] =	sbarrier.arrive $0xFFFF  }
0x2ab: {  	_ =	shalt  }

</sc_bundles>
